<compile_context>
chip_gen: v7x
topology: tpu7x:2x2x1
jax: 0.10.2.dev20260603
libtpu: 0.0.44.dev20260713+nightly
codegen_flags: <defaults>
</compile_context>

<pallas_src>
import functools

import jax
import jax.numpy as jnp
from jax import lax
from jax.experimental import pallas as pl
from jax.experimental.pallas import tpu as pltpu
from jax.experimental.pallas import tpu_sc as plsc

_N = 10000
_NP = 10240
_NE = 320000
_NEP = 327680
_NW = 32
_EPW = _NEP // _NW
_CH = 128
_NCH = _EPW // _CH
_RPT = _NP // 16
_DW = 16
_F = 128

_mesh = plsc.VectorSubcoreMesh(
    core_axis_name="c", subcore_axis_name="s", num_cores=2, num_subcores=16
)


_DK = 8


def _deg_body(dst_hbm, ones_hbm, zeros_hbm, dd, acc, ones_v, dst_all, sem):
    c = lax.axis_index("c")
    s = lax.axis_index("s")
    wid = s * 2 + c
    row0 = s * _RPT
    pltpu.sync_copy(zeros_hbm, acc.at[pl.ds(row0, _RPT)])
    pltpu.sync_copy(ones_hbm, ones_v)
    pltpu.sync_copy(dst_hbm.at[wid], dst_all)
    plsc.subcore_barrier()

    def body(k, carry):
        for b in range(_DK):
            pltpu.async_copy(ones_v, acc.at[dst_all.at[k * _DK + b]], sem,
                             add=True)
        for b in range(_DK):
            pltpu.make_async_copy(ones_v, acc.at[dst_all.at[0]], sem).wait()
        return carry

    lax.fori_loop(0, _NCH // _DK, body, 0)
    plsc.subcore_barrier()
    pltpu.sync_copy(acc.at[pl.ds(row0, _RPT)],
                    dd.at[pl.ds(c * _NP + row0, _RPT)])


_deg_kernel = functools.partial(
    pl.kernel,
    out_type=jax.ShapeDtypeStruct((2 * _NP, _DW), jnp.float32),
    mesh=_mesh,
    scratch_types=[
        pltpu.VMEM_SHARED((_NP, _DW), jnp.float32),
        pltpu.VMEM((_CH, _DW), jnp.float32),
        pltpu.VMEM((_NCH, _CH), jnp.int32),
        pltpu.SemaphoreType.DMA,
    ],
    compiler_params=pltpu.CompilerParams(use_tc_tiling_on_sc=False),
)(_deg_body)


_NBUF = 4
_H = 64
_EPW2 = _NEP // 16
_NCH2 = _EPW2 // _CH


def _agg_body(xs_hbm, src_hbm, dst_hbm, zeros_hbm, p0, p1,
              acc, xs_s, src_all, dst_all, rows0, rows1,
              sem0, sem1):
    c = lax.axis_index("c")
    s = lax.axis_index("s")
    row0 = s * _RPT
    bufs = (rows0, rows1)
    sems = (sem0, sem1)
    pltpu.sync_copy(zeros_hbm, acc.at[pl.ds(row0, _RPT)])
    pltpu.sync_copy(xs_hbm.at[pl.ds(c * _NP + row0, _RPT)],
                    xs_s.at[pl.ds(row0, _RPT)])
    plsc.subcore_barrier()

    for half in range(2):
        pltpu.sync_copy(src_hbm.at[s * 2 + half], src_all)
        pltpu.sync_copy(dst_hbm.at[s * 2 + half], dst_all)

        for b in range(2):
            pltpu.async_copy(xs_s.at[src_all.at[b]], bufs[b], sems[b])

        def outer(k, carry):
            for b in range(2):
                i = k * 2 + b
                pltpu.make_async_copy(xs_s.at[src_all.at[b]],
                                      bufs[b], sems[b]).wait()
                pltpu.sync_copy(bufs[b], acc.at[dst_all.at[i]], add=True)

                @pl.when(i + 2 < _NCH)
                def _():
                    pltpu.async_copy(xs_s.at[src_all.at[i + 2]],
                                     bufs[b], sems[b])

            return carry

        lax.fori_loop(0, _NCH // 2, outer, 0)

    plsc.subcore_barrier()

    @pl.when(c == 0)
    def _():
        pltpu.sync_copy(acc.at[pl.ds(row0, _RPT)], p0.at[pl.ds(row0, _RPT)])

    @pl.when(c == 1)
    def _():
        pltpu.sync_copy(acc.at[pl.ds(row0, _RPT)], p1.at[pl.ds(row0, _RPT)])


_agg_kernel = functools.partial(
    pl.kernel,
    out_type=[
        jax.ShapeDtypeStruct((_NP, _H), jnp.float32),
        jax.ShapeDtypeStruct((_NP, _H), jnp.float32),
    ],
    mesh=_mesh,
    scratch_types=[
        pltpu.VMEM_SHARED((_NP, _H), jnp.float32),
        pltpu.VMEM_SHARED((_NP, _H), jnp.float32),
        pltpu.VMEM((_NCH, _CH), jnp.int32),
        pltpu.VMEM((_NCH, _CH), jnp.int32),
        pltpu.VMEM((_CH, _H), jnp.float32),
        pltpu.VMEM((_CH, _H), jnp.float32),
        pltpu.SemaphoreType.DMA,
        pltpu.SemaphoreType.DMA,
    ],
    compiler_params=pltpu.CompilerParams(use_tc_tiling_on_sc=False),
)(_agg_body)


_BLK = 1024
_GRID = _NP // _BLK


def _scale_body(d0_ref, d1_ref, x_ref, dinv_ref, xs2_ref):
    deg = d0_ref[:, 0:1] + d1_ref[:, 0:1] + 1.0
    dinv = lax.rsqrt(deg)
    dinv_ref[...] = dinv
    xs = dinv * x_ref[...]
    xs2_ref[0] = xs[:, :_H]
    xs2_ref[1] = xs[:, _H:]


def _scale_call(dd, x_pad):
    return pl.pallas_call(
        _scale_body,
        grid=(_GRID,),
        in_specs=[
            pl.BlockSpec((_BLK, _DW), lambda i: (i, 0)),
            pl.BlockSpec((_BLK, _DW), lambda i: (_GRID + i, 0)),
            pl.BlockSpec((_BLK, _F), lambda i: (i, 0)),
        ],
        out_specs=[
            pl.BlockSpec((_BLK, 1), lambda i: (i, 0)),
            pl.BlockSpec((2, _BLK, _H), lambda i: (0, i, 0)),
        ],
        out_shape=[
            jax.ShapeDtypeStruct((_NP, 1), jnp.float32),
            jax.ShapeDtypeStruct((2, _NP, _H), jnp.float32),
        ],
    )(dd, dd, x_pad)


def _hidden_body(p0_ref, p1_ref, dinv_ref, x_ref, w1_ref, b1_ref,
                 wp_ref, bp_ref, hid_ref, hs2_ref):
    dv = dinv_ref[...]
    x = x_ref[...]
    p = jnp.concatenate([p0_ref[...], p1_ref[...]], axis=1)
    agg = dv * p + dv * dv * x
    h = jnp.dot(agg, w1_ref[...], preferred_element_type=jnp.float32)
    h = jnp.maximum(h + b1_ref[...], 0.0)
    h = h + jnp.dot(x, wp_ref[...], preferred_element_type=jnp.float32)
    h = h + bp_ref[...]
    hid_ref[...] = h
    hs = dv * h
    hs2_ref[0] = hs[:, :_H]
    hs2_ref[1] = hs[:, _H:]


def _hidden_call(p0, p1, dinv, x_pad, W1, b1, W_proj, b_proj):
    full = lambda i: (0, 0)
    return pl.pallas_call(
        _hidden_body,
        grid=(_GRID,),
        in_specs=[
            pl.BlockSpec((_BLK, _H), lambda i: (i, 0)),
            pl.BlockSpec((_BLK, _H), lambda i: (i, 0)),
            pl.BlockSpec((_BLK, 1), lambda i: (i, 0)),
            pl.BlockSpec((_BLK, _F), lambda i: (i, 0)),
            pl.BlockSpec((_F, _F), full),
            pl.BlockSpec((1, _F), full),
            pl.BlockSpec((_F, _F), full),
            pl.BlockSpec((1, _F), full),
        ],
        out_specs=[
            pl.BlockSpec((_BLK, _F), lambda i: (i, 0)),
            pl.BlockSpec((2, _BLK, _H), lambda i: (0, i, 0)),
        ],
        out_shape=[
            jax.ShapeDtypeStruct((_NP, _F), jnp.float32),
            jax.ShapeDtypeStruct((2, _NP, _H), jnp.float32),
        ],
    )(p0, p1, dinv, x_pad, W1, b1, W_proj, b_proj)


def _heads_body(q0_ref, q1_ref, dinv_ref, hid_ref, wm_ref, bm_ref,
                wl_ref, bl_ref, mu_ref, ls_ref):
    dv = dinv_ref[...]
    q = jnp.concatenate([q0_ref[...], q1_ref[...]], axis=1)
    agg = dv * q + dv * dv * hid_ref[...]
    mu_ref[...] = (
        jnp.dot(agg, wm_ref[...], preferred_element_type=jnp.float32)
        + bm_ref[...]
    )
    ls_ref[...] = (
        jnp.dot(agg, wl_ref[...], preferred_element_type=jnp.float32)
        + bl_ref[...]
    )


def _heads_call(q0, q1, dinv, hid, W_mu, b_mu, W_ls, b_ls):
    full = lambda i: (0, 0)
    oc = W_mu.shape[1]
    return pl.pallas_call(
        _heads_body,
        grid=(_GRID,),
        in_specs=[
            pl.BlockSpec((_BLK, _H), lambda i: (i, 0)),
            pl.BlockSpec((_BLK, _H), lambda i: (i, 0)),
            pl.BlockSpec((_BLK, 1), lambda i: (i, 0)),
            pl.BlockSpec((_BLK, _F), lambda i: (i, 0)),
            pl.BlockSpec((_F, oc), full),
            pl.BlockSpec((1, oc), full),
            pl.BlockSpec((_F, oc), full),
            pl.BlockSpec((1, oc), full),
        ],
        out_specs=[
            pl.BlockSpec((_BLK, oc), lambda i: (i, 0)),
            pl.BlockSpec((_BLK, oc), lambda i: (i, 0)),
        ],
        out_shape=[
            jax.ShapeDtypeStruct((_NP, oc), jnp.float32),
            jax.ShapeDtypeStruct((_NP, oc), jnp.float32),
        ],
    )(q0, q1, dinv, hid, W_mu, b_mu, W_ls, b_ls)


def kernel(x, edge_index, W1, b1, W_mu, b_mu, W_ls, b_ls, W_proj, b_proj):
    ei = edge_index.astype(jnp.int32)
    pad_idx = _N + jnp.arange(_NEP - _NE, dtype=jnp.int32) % (_NP - _N)
    src = jnp.concatenate([ei[0], pad_idx])
    dst = jnp.concatenate([ei[1], pad_idx])
    x_pad = jnp.zeros((_NP, _F), x.dtype).at[:_N].set(x)

    ones_dw = jnp.zeros((_CH, _DW), jnp.float32).at[:, 0].set(1.0)
    zeros_dw = jnp.zeros((_RPT, _DW), jnp.float32)
    zeros_h = jnp.zeros((_RPT, _H), jnp.float32)

    src3 = src.reshape(_NW, _NCH, _CH)
    dst3 = dst.reshape(_NW, _NCH, _CH)

    dd = _deg_kernel(dst3, ones_dw, zeros_dw)
    dinv, xs2 = _scale_call(dd, x_pad)
    p0, p1 = _agg_kernel(xs2.reshape(2 * _NP, _H), src3, dst3, zeros_h)
    hid, hs2 = _hidden_call(p0, p1, dinv, x_pad, W1, b1.reshape(1, -1),
                            W_proj, b_proj.reshape(1, -1))
    q0, q1 = _agg_kernel(hs2.reshape(2 * _NP, _H), src3, dst3, zeros_h)
    mu, ls = _heads_call(q0, q1, dinv, hid, W_mu, b_mu.reshape(1, -1),
                         W_ls, b_ls.reshape(1, -1))
    return (mu[:_N], ls[:_N])

# --- scband reference (transcript-rebuilt; emitter-appended) ---
"""Pipeline reference for scband-gcnencoder-68685116997964 (READ-ONLY COPY).

The authoritative reference and input builder live on the scoring server;
editing this copy changes nothing except your own understanding.
"""

import jax, jax.numpy as jnp
import numpy as np

N_NODES = 10000
N_EDGES = 320000
IN_CH = 128
HID_CH = 128
OUT_CH = 64


def gcn_conv(x, edge_index, W, b, num_nodes):
    # PyG GCNConv: add self-loops, symmetric normalization, scatter-add aggregation
    src = edge_index[0]
    dst = edge_index[1]
    loop = jnp.arange(num_nodes, dtype=edge_index.dtype)
    src = jnp.concatenate([src, loop])
    dst = jnp.concatenate([dst, loop])
    ones = jnp.ones(src.shape[0], dtype=x.dtype)
    deg = jnp.zeros((num_nodes,), dtype=x.dtype).at[dst].add(ones)
    deg_inv_sqrt = jnp.where(deg > 0, jax.lax.rsqrt(jnp.maximum(deg, 1e-12)), 0.0)
    norm = deg_inv_sqrt[src] * deg_inv_sqrt[dst]
    h = x @ W
    msg = h[src] * norm[:, None]
    out = jnp.zeros((num_nodes, W.shape[1]), dtype=x.dtype).at[dst].add(msg)
    return out + b


def setup_inputs(seed: int = 0) -> dict:
    key = jax.random.key(seed)
    ks = jax.random.split(key, 12)
    x = jax.random.normal(ks[0], (N_NODES, IN_CH), dtype=jnp.float32)
    edge_index = jax.random.randint(ks[1], (2, N_EDGES), 0, N_NODES, dtype=jnp.int64)
    s1 = 1.0 / np.sqrt(IN_CH)
    s2 = 1.0 / np.sqrt(HID_CH)
    W1 = jax.random.uniform(ks[2], (IN_CH, HID_CH), jnp.float32, -s1, s1)
    b1 = jnp.zeros((HID_CH,), dtype=jnp.float32)
    W_mu = jax.random.uniform(ks[3], (HID_CH, OUT_CH), jnp.float32, -s2, s2)
    b_mu = jnp.zeros((OUT_CH,), dtype=jnp.float32)
    W_ls = jax.random.uniform(ks[4], (HID_CH, OUT_CH), jnp.float32, -s2, s2)
    b_ls = jnp.zeros((OUT_CH,), dtype=jnp.float32)
    W_proj = jax.random.uniform(ks[5], (IN_CH, HID_CH), jnp.float32, -s1, s1)
    b_proj = jax.random.uniform(ks[6], (HID_CH,), jnp.float32, -s1, s1)
    return {"x": x, "edge_index": edge_index, "W1": W1, "b1": b1,
            "W_mu": W_mu, "b_mu": b_mu, "W_ls": W_ls, "b_ls": b_ls,
            "W_proj": W_proj, "b_proj": b_proj}


def reference(x, edge_index, W1, b1, W_mu, b_mu, W_ls, b_ls, W_proj, b_proj):
    num_nodes = x.shape[0]
    hidden = jax.nn.relu(gcn_conv(x, edge_index, W1, b1, num_nodes))
    x_residual = x @ W_proj + b_proj
    hidden = hidden + x_residual
    # dropout is identity in eval mode
    mu = gcn_conv(hidden, edge_index, W_mu, b_mu, num_nodes)
    logstd = gcn_conv(hidden, edge_index, W_ls, b_ls, num_nodes)
    return (mu, logstd)

if __name__ == "__main__":
    import jax
    _d = setup_inputs()
    print(jax.jit(kernel)(*tuple(_d.values())))

</pallas_src>

<mosaic_0001>
#map = affine_map<(d0, d1) -> (0, 0, 0)>
#map1 = affine_map<(d0, d1) -> (0, 0)>
module attributes {stable_mosaic.version = 14 : i64} {
  func.func @_deg_body(%arg0: i32, %arg1: i32, %arg2: memref<32x80x128xi32, #tpu.memory_space<hbm>>, %arg3: memref<128x16xf32, #tpu.memory_space<hbm>>, %arg4: memref<640x16xf32, #tpu.memory_space<hbm>>, %arg5: memref<20480x16xf32, #tpu.memory_space<hbm>>, %arg6: memref<10240x16xf32, #tpu.memory_space<vmem_shared>>, %arg7: memref<128x16xf32, #tpu.memory_space<vmem>>, %arg8: memref<80x128xi32, #tpu.memory_space<vmem>>, %arg9: memref<!tpu.dma_semaphore, #tpu.memory_space<semaphore_mem>>) attributes {dimension_semantics = [#tpu.dimension_semantics<core_parallel>, #tpu.dimension_semantics<subcore_parallel>], iteration_bounds = array<i64: 2, 16>, scalar_prefetch = 0 : i64, scratch_operands = 4 : i64, tpu.core_type = #tpu.core_type<sc_vector_subcore>, window_params = [{transform_indices = #map}, {transform_indices = #map1}, {transform_indices = #map1}, {transform_indices = #map1}]} {
    %mul3A = arith.constant 2 : i32
    %mul3A_0 = arith.muli %arg1, %mul3A : i32
    %add3A = arith.addi %mul3A_0, %arg0 : i32
    %mul3A_1 = arith.constant 640 : i32
    %mul3A_2 = arith.muli %arg1, %mul3A_1 : i32
    "tpu.region"() ({
      %run_scoped3A = tpu.sem_alloc : memref<!tpu.dma_semaphore, #tpu.memory_space<semaphore_mem>>
      %dma_start3A = arith.constant 0 : i32
      %dma_start3A_12 = tpu.memref_slice %arg6[%mul3A_2, %dma_start3A] : memref<10240x16xf32, #tpu.memory_space<vmem_shared>> -> memref<640x16xf32, #tpu.memory_space<vmem_shared>>
      tpu.enqueue_dma source(%arg4 : memref<640x16xf32, #tpu.memory_space<hbm>>) target(%dma_start3A_12 : memref<640x16xf32, #tpu.memory_space<vmem_shared>>) target_semaphore(%run_scoped3A : memref<!tpu.dma_semaphore, #tpu.memory_space<semaphore_mem>>)
      %dma_wait3A = arith.constant 0 : i32
      %dma_wait3A_13 = tpu.memref_slice %arg6[%mul3A_2, %dma_wait3A] : memref<10240x16xf32, #tpu.memory_space<vmem_shared>> -> memref<640x16xf32, #tpu.memory_space<vmem_shared>>
      tpu.wait_dma2 semaphore(%run_scoped3A : memref<!tpu.dma_semaphore, #tpu.memory_space<semaphore_mem>>) src(%arg4 : memref<640x16xf32, #tpu.memory_space<hbm>>) dst(%dma_wait3A_13 : memref<640x16xf32, #tpu.memory_space<vmem_shared>>)
      tpu.yield
    }) : () -> ()
    "tpu.region"() ({
      %run_scoped3A = tpu.sem_alloc : memref<!tpu.dma_semaphore, #tpu.memory_space<semaphore_mem>>
      tpu.enqueue_dma source(%arg3 : memref<128x16xf32, #tpu.memory_space<hbm>>) target(%arg7 : memref<128x16xf32, #tpu.memory_space<vmem>>) target_semaphore(%run_scoped3A : memref<!tpu.dma_semaphore, #tpu.memory_space<semaphore_mem>>)
      tpu.wait_dma2 semaphore(%run_scoped3A : memref<!tpu.dma_semaphore, #tpu.memory_space<semaphore_mem>>) src(%arg3 : memref<128x16xf32, #tpu.memory_space<hbm>>) dst(%arg7 : memref<128x16xf32, #tpu.memory_space<vmem>>)
      tpu.yield
    }) : () -> ()
    "tpu.region"() ({
      %run_scoped3A = tpu.sem_alloc : memref<!tpu.dma_semaphore, #tpu.memory_space<semaphore_mem>>
      %dma_start3A = arith.constant 0 : i32
      %dma_start3A_12 = arith.constant 0 : i32
      %dma_start3A_13 = tpu.memref_slice %arg2[%add3A, %dma_start3A, %dma_start3A_12] : memref<32x80x128xi32, #tpu.memory_space<hbm>> -> memref<1x80x128xi32, #tpu.memory_space<hbm>>
      %dma_start3A_14 = tpu.memref_squeeze %dma_start3A_13 : memref<1x80x128xi32, #tpu.memory_space<hbm>> -> memref<80x128xi32, #tpu.memory_space<hbm>>
      %dma_start3A_15 = arith.constant 0 : i32
      %dma_start3A_16 = arith.constant 0 : i32
      %dma_start3A_17 = tpu.memref_slice %arg2[%add3A, %dma_start3A_15, %dma_start3A_16] : memref<32x80x128xi32, #tpu.memory_space<hbm>> -> memref<1x80x128xi32, #tpu.memory_space<hbm>>
      %dma_start3A_18 = tpu.memref_squeeze %dma_start3A_17 : memref<1x80x128xi32, #tpu.memory_space<hbm>> -> memref<80x128xi32, #tpu.memory_space<hbm>>
      tpu.enqueue_dma source(%dma_start3A_18 : memref<80x128xi32, #tpu.memory_space<hbm>>) target(%arg8 : memref<80x128xi32, #tpu.memory_space<vmem>>) target_semaphore(%run_scoped3A : memref<!tpu.dma_semaphore, #tpu.memory_space<semaphore_mem>>)
      %dma_wait3A = arith.constant 0 : i32
      %dma_wait3A_19 = arith.constant 0 : i32
      %dma_wait3A_20 = tpu.memref_slice %arg2[%add3A, %dma_wait3A, %dma_wait3A_19] : memref<32x80x128xi32, #tpu.memory_space<hbm>> -> memref<1x80x128xi32, #tpu.memory_space<hbm>>
      %dma_wait3A_21 = tpu.memref_squeeze %dma_wait3A_20 : memref<1x80x128xi32, #tpu.memory_space<hbm>> -> memref<80x128xi32, #tpu.memory_space<hbm>>
      %dma_wait3A_22 = arith.constant 0 : i32
      %dma_wait3A_23 = arith.constant 0 : i32
      %dma_wait3A_24 = tpu.memref_slice %arg2[%add3A, %dma_wait3A_22, %dma_wait3A_23] : memref<32x80x128xi32, #tpu.memory_space<hbm>> -> memref<1x80x128xi32, #tpu.memory_space<hbm>>
      %dma_wait3A_25 = tpu.memref_squeeze %dma_wait3A_24 : memref<1x80x128xi32, #tpu.memory_space<hbm>> -> memref<80x128xi32, #tpu.memory_space<hbm>>
      tpu.wait_dma2 semaphore(%run_scoped3A : memref<!tpu.dma_semaphore, #tpu.memory_space<semaphore_mem>>) src(%dma_wait3A_25 : memref<80x128xi32, #tpu.memory_space<hbm>>) dst(%arg8 : memref<80x128xi32, #tpu.memory_space<vmem>>)
      tpu.yield
    }) : () -> ()
    %barrier3A = arith.constant 0 : index
    tpu.barrier barrier_id(%barrier3A)
    %scan3A = arith.constant 0 : i32
    %scan3A_3 = arith.constant 0 : i32
    %scan3A_4 = arith.constant 10 : i32
    %scan3A_5 = arith.addi %scan3A_3, %scan3A_4 : i32
    %scan3A_6 = arith.constant 1 : i32
    scf.for %scan3A_12 = %scan3A_3 to %scan3A_5 step %scan3A_6  : i32 {
      %mul3A_13 = arith.constant 8 : i32
      %mul3A_14 = arith.muli %scan3A_12, %mul3A_13 : i32
      %add3A_15 = arith.constant 0 : i32
      %add3A_16 = arith.addi %mul3A_14, %add3A_15 : i32
      %dma_start3A = arith.constant 0 : i32
      %dma_start3A_17 = tpu.memref_slice %arg8[%add3A_16, %dma_start3A] : memref<80x128xi32, #tpu.memory_space<vmem>> -> memref<1x128xi32, #tpu.memory_space<vmem>>
      %dma_start3A_18 = tpu.memref_squeeze %dma_start3A_17 : memref<1x128xi32, #tpu.memory_space<vmem>> -> memref<128xi32, #tpu.memory_space<vmem>>
      %dma_start3A_19 = arith.constant 0 : i32
      %dma_start3A_20 = arith.constant 0 : i32
      %dma_start3A_21 = tpu.memref_slice %arg6[%dma_start3A_19, %dma_start3A_20] : memref<10240x16xf32, #tpu.memory_space<vmem_shared>> -> memref<10240x16xf32, #tpu.memory_space<vmem_shared>>
      tpu.enqueue_indirect_dma source(%arg7 : memref<128x16xf32, #tpu.memory_space<vmem>>) target(%dma_start3A_21 : memref<10240x16xf32, #tpu.memory_space<vmem_shared>>) offsets(%dma_start3A_18 : memref<128xi32, #tpu.memory_space<vmem>>) semaphore(%arg9 : memref<!tpu.dma_semaphore, #tpu.memory_space<semaphore_mem>>) {add = true}
      %mul3A_22 = arith.constant 8 : i32
      %mul3A_23 = arith.muli %scan3A_12, %mul3A_22 : i32
      %add3A_24 = arith.constant 1 : i32
      %add3A_25 = arith.addi %mul3A_23, %add3A_24 : i32
      %dma_start3A_26 = arith.constant 0 : i32
      %dma_start3A_27 = tpu.memref_slice %arg8[%add3A_25, %dma_start3A_26] : memref<80x128xi32, #tpu.memory_space<vmem>> -> memref<1x128xi32, #tpu.memory_space<vmem>>
      %dma_start3A_28 = tpu.memref_squeeze %dma_start3A_27 : memref<1x128xi32, #tpu.memory_space<vmem>> -> memref<128xi32, #tpu.memory_space<vmem>>
      %dma_start3A_29 = arith.constant 0 : i32
      %dma_start3A_30 = arith.constant 0 : i32
      %dma_start3A_31 = tpu.memref_slice %arg6[%dma_start3A_29, %dma_start3A_30] : memref<10240x16xf32, #tpu.memory_space<vmem_shared>> -> memref<10240x16xf32, #tpu.memory_space<vmem_shared>>
      tpu.enqueue_indirect_dma source(%arg7 : memref<128x16xf32, #tpu.memory_space<vmem>>) target(%dma_start3A_31 : memref<10240x16xf32, #tpu.memory_space<vmem_shared>>) offsets(%dma_start3A_28 : memref<128xi32, #tpu.memory_space<vmem>>) semaphore(%arg9 : memref<!tpu.dma_semaphore, #tpu.memory_space<semaphore_mem>>) {add = true}
      %mul3A_32 = arith.constant 8 : i32
      %mul3A_33 = arith.muli %scan3A_12, %mul3A_32 : i32
      %add3A_34 = arith.constant 2 : i32
      %add3A_35 = arith.addi %mul3A_33, %add3A_34 : i32
      %dma_start3A_36 = arith.constant 0 : i32
      %dma_start3A_37 = tpu.memref_slice %arg8[%add3A_35, %dma_start3A_36] : memref<80x128xi32, #tpu.memory_space<vmem>> -> memref<1x128xi32, #tpu.memory_space<vmem>>
      %dma_start3A_38 = tpu.memref_squeeze %dma_start3A_37 : memref<1x128xi32, #tpu.memory_space<vmem>> -> memref<128xi32, #tpu.memory_space<vmem>>
      %dma_start3A_39 = arith.constant 0 : i32
      %dma_start3A_40 = arith.constant 0 : i32
      %dma_start3A_41 = tpu.memref_slice %arg6[%dma_start3A_39, %dma_start3A_40] : memref<10240x16xf32, #tpu.memory_space<vmem_shared>> -> memref<10240x16xf32, #tpu.memory_space<vmem_shared>>
      tpu.enqueue_indirect_dma source(%arg7 : memref<128x16xf32, #tpu.memory_space<vmem>>) target(%dma_start3A_41 : memref<10240x16xf32, #tpu.memory_space<vmem_shared>>) offsets(%dma_start3A_38 : memref<128xi32, #tpu.memory_space<vmem>>) semaphore(%arg9 : memref<!tpu.dma_semaphore, #tpu.memory_space<semaphore_mem>>) {add = true}
      %mul3A_42 = arith.constant 8 : i32
      %mul3A_43 = arith.muli %scan3A_12, %mul3A_42 : i32
      %add3A_44 = arith.constant 3 : i32
      %add3A_45 = arith.addi %mul3A_43, %add3A_44 : i32
      %dma_start3A_46 = arith.constant 0 : i32
      %dma_start3A_47 = tpu.memref_slice %arg8[%add3A_45, %dma_start3A_46] : memref<80x128xi32, #tpu.memory_space<vmem>> -> memref<1x128xi32, #tpu.memory_space<vmem>>
      %dma_start3A_48 = tpu.memref_squeeze %dma_start3A_47 : memref<1x128xi32, #tpu.memory_space<vmem>> -> memref<128xi32, #tpu.memory_space<vmem>>
      %dma_start3A_49 = arith.constant 0 : i32
      %dma_start3A_50 = arith.constant 0 : i32
      %dma_start3A_51 = tpu.memref_slice %arg6[%dma_start3A_49, %dma_start3A_50] : memref<10240x16xf32, #tpu.memory_space<vmem_shared>> -> memref<10240x16xf32, #tpu.memory_space<vmem_shared>>
      tpu.enqueue_indirect_dma source(%arg7 : memref<128x16xf32, #tpu.memory_space<vmem>>) target(%dma_start3A_51 : memref<10240x16xf32, #tpu.memory_space<vmem_shared>>) offsets(%dma_start3A_48 : memref<128xi32, #tpu.memory_space<vmem>>) semaphore(%arg9 : memref<!tpu.dma_semaphore, #tpu.memory_space<semaphore_mem>>) {add = true}
      %mul3A_52 = arith.constant 8 : i32
      %mul3A_53 = arith.muli %scan3A_12, %mul3A_52 : i32
      %add3A_54 = arith.constant 4 : i32
      %add3A_55 = arith.addi %mul3A_53, %add3A_54 : i32
      %dma_start3A_56 = arith.constant 0 : i32
      %dma_start3A_57 = tpu.memref_slice %arg8[%add3A_55, %dma_start3A_56] : memref<80x128xi32, #tpu.memory_space<vmem>> -> memref<1x128xi32, #tpu.memory_space<vmem>>
      %dma_start3A_58 = tpu.memref_squeeze %dma_start3A_57 : memref<1x128xi32, #tpu.memory_space<vmem>> -> memref<128xi32, #tpu.memory_space<vmem>>
      %dma_start3A_59 = arith.constant 0 : i32
      %dma_start3A_60 = arith.constant 0 : i32
      %dma_start3A_61 = tpu.memref_slice %arg6[%dma_start3A_59, %dma_start3A_60] : memref<10240x16xf32, #tpu.memory_space<vmem_shared>> -> memref<10240x16xf32, #tpu.memory_space<vmem_shared>>
      tpu.enqueue_indirect_dma source(%arg7 : memref<128x16xf32, #tpu.memory_space<vmem>>) target(%dma_start3A_61 : memref<10240x16xf32, #tpu.memory_space<vmem_shared>>) offsets(%dma_start3A_58 : memref<128xi32, #tpu.memory_space<vmem>>) semaphore(%arg9 : memref<!tpu.dma_semaphore, #tpu.memory_space<semaphore_mem>>) {add = true}
      %mul3A_62 = arith.constant 8 : i32
      %mul3A_63 = arith.muli %scan3A_12, %mul3A_62 : i32
      %add3A_64 = arith.constant 5 : i32
      %add3A_65 = arith.addi %mul3A_63, %add3A_64 : i32
      %dma_start3A_66 = arith.constant 0 : i32
      %dma_start3A_67 = tpu.memref_slice %arg8[%add3A_65, %dma_start3A_66] : memref<80x128xi32, #tpu.memory_space<vmem>> -> memref<1x128xi32, #tpu.memory_space<vmem>>
      %dma_start3A_68 = tpu.memref_squeeze %dma_start3A_67 : memref<1x128xi32, #tpu.memory_space<vmem>> -> memref<128xi32, #tpu.memory_space<vmem>>
      %dma_start3A_69 = arith.constant 0 : i32
      %dma_start3A_70 = arith.constant 0 : i32
      %dma_start3A_71 = tpu.memref_slice %arg6[%dma_start3A_69, %dma_start3A_70] : memref<10240x16xf32, #tpu.memory_space<vmem_shared>> -> memref<10240x16xf32, #tpu.memory_space<vmem_shared>>
      tpu.enqueue_indirect_dma source(%arg7 : memref<128x16xf32, #tpu.memory_space<vmem>>) target(%dma_start3A_71 : memref<10240x16xf32, #tpu.memory_space<vmem_shared>>) offsets(%dma_start3A_68 : memref<128xi32, #tpu.memory_space<vmem>>) semaphore(%arg9 : memref<!tpu.dma_semaphore, #tpu.memory_space<semaphore_mem>>) {add = true}
      %mul3A_72 = arith.constant 8 : i32
      %mul3A_73 = arith.muli %scan3A_12, %mul3A_72 : i32
      %add3A_74 = arith.constant 6 : i32
      %add3A_75 = arith.addi %mul3A_73, %add3A_74 : i32
      %dma_start3A_76 = arith.constant 0 : i32
      %dma_start3A_77 = tpu.memref_slice %arg8[%add3A_75, %dma_start3A_76] : memref<80x128xi32, #tpu.memory_space<vmem>> -> memref<1x128xi32, #tpu.memory_space<vmem>>
      %dma_start3A_78 = tpu.memref_squeeze %dma_start3A_77 : memref<1x128xi32, #tpu.memory_space<vmem>> -> memref<128xi32, #tpu.memory_space<vmem>>
      %dma_start3A_79 = arith.constant 0 : i32
      %dma_start3A_80 = arith.constant 0 : i32
      %dma_start3A_81 = tpu.memref_slice %arg6[%dma_start3A_79, %dma_start3A_80] : memref<10240x16xf32, #tpu.memory_space<vmem_shared>> -> memref<10240x16xf32, #tpu.memory_space<vmem_shared>>
      tpu.enqueue_indirect_dma source(%arg7 : memref<128x16xf32, #tpu.memory_space<vmem>>) target(%dma_start3A_81 : memref<10240x16xf32, #tpu.memory_space<vmem_shared>>) offsets(%dma_start3A_78 : memref<128xi32, #tpu.memory_space<vmem>>) semaphore(%arg9 : memref<!tpu.dma_semaphore, #tpu.memory_space<semaphore_mem>>) {add = true}
      %mul3A_82 = arith.constant 8 : i32
      %mul3A_83 = arith.muli %scan3A_12, %mul3A_82 : i32
      %add3A_84 = arith.constant 7 : i32
      %add3A_85 = arith.addi %mul3A_83, %add3A_84 : i32
      %dma_start3A_86 = arith.constant 0 : i32
      %dma_start3A_87 = tpu.memref_slice %arg8[%add3A_85, %dma_start3A_86] : memref<80x128xi32, #tpu.memory_space<vmem>> -> memref<1x128xi32, #tpu.memory_space<vmem>>
      %dma_start3A_88 = tpu.memref_squeeze %dma_start3A_87 : memref<1x128xi32, #tpu.memory_space<vmem>> -> memref<128xi32, #tpu.memory_space<vmem>>
      %dma_start3A_89 = arith.constant 0 : i32
      %dma_start3A_90 = arith.constant 0 : i32
      %dma_start3A_91 = tpu.memref_slice %arg6[%dma_start3A_89, %dma_start3A_90] : memref<10240x16xf32, #tpu.memory_space<vmem_shared>> -> memref<10240x16xf32, #tpu.memory_space<vmem_shared>>
      tpu.enqueue_indirect_dma source(%arg7 : memref<128x16xf32, #tpu.memory_space<vmem>>) target(%dma_start3A_91 : memref<10240x16xf32, #tpu.memory_space<vmem_shared>>) offsets(%dma_start3A_88 : memref<128xi32, #tpu.memory_space<vmem>>) semaphore(%arg9 : memref<!tpu.dma_semaphore, #tpu.memory_space<semaphore_mem>>) {add = true}
      %dma_wait3A = arith.constant 0 : i32
      %dma_wait3A_92 = arith.constant 0 : i32
      %dma_wait3A_93 = tpu.memref_slice %arg8[%dma_wait3A, %dma_wait3A_92] : memref<80x128xi32, #tpu.memory_space<vmem>> -> memref<1x128xi32, #tpu.memory_space<vmem>>
      %dma_wait3A_94 = tpu.memref_squeeze %dma_wait3A_93 : memref<1x128xi32, #tpu.memory_space<vmem>> -> memref<128xi32, #tpu.memory_space<vmem>>
      %dma_wait3A_95 = arith.constant 0 : i32
      %dma_wait3A_96 = arith.constant 0 : i32
      %dma_wait3A_97 = tpu.memref_slice %arg6[%dma_wait3A_95, %dma_wait3A_96] : memref<10240x16xf32, #tpu.memory_space<vmem_shared>> -> memref<10240x16xf32, #tpu.memory_space<vmem_shared>>
      tpu.wait_indirect_dma semaphore(%arg9 : memref<!tpu.dma_semaphore, #tpu.memory_space<semaphore_mem>>) src(%arg7 : memref<128x16xf32, #tpu.memory_space<vmem>>) dst(%dma_wait3A_97 : memref<10240x16xf32, #tpu.memory_space<vmem_shared>>)
      %dma_wait3A_98 = arith.constant 0 : i32
      %dma_wait3A_99 = arith.constant 0 : i32
      %dma_wait3A_100 = tpu.memref_slice %arg8[%dma_wait3A_98, %dma_wait3A_99] : memref<80x128xi32, #tpu.memory_space<vmem>> -> memref<1x128xi32, #tpu.memory_space<vmem>>
      %dma_wait3A_101 = tpu.memref_squeeze %dma_wait3A_100 : memref<1x128xi32, #tpu.memory_space<vmem>> -> memref<128xi32, #tpu.memory_space<vmem>>
      %dma_wait3A_102 = arith.constant 0 : i32
      %dma_wait3A_103 = arith.constant 0 : i32
      %dma_wait3A_104 = tpu.memref_slice %arg6[%dma_wait3A_102, %dma_wait3A_103] : memref<10240x16xf32, #tpu.memory_space<vmem_shared>> -> memref<10240x16xf32, #tpu.memory_space<vmem_shared>>
      tpu.wait_indirect_dma semaphore(%arg9 : memref<!tpu.dma_semaphore, #tpu.memory_space<semaphore_mem>>) src(%arg7 : memref<128x16xf32, #tpu.memory_space<vmem>>) dst(%dma_wait3A_104 : memref<10240x16xf32, #tpu.memory_space<vmem_shared>>)
      %dma_wait3A_105 = arith.constant 0 : i32
      %dma_wait3A_106 = arith.constant 0 : i32
      %dma_wait3A_107 = tpu.memref_slice %arg8[%dma_wait3A_105, %dma_wait3A_106] : memref<80x128xi32, #tpu.memory_space<vmem>> -> memref<1x128xi32, #tpu.memory_space<vmem>>
      %dma_wait3A_108 = tpu.memref_squeeze %dma_wait3A_107 : memref<1x128xi32, #tpu.memory_space<vmem>> -> memref<128xi32, #tpu.memory_space<vmem>>
      %dma_wait3A_109 = arith.constant 0 : i32
      %dma_wait3A_110 = arith.constant 0 : i32
      %dma_wait3A_111 = tpu.memref_slice %arg6[%dma_wait3A_109, %dma_wait3A_110] : memref<10240x16xf32, #tpu.memory_space<vmem_shared>> -> memref<10240x16xf32, #tpu.memory_space<vmem_shared>>
      tpu.wait_indirect_dma semaphore(%arg9 : memref<!tpu.dma_semaphore, #tpu.memory_space<semaphore_mem>>) src(%arg7 : memref<128x16xf32, #tpu.memory_space<vmem>>) dst(%dma_wait3A_111 : memref<10240x16xf32, #tpu.memory_space<vmem_shared>>)
      %dma_wait3A_112 = arith.constant 0 : i32
      %dma_wait3A_113 = arith.constant 0 : i32
      %dma_wait3A_114 = tpu.memref_slice %arg8[%dma_wait3A_112, %dma_wait3A_113] : memref<80x128xi32, #tpu.memory_space<vmem>> -> memref<1x128xi32, #tpu.memory_space<vmem>>
      %dma_wait3A_115 = tpu.memref_squeeze %dma_wait3A_114 : memref<1x128xi32, #tpu.memory_space<vmem>> -> memref<128xi32, #tpu.memory_space<vmem>>
      %dma_wait3A_116 = arith.constant 0 : i32
      %dma_wait3A_117 = arith.constant 0 : i32
      %dma_wait3A_118 = tpu.memref_slice %arg6[%dma_wait3A_116, %dma_wait3A_117] : memref<10240x16xf32, #tpu.memory_space<vmem_shared>> -> memref<10240x16xf32, #tpu.memory_space<vmem_shared>>
      tpu.wait_indirect_dma semaphore(%arg9 : memref<!tpu.dma_semaphore, #tpu.memory_space<semaphore_mem>>) src(%arg7 : memref<128x16xf32, #tpu.memory_space<vmem>>) dst(%dma_wait3A_118 : memref<10240x16xf32, #tpu.memory_space<vmem_shared>>)
      %dma_wait3A_119 = arith.constant 0 : i32
      %dma_wait3A_120 = arith.constant 0 : i32
      %dma_wait3A_121 = tpu.memref_slice %arg8[%dma_wait3A_119, %dma_wait3A_120] : memref<80x128xi32, #tpu.memory_space<vmem>> -> memref<1x128xi32, #tpu.memory_space<vmem>>
      %dma_wait3A_122 = tpu.memref_squeeze %dma_wait3A_121 : memref<1x128xi32, #tpu.memory_space<vmem>> -> memref<128xi32, #tpu.memory_space<vmem>>
      %dma_wait3A_123 = arith.constant 0 : i32
      %dma_wait3A_124 = arith.constant 0 : i32
      %dma_wait3A_125 = tpu.memref_slice %arg6[%dma_wait3A_123, %dma_wait3A_124] : memref<10240x16xf32, #tpu.memory_space<vmem_shared>> -> memref<10240x16xf32, #tpu.memory_space<vmem_shared>>
      tpu.wait_indirect_dma semaphore(%arg9 : memref<!tpu.dma_semaphore, #tpu.memory_space<semaphore_mem>>) src(%arg7 : memref<128x16xf32, #tpu.memory_space<vmem>>) dst(%dma_wait3A_125 : memref<10240x16xf32, #tpu.memory_space<vmem_shared>>)
      %dma_wait3A_126 = arith.constant 0 : i32
      %dma_wait3A_127 = arith.constant 0 : i32
      %dma_wait3A_128 = tpu.memref_slice %arg8[%dma_wait3A_126, %dma_wait3A_127] : memref<80x128xi32, #tpu.memory_space<vmem>> -> memref<1x128xi32, #tpu.memory_space<vmem>>
      %dma_wait3A_129 = tpu.memref_squeeze %dma_wait3A_128 : memref<1x128xi32, #tpu.memory_space<vmem>> -> memref<128xi32, #tpu.memory_space<vmem>>
      %dma_wait3A_130 = arith.constant 0 : i32
      %dma_wait3A_131 = arith.constant 0 : i32
      %dma_wait3A_132 = tpu.memref_slice %arg6[%dma_wait3A_130, %dma_wait3A_131] : memref<10240x16xf32, #tpu.memory_space<vmem_shared>> -> memref<10240x16xf32, #tpu.memory_space<vmem_shared>>
      tpu.wait_indirect_dma semaphore(%arg9 : memref<!tpu.dma_semaphore, #tpu.memory_space<semaphore_mem>>) src(%arg7 : memref<128x16xf32, #tpu.memory_space<vmem>>) dst(%dma_wait3A_132 : memref<10240x16xf32, #tpu.memory_space<vmem_shared>>)
      %dma_wait3A_133 = arith.constant 0 : i32
      %dma_wait3A_134 = arith.constant 0 : i32
      %dma_wait3A_135 = tpu.memref_slice %arg8[%dma_wait3A_133, %dma_wait3A_134] : memref<80x128xi32, #tpu.memory_space<vmem>> -> memref<1x128xi32, #tpu.memory_space<vmem>>
      %dma_wait3A_136 = tpu.memref_squeeze %dma_wait3A_135 : memref<1x128xi32, #tpu.memory_space<vmem>> -> memref<128xi32, #tpu.memory_space<vmem>>
      %dma_wait3A_137 = arith.constant 0 : i32
      %dma_wait3A_138 = arith.constant 0 : i32
      %dma_wait3A_139 = tpu.memref_slice %arg6[%dma_wait3A_137, %dma_wait3A_138] : memref<10240x16xf32, #tpu.memory_space<vmem_shared>> -> memref<10240x16xf32, #tpu.memory_space<vmem_shared>>
      tpu.wait_indirect_dma semaphore(%arg9 : memref<!tpu.dma_semaphore, #tpu.memory_space<semaphore_mem>>) src(%arg7 : memref<128x16xf32, #tpu.memory_space<vmem>>) dst(%dma_wait3A_139 : memref<10240x16xf32, #tpu.memory_space<vmem_shared>>)
      %dma_wait3A_140 = arith.constant 0 : i32
      %dma_wait3A_141 = arith.constant 0 : i32
      %dma_wait3A_142 = tpu.memref_slice %arg8[%dma_wait3A_140, %dma_wait3A_141] : memref<80x128xi32, #tpu.memory_space<vmem>> -> memref<1x128xi32, #tpu.memory_space<vmem>>
      %dma_wait3A_143 = tpu.memref_squeeze %dma_wait3A_142 : memref<1x128xi32, #tpu.memory_space<vmem>> -> memref<128xi32, #tpu.memory_space<vmem>>
      %dma_wait3A_144 = arith.constant 0 : i32
      %dma_wait3A_145 = arith.constant 0 : i32
      %dma_wait3A_146 = tpu.memref_slice %arg6[%dma_wait3A_144, %dma_wait3A_145] : memref<10240x16xf32, #tpu.memory_space<vmem_shared>> -> memref<10240x16xf32, #tpu.memory_space<vmem_shared>>
      tpu.wait_indirect_dma semaphore(%arg9 : memref<!tpu.dma_semaphore, #tpu.memory_space<semaphore_mem>>) src(%arg7 : memref<128x16xf32, #tpu.memory_space<vmem>>) dst(%dma_wait3A_146 : memref<10240x16xf32, #tpu.memory_space<vmem_shared>>)
    }
    %scan3A_7 = arith.constant 10 : i32
    %barrier3A_8 = arith.constant 0 : index
    tpu.barrier barrier_id(%barrier3A_8)
    %mul3A_9 = arith.constant 10240 : i32
    %mul3A_10 = arith.muli %arg0, %mul3A_9 : i32
    %add3A_11 = arith.addi %mul3A_10, %mul3A_2 : i32
    "tpu.region"() ({
      %run_scoped3A = tpu.sem_alloc : memref<!tpu.dma_semaphore, #tpu.memory_space<semaphore_mem>>
      %dma_start3A = arith.constant 0 : i32
      %dma_start3A_12 = tpu.memref_slice %arg5[%add3A_11, %dma_start3A] : memref<20480x16xf32, #tpu.memory_space<hbm>> -> memref<640x16xf32, #tpu.memory_space<hbm>>
      %dma_start3A_13 = arith.constant 0 : i32
      %dma_start3A_14 = tpu.memref_slice %arg6[%mul3A_2, %dma_start3A_13] : memref<10240x16xf32, #tpu.memory_space<vmem_shared>> -> memref<640x16xf32, #tpu.memory_space<vmem_shared>>
      tpu.enqueue_dma source(%dma_start3A_14 : memref<640x16xf32, #tpu.memory_space<vmem_shared>>) target(%dma_start3A_12 : memref<640x16xf32, #tpu.memory_space<hbm>>) target_semaphore(%run_scoped3A : memref<!tpu.dma_semaphore, #tpu.memory_space<semaphore_mem>>)
      %dma_wait3A = arith.constant 0 : i32
      %dma_wait3A_15 = tpu.memref_slice %arg5[%add3A_11, %dma_wait3A] : memref<20480x16xf32, #tpu.memory_space<hbm>> -> memref<640x16xf32, #tpu.memory_space<hbm>>
      %dma_wait3A_16 = arith.constant 0 : i32
      %dma_wait3A_17 = tpu.memref_slice %arg6[%mul3A_2, %dma_wait3A_16] : memref<10240x16xf32, #tpu.memory_space<vmem_shared>> -> memref<640x16xf32, #tpu.memory_space<vmem_shared>>
      tpu.wait_dma2 semaphore(%run_scoped3A : memref<!tpu.dma_semaphore, #tpu.memory_space<semaphore_mem>>) src(%dma_wait3A_17 : memref<640x16xf32, #tpu.memory_space<vmem_shared>>) dst(%dma_wait3A_15 : memref<640x16xf32, #tpu.memory_space<hbm>>)
      tpu.yield
    }) : () -> ()
    return
  }
}

#map = affine_map<(d0, d1) -> (0, 0)>
#map1 = affine_map<(d0, d1) -> (0, 0, 0)>
module attributes {stable_mosaic.version = 14 : i64} {
  func.func @_agg_body(%arg0: i32, %arg1: i32, %arg2: memref<20480x64xf32, #tpu.memory_space<hbm>>, %arg3: memref<32x80x128xi32, #tpu.memory_space<hbm>>, %arg4: memref<32x80x128xi32, #tpu.memory_space<hbm>>, %arg5: memref<640x64xf32, #tpu.memory_space<hbm>>, %arg6: memref<10240x64xf32, #tpu.memory_space<hbm>>, %arg7: memref<10240x64xf32, #tpu.memory_space<hbm>>, %arg8: memref<10240x64xf32, #tpu.memory_space<vmem_shared>>, %arg9: memref<10240x64xf32, #tpu.memory_space<vmem_shared>>, %arg10: memref<80x128xi32, #tpu.memory_space<vmem>>, %arg11: memref<80x128xi32, #tpu.memory_space<vmem>>, %arg12: memref<128x64xf32, #tpu.memory_space<vmem>>, %arg13: memref<128x64xf32, #tpu.memory_space<vmem>>, %arg14: memref<!tpu.dma_semaphore, #tpu.memory_space<semaphore_mem>>, %arg15: memref<!tpu.dma_semaphore, #tpu.memory_space<semaphore_mem>>) attributes {dimension_semantics = [#tpu.dimension_semantics<core_parallel>, #tpu.dimension_semantics<subcore_parallel>], iteration_bounds = array<i64: 2, 16>, scalar_prefetch = 0 : i64, scratch_operands = 8 : i64, tpu.core_type = #tpu.core_type<sc_vector_subcore>, window_params = [{transform_indices = #map}, {transform_indices = #map1}, {transform_indices = #map1}, {transform_indices = #map}, {transform_indices = #map}, {transform_indices = #map}]} {
    %mul3A = arith.constant 640 : i32
    %mul3A_0 = arith.muli %arg1, %mul3A : i32
    "tpu.region"() ({
      %run_scoped3A = tpu.sem_alloc : memref<!tpu.dma_semaphore, #tpu.memory_space<semaphore_mem>>
      %dma_start3A_65 = arith.constant 0 : i32
      %dma_start3A_66 = tpu.memref_slice %arg8[%mul3A_0, %dma_start3A_65] : memref<10240x64xf32, #tpu.memory_space<vmem_shared>> -> memref<640x64xf32, #tpu.memory_space<vmem_shared>>
      tpu.enqueue_dma source(%arg5 : memref<640x64xf32, #tpu.memory_space<hbm>>) target(%dma_start3A_66 : memref<640x64xf32, #tpu.memory_space<vmem_shared>>) target_semaphore(%run_scoped3A : memref<!tpu.dma_semaphore, #tpu.memory_space<semaphore_mem>>)
      %dma_wait3A = arith.constant 0 : i32
      %dma_wait3A_67 = tpu.memref_slice %arg8[%mul3A_0, %dma_wait3A] : memref<10240x64xf32, #tpu.memory_space<vmem_shared>> -> memref<640x64xf32, #tpu.memory_space<vmem_shared>>
      tpu.wait_dma2 semaphore(%run_scoped3A : memref<!tpu.dma_semaphore, #tpu.memory_space<semaphore_mem>>) src(%arg5 : memref<640x64xf32, #tpu.memory_space<hbm>>) dst(%dma_wait3A_67 : memref<640x64xf32, #tpu.memory_space<vmem_shared>>)
      tpu.yield
    }) : () -> ()
    %mul3A_1 = arith.constant 10240 : i32
    %mul3A_2 = arith.muli %arg0, %mul3A_1 : i32
    %add3A = arith.addi %mul3A_2, %mul3A_0 : i32
    "tpu.region"() ({
      %run_scoped3A = tpu.sem_alloc : memref<!tpu.dma_semaphore, #tpu.memory_space<semaphore_mem>>
      %dma_start3A_65 = arith.constant 0 : i32
      %dma_start3A_66 = tpu.memref_slice %arg9[%mul3A_0, %dma_start3A_65] : memref<10240x64xf32, #tpu.memory_space<vmem_shared>> -> memref<640x64xf32, #tpu.memory_space<vmem_shared>>
      %dma_start3A_67 = arith.constant 0 : i32
      %dma_start3A_68 = tpu.memref_slice %arg2[%add3A, %dma_start3A_67] : memref<20480x64xf32, #tpu.memory_space<hbm>> -> memref<640x64xf32, #tpu.memory_space<hbm>>
      tpu.enqueue_dma source(%dma_start3A_68 : memref<640x64xf32, #tpu.memory_space<hbm>>) target(%dma_start3A_66 : memref<640x64xf32, #tpu.memory_space<vmem_shared>>) target_semaphore(%run_scoped3A : memref<!tpu.dma_semaphore, #tpu.memory_space<semaphore_mem>>)
      %dma_wait3A = arith.constant 0 : i32
      %dma_wait3A_69 = tpu.memref_slice %arg9[%mul3A_0, %dma_wait3A] : memref<10240x64xf32, #tpu.memory_space<vmem_shared>> -> memref<640x64xf32, #tpu.memory_space<vmem_shared>>
      %dma_wait3A_70 = arith.constant 0 : i32
      %dma_wait3A_71 = tpu.memref_slice %arg2[%add3A, %dma_wait3A_70] : memref<20480x64xf32, #tpu.memory_space<hbm>> -> memref<640x64xf32, #tpu.memory_space<hbm>>
      tpu.wait_dma2 semaphore(%run_scoped3A : memref<!tpu.dma_semaphore, #tpu.memory_space<semaphore_mem>>) src(%dma_wait3A_71 : memref<640x64xf32, #tpu.memory_space<hbm>>) dst(%dma_wait3A_69 : memref<640x64xf32, #tpu.memory_space<vmem_shared>>)
      tpu.yield
    }) : () -> ()
    %barrier3A = arith.constant 0 : index
    tpu.barrier barrier_id(%barrier3A)
    %mul3A_3 = arith.constant 2 : i32
    %mul3A_4 = arith.muli %arg1, %mul3A_3 : i32
    %add3A_5 = arith.constant 0 : i32
    %add3A_6 = arith.addi %mul3A_4, %add3A_5 : i32
    "tpu.region"() ({
      %run_scoped3A = tpu.sem_alloc : memref<!tpu.dma_semaphore, #tpu.memory_space<semaphore_mem>>
      %dma_start3A_65 = arith.constant 0 : i32
      %dma_start3A_66 = arith.constant 0 : i32
      %dma_start3A_67 = tpu.memref_slice %arg3[%add3A_6, %dma_start3A_65, %dma_start3A_66] : memref<32x80x128xi32, #tpu.memory_space<hbm>> -> memref<1x80x128xi32, #tpu.memory_space<hbm>>
      %dma_start3A_68 = tpu.memref_squeeze %dma_start3A_67 : memref<1x80x128xi32, #tpu.memory_space<hbm>> -> memref<80x128xi32, #tpu.memory_space<hbm>>
      %dma_start3A_69 = arith.constant 0 : i32
      %dma_start3A_70 = arith.constant 0 : i32
      %dma_start3A_71 = tpu.memref_slice %arg3[%add3A_6, %dma_start3A_69, %dma_start3A_70] : memref<32x80x128xi32, #tpu.memory_space<hbm>> -> memref<1x80x128xi32, #tpu.memory_space<hbm>>
      %dma_start3A_72 = tpu.memref_squeeze %dma_start3A_71 : memref<1x80x128xi32, #tpu.memory_space<hbm>> -> memref<80x128xi32, #tpu.memory_space<hbm>>
      tpu.enqueue_dma source(%dma_start3A_72 : memref<80x128xi32, #tpu.memory_space<hbm>>) target(%arg10 : memref<80x128xi32, #tpu.memory_space<vmem>>) target_semaphore(%run_scoped3A : memref<!tpu.dma_semaphore, #tpu.memory_space<semaphore_mem>>)
      %dma_wait3A = arith.constant 0 : i32
      %dma_wait3A_73 = arith.constant 0 : i32
      %dma_wait3A_74 = tpu.memref_slice %arg3[%add3A_6, %dma_wait3A, %dma_wait3A_73] : memref<32x80x128xi32, #tpu.memory_space<hbm>> -> memref<1x80x128xi32, #tpu.memory_space<hbm>>
      %dma_wait3A_75 = tpu.memref_squeeze %dma_wait3A_74 : memref<1x80x128xi32, #tpu.memory_space<hbm>> -> memref<80x128xi32, #tpu.memory_space<hbm>>
      %dma_wait3A_76 = arith.constant 0 : i32
      %dma_wait3A_77 = arith.constant 0 : i32
      %dma_wait3A_78 = tpu.memref_slice %arg3[%add3A_6, %dma_wait3A_76, %dma_wait3A_77] : memref<32x80x128xi32, #tpu.memory_space<hbm>> -> memref<1x80x128xi32, #tpu.memory_space<hbm>>
      %dma_wait3A_79 = tpu.memref_squeeze %dma_wait3A_78 : memref<1x80x128xi32, #tpu.memory_space<hbm>> -> memref<80x128xi32, #tpu.memory_space<hbm>>
      tpu.wait_dma2 semaphore(%run_scoped3A : memref<!tpu.dma_semaphore, #tpu.memory_space<semaphore_mem>>) src(%dma_wait3A_79 : memref<80x128xi32, #tpu.memory_space<hbm>>) dst(%arg10 : memref<80x128xi32, #tpu.memory_space<vmem>>)
      tpu.yield
    }) : () -> ()
    %mul3A_7 = arith.constant 2 : i32
    %mul3A_8 = arith.muli %arg1, %mul3A_7 : i32
    %add3A_9 = arith.constant 0 : i32
    %add3A_10 = arith.addi %mul3A_8, %add3A_9 : i32
    "tpu.region"() ({
      %run_scoped3A = tpu.sem_alloc : memref<!tpu.dma_semaphore, #tpu.memory_space<semaphore_mem>>
      %dma_start3A_65 = arith.constant 0 : i32
      %dma_start3A_66 = arith.constant 0 : i32
      %dma_start3A_67 = tpu.memref_slice %arg4[%add3A_10, %dma_start3A_65, %dma_start3A_66] : memref<32x80x128xi32, #tpu.memory_space<hbm>> -> memref<1x80x128xi32, #tpu.memory_space<hbm>>
      %dma_start3A_68 = tpu.memref_squeeze %dma_start3A_67 : memref<1x80x128xi32, #tpu.memory_space<hbm>> -> memref<80x128xi32, #tpu.memory_space<hbm>>
      %dma_start3A_69 = arith.constant 0 : i32
      %dma_start3A_70 = arith.constant 0 : i32
      %dma_start3A_71 = tpu.memref_slice %arg4[%add3A_10, %dma_start3A_69, %dma_start3A_70] : memref<32x80x128xi32, #tpu.memory_space<hbm>> -> memref<1x80x128xi32, #tpu.memory_space<hbm>>
      %dma_start3A_72 = tpu.memref_squeeze %dma_start3A_71 : memref<1x80x128xi32, #tpu.memory_space<hbm>> -> memref<80x128xi32, #tpu.memory_space<hbm>>
      tpu.enqueue_dma source(%dma_start3A_72 : memref<80x128xi32, #tpu.memory_space<hbm>>) target(%arg11 : memref<80x128xi32, #tpu.memory_space<vmem>>) target_semaphore(%run_scoped3A : memref<!tpu.dma_semaphore, #tpu.memory_space<semaphore_mem>>)
      %dma_wait3A = arith.constant 0 : i32
      %dma_wait3A_73 = arith.constant 0 : i32
      %dma_wait3A_74 = tpu.memref_slice %arg4[%add3A_10, %dma_wait3A, %dma_wait3A_73] : memref<32x80x128xi32, #tpu.memory_space<hbm>> -> memref<1x80x128xi32, #tpu.memory_space<hbm>>
      %dma_wait3A_75 = tpu.memref_squeeze %dma_wait3A_74 : memref<1x80x128xi32, #tpu.memory_space<hbm>> -> memref<80x128xi32, #tpu.memory_space<hbm>>
      %dma_wait3A_76 = arith.constant 0 : i32
      %dma_wait3A_77 = arith.constant 0 : i32
      %dma_wait3A_78 = tpu.memref_slice %arg4[%add3A_10, %dma_wait3A_76, %dma_wait3A_77] : memref<32x80x128xi32, #tpu.memory_space<hbm>> -> memref<1x80x128xi32, #tpu.memory_space<hbm>>
      %dma_wait3A_79 = tpu.memref_squeeze %dma_wait3A_78 : memref<1x80x128xi32, #tpu.memory_space<hbm>> -> memref<80x128xi32, #tpu.memory_space<hbm>>
      tpu.wait_dma2 semaphore(%run_scoped3A : memref<!tpu.dma_semaphore, #tpu.memory_space<semaphore_mem>>) src(%dma_wait3A_79 : memref<80x128xi32, #tpu.memory_space<hbm>>) dst(%arg11 : memref<80x128xi32, #tpu.memory_space<vmem>>)
      tpu.yield
    }) : () -> ()
    %dma_start3A = arith.constant 0 : i32
    %dma_start3A_11 = arith.constant 0 : i32
    %dma_start3A_12 = tpu.memref_slice %arg10[%dma_start3A, %dma_start3A_11] : memref<80x128xi32, #tpu.memory_space<vmem>> -> memref<1x128xi32, #tpu.memory_space<vmem>>
    %dma_start3A_13 = tpu.memref_squeeze %dma_start3A_12 : memref<1x128xi32, #tpu.memory_space<vmem>> -> memref<128xi32, #tpu.memory_space<vmem>>
    %dma_start3A_14 = arith.constant 0 : i32
    %dma_start3A_15 = arith.constant 0 : i32
    %dma_start3A_16 = tpu.memref_slice %arg9[%dma_start3A_14, %dma_start3A_15] : memref<10240x64xf32, #tpu.memory_space<vmem_shared>> -> memref<10240x64xf32, #tpu.memory_space<vmem_shared>>
    tpu.enqueue_indirect_dma source(%dma_start3A_16 : memref<10240x64xf32, #tpu.memory_space<vmem_shared>>) target(%arg12 : memref<128x64xf32, #tpu.memory_space<vmem>>) offsets(%dma_start3A_13 : memref<128xi32, #tpu.memory_space<vmem>>) semaphore(%arg14 : memref<!tpu.dma_semaphore, #tpu.memory_space<semaphore_mem>>)
    %dma_start3A_17 = arith.constant 1 : i32
    %dma_start3A_18 = arith.constant 0 : i32
    %dma_start3A_19 = tpu.memref_slice %arg10[%dma_start3A_17, %dma_start3A_18] : memref<80x128xi32, #tpu.memory_space<vmem>> -> memref<1x128xi32, #tpu.memory_space<vmem>>
    %dma_start3A_20 = tpu.memref_squeeze %dma_start3A_19 : memref<1x128xi32, #tpu.memory_space<vmem>> -> memref<128xi32, #tpu.memory_space<vmem>>
    %dma_start3A_21 = arith.constant 0 : i32
    %dma_start3A_22 = arith.constant 0 : i32
    %dma_start3A_23 = tpu.memref_slice %arg9[%dma_start3A_21, %dma_start3A_22] : memref<10240x64xf32, #tpu.memory_space<vmem_shared>> -> memref<10240x64xf32, #tpu.memory_space<vmem_shared>>
    tpu.enqueue_indirect_dma source(%dma_start3A_23 : memref<10240x64xf32, #tpu.memory_space<vmem_shared>>) target(%arg13 : memref<128x64xf32, #tpu.memory_space<vmem>>) offsets(%dma_start3A_20 : memref<128xi32, #tpu.memory_space<vmem>>) semaphore(%arg15 : memref<!tpu.dma_semaphore, #tpu.memory_space<semaphore_mem>>)
    %scan3A = arith.constant 0 : i32
    %scan3A_24 = arith.constant 0 : i32
    %scan3A_25 = arith.constant 40 : i32
    %scan3A_26 = arith.addi %scan3A_24, %scan3A_25 : i32
    %scan3A_27 = arith.constant 1 : i32
    scf.for %scan3A_65 = %scan3A_24 to %scan3A_26 step %scan3A_27  : i32 {
      %mul3A_66 = arith.constant 2 : i32
      %mul3A_67 = arith.muli %scan3A_65, %mul3A_66 : i32
      %add3A_68 = arith.constant 0 : i32
      %add3A_69 = arith.addi %mul3A_67, %add3A_68 : i32
      %dma_wait3A = arith.constant 0 : i32
      %dma_wait3A_70 = arith.constant 0 : i32
      %dma_wait3A_71 = tpu.memref_slice %arg10[%dma_wait3A, %dma_wait3A_70] : memref<80x128xi32, #tpu.memory_space<vmem>> -> memref<1x128xi32, #tpu.memory_space<vmem>>
      %dma_wait3A_72 = tpu.memref_squeeze %dma_wait3A_71 : memref<1x128xi32, #tpu.memory_space<vmem>> -> memref<128xi32, #tpu.memory_space<vmem>>
      %dma_wait3A_73 = arith.constant 0 : i32
      %dma_wait3A_74 = arith.constant 0 : i32
      %dma_wait3A_75 = tpu.memref_slice %arg9[%dma_wait3A_73, %dma_wait3A_74] : memref<10240x64xf32, #tpu.memory_space<vmem_shared>> -> memref<10240x64xf32, #tpu.memory_space<vmem_shared>>
      tpu.wait_indirect_dma semaphore(%arg14 : memref<!tpu.dma_semaphore, #tpu.memory_space<semaphore_mem>>) src(%dma_wait3A_75 : memref<10240x64xf32, #tpu.memory_space<vmem_shared>>) dst(%arg12 : memref<128x64xf32, #tpu.memory_space<vmem>>)
      "tpu.region"() ({
        %run_scoped3A = tpu.sem_alloc : memref<!tpu.dma_semaphore, #tpu.memory_space<semaphore_mem>>
        %dma_start3A_100 = arith.constant 0 : i32
        %dma_start3A_101 = tpu.memref_slice %arg11[%add3A_69, %dma_start3A_100] : memref<80x128xi32, #tpu.memory_space<vmem>> -> memref<1x128xi32, #tpu.memory_space<vmem>>
        %dma_start3A_102 = tpu.memref_squeeze %dma_start3A_101 : memref<1x128xi32, #tpu.memory_space<vmem>> -> memref<128xi32, #tpu.memory_space<vmem>>
        %dma_start3A_103 = arith.constant 0 : i32
        %dma_start3A_104 = arith.constant 0 : i32
        %dma_start3A_105 = tpu.memref_slice %arg8[%dma_start3A_103, %dma_start3A_104] : memref<10240x64xf32, #tpu.memory_space<vmem_shared>> -> memref<10240x64xf32, #tpu.memory_space<vmem_shared>>
        tpu.enqueue_indirect_dma source(%arg12 : memref<128x64xf32, #tpu.memory_space<vmem>>) target(%dma_start3A_105 : memref<10240x64xf32, #tpu.memory_space<vmem_shared>>) offsets(%dma_start3A_102 : memref<128xi32, #tpu.memory_space<vmem>>) semaphore(%run_scoped3A : memref<!tpu.dma_semaphore, #tpu.memory_space<semaphore_mem>>) {add = true}
        %dma_wait3A_106 = arith.constant 0 : i32
        %dma_wait3A_107 = tpu.memref_slice %arg11[%add3A_69, %dma_wait3A_106] : memref<80x128xi32, #tpu.memory_space<vmem>> -> memref<1x128xi32, #tpu.memory_space<vmem>>
        %dma_wait3A_108 = tpu.memref_squeeze %dma_wait3A_107 : memref<1x128xi32, #tpu.memory_space<vmem>> -> memref<128xi32, #tpu.memory_space<vmem>>
        %dma_wait3A_109 = arith.constant 0 : i32
        %dma_wait3A_110 = arith.constant 0 : i32
        %dma_wait3A_111 = tpu.memref_slice %arg8[%dma_wait3A_109, %dma_wait3A_110] : memref<10240x64xf32, #tpu.memory_space<vmem_shared>> -> memref<10240x64xf32, #tpu.memory_space<vmem_shared>>
        tpu.wait_indirect_dma semaphore(%run_scoped3A : memref<!tpu.dma_semaphore, #tpu.memory_space<semaphore_mem>>) src(%arg12 : memref<128x64xf32, #tpu.memory_space<vmem>>) dst(%dma_wait3A_111 : memref<10240x64xf32, #tpu.memory_space<vmem_shared>>)
        tpu.yield
      }) : () -> ()
      %add3A_76 = arith.constant 2 : i32
      %add3A_77 = arith.addi %add3A_69, %add3A_76 : i32
      %lt3A = arith.constant 80 : i32
      %lt3A_78 = arith.cmpi slt, %add3A_77, %lt3A : i32
      %convert_element_type3A_79 = arith.extui %lt3A_78 : i1 to i32
      %cond3A_80 = arith.constant 0 : i32
      %cond3A_81 = arith.cmpi ne, %convert_element_type3A_79, %cond3A_80 : i32
      scf.if %cond3A_81 {
        %add3A_100 = arith.constant 2 : i32
        %add3A_101 = arith.addi %add3A_69, %add3A_100 : i32
        %dma_start3A_102 = arith.constant 0 : i32
        %dma_start3A_103 = tpu.memref_slice %arg10[%add3A_101, %dma_start3A_102] : memref<80x128xi32, #tpu.memory_space<vmem>> -> memref<1x128xi32, #tpu.memory_space<vmem>>
        %dma_start3A_104 = tpu.memref_squeeze %dma_start3A_103 : memref<1x128xi32, #tpu.memory_space<vmem>> -> memref<128xi32, #tpu.memory_space<vmem>>
        %dma_start3A_105 = arith.constant 0 : i32
        %dma_start3A_106 = arith.constant 0 : i32
        %dma_start3A_107 = tpu.memref_slice %arg9[%dma_start3A_105, %dma_start3A_106] : memref<10240x64xf32, #tpu.memory_space<vmem_shared>> -> memref<10240x64xf32, #tpu.memory_space<vmem_shared>>
        tpu.enqueue_indirect_dma source(%dma_start3A_107 : memref<10240x64xf32, #tpu.memory_space<vmem_shared>>) target(%arg12 : memref<128x64xf32, #tpu.memory_space<vmem>>) offsets(%dma_start3A_104 : memref<128xi32, #tpu.memory_space<vmem>>) semaphore(%arg14 : memref<!tpu.dma_semaphore, #tpu.memory_space<semaphore_mem>>)
      } else {
      }
      %mul3A_82 = arith.constant 2 : i32
      %mul3A_83 = arith.muli %scan3A_65, %mul3A_82 : i32
      %add3A_84 = arith.constant 1 : i32
      %add3A_85 = arith.addi %mul3A_83, %add3A_84 : i32
      %dma_wait3A_86 = arith.constant 1 : i32
      %dma_wait3A_87 = arith.constant 0 : i32
      %dma_wait3A_88 = tpu.memref_slice %arg10[%dma_wait3A_86, %dma_wait3A_87] : memref<80x128xi32, #tpu.memory_space<vmem>> -> memref<1x128xi32, #tpu.memory_space<vmem>>
      %dma_wait3A_89 = tpu.memref_squeeze %dma_wait3A_88 : memref<1x128xi32, #tpu.memory_space<vmem>> -> memref<128xi32, #tpu.memory_space<vmem>>
      %dma_wait3A_90 = arith.constant 0 : i32
      %dma_wait3A_91 = arith.constant 0 : i32
      %dma_wait3A_92 = tpu.memref_slice %arg9[%dma_wait3A_90, %dma_wait3A_91] : memref<10240x64xf32, #tpu.memory_space<vmem_shared>> -> memref<10240x64xf32, #tpu.memory_space<vmem_shared>>
      tpu.wait_indirect_dma semaphore(%arg15 : memref<!tpu.dma_semaphore, #tpu.memory_space<semaphore_mem>>) src(%dma_wait3A_92 : memref<10240x64xf32, #tpu.memory_space<vmem_shared>>) dst(%arg13 : memref<128x64xf32, #tpu.memory_space<vmem>>)
      "tpu.region"() ({
        %run_scoped3A = tpu.sem_alloc : memref<!tpu.dma_semaphore, #tpu.memory_space<semaphore_mem>>
        %dma_start3A_100 = arith.constant 0 : i32
        %dma_start3A_101 = tpu.memref_slice %arg11[%add3A_85, %dma_start3A_100] : memref<80x128xi32, #tpu.memory_space<vmem>> -> memref<1x128xi32, #tpu.memory_space<vmem>>
        %dma_start3A_102 = tpu.memref_squeeze %dma_start3A_101 : memref<1x128xi32, #tpu.memory_space<vmem>> -> memref<128xi32, #tpu.memory_space<vmem>>
        %dma_start3A_103 = arith.constant 0 : i32
        %dma_start3A_104 = arith.constant 0 : i32
        %dma_start3A_105 = tpu.memref_slice %arg8[%dma_start3A_103, %dma_start3A_104] : memref<10240x64xf32, #tpu.memory_space<vmem_shared>> -> memref<10240x64xf32, #tpu.memory_space<vmem_shared>>
        tpu.enqueue_indirect_dma source(%arg13 : memref<128x64xf32, #tpu.memory_space<vmem>>) target(%dma_start3A_105 : memref<10240x64xf32, #tpu.memory_space<vmem_shared>>) offsets(%dma_start3A_102 : memref<128xi32, #tpu.memory_space<vmem>>) semaphore(%run_scoped3A : memref<!tpu.dma_semaphore, #tpu.memory_space<semaphore_mem>>) {add = true}
        %dma_wait3A_106 = arith.constant 0 : i32
        %dma_wait3A_107 = tpu.memref_slice %arg11[%add3A_85, %dma_wait3A_106] : memref<80x128xi32, #tpu.memory_space<vmem>> -> memref<1x128xi32, #tpu.memory_space<vmem>>
        %dma_wait3A_108 = tpu.memref_squeeze %dma_wait3A_107 : memref<1x128xi32, #tpu.memory_space<vmem>> -> memref<128xi32, #tpu.memory_space<vmem>>
        %dma_wait3A_109 = arith.constant 0 : i32
        %dma_wait3A_110 = arith.constant 0 : i32
        %dma_wait3A_111 = tpu.memref_slice %arg8[%dma_wait3A_109, %dma_wait3A_110] : memref<10240x64xf32, #tpu.memory_space<vmem_shared>> -> memref<10240x64xf32, #tpu.memory_space<vmem_shared>>
        tpu.wait_indirect_dma semaphore(%run_scoped3A : memref<!tpu.dma_semaphore, #tpu.memory_space<semaphore_mem>>) src(%arg13 : memref<128x64xf32, #tpu.memory_space<vmem>>) dst(%dma_wait3A_111 : memref<10240x64xf32, #tpu.memory_space<vmem_shared>>)
        tpu.yield
      }) : () -> ()
      %add3A_93 = arith.constant 2 : i32
      %add3A_94 = arith.addi %add3A_85, %add3A_93 : i32
      %lt3A_95 = arith.constant 80 : i32
      %lt3A_96 = arith.cmpi slt, %add3A_94, %lt3A_95 : i32
      %convert_element_type3A_97 = arith.extui %lt3A_96 : i1 to i32
      %cond3A_98 = arith.constant 0 : i32
      %cond3A_99 = arith.cmpi ne, %convert_element_type3A_97, %cond3A_98 : i32
      scf.if %cond3A_99 {
        %add3A_100 = arith.constant 2 : i32
        %add3A_101 = arith.addi %add3A_85, %add3A_100 : i32
        %dma_start3A_102 = arith.constant 0 : i32
        %dma_start3A_103 = tpu.memref_slice %arg10[%add3A_101, %dma_start3A_102] : memref<80x128xi32, #tpu.memory_space<vmem>> -> memref<1x128xi32, #tpu.memory_space<vmem>>
        %dma_start3A_104 = tpu.memref_squeeze %dma_start3A_103 : memref<1x128xi32, #tpu.memory_space<vmem>> -> memref<128xi32, #tpu.memory_space<vmem>>
        %dma_start3A_105 = arith.constant 0 : i32
        %dma_start3A_106 = arith.constant 0 : i32
        %dma_start3A_107 = tpu.memref_slice %arg9[%dma_start3A_105, %dma_start3A_106] : memref<10240x64xf32, #tpu.memory_space<vmem_shared>> -> memref<10240x64xf32, #tpu.memory_space<vmem_shared>>
        tpu.enqueue_indirect_dma source(%dma_start3A_107 : memref<10240x64xf32, #tpu.memory_space<vmem_shared>>) target(%arg13 : memref<128x64xf32, #tpu.memory_space<vmem>>) offsets(%dma_start3A_104 : memref<128xi32, #tpu.memory_space<vmem>>) semaphore(%arg15 : memref<!tpu.dma_semaphore, #tpu.memory_space<semaphore_mem>>)
      } else {
      }
    }
    %scan3A_28 = arith.constant 40 : i32
    %mul3A_29 = arith.constant 2 : i32
    %mul3A_30 = arith.muli %arg1, %mul3A_29 : i32
    %add3A_31 = arith.constant 1 : i32
    %add3A_32 = arith.addi %mul3A_30, %add3A_31 : i32
    "tpu.region"() ({
      %run_scoped3A = tpu.sem_alloc : memref<!tpu.dma_semaphore, #tpu.memory_space<semaphore_mem>>
      %dma_start3A_65 = arith.constant 0 : i32
      %dma_start3A_66 = arith.constant 0 : i32
      %dma_start3A_67 = tpu.memref_slice %arg3[%add3A_32, %dma_start3A_65, %dma_start3A_66] : memref<32x80x128xi32, #tpu.memory_space<hbm>> -> memref<1x80x128xi32, #tpu.memory_space<hbm>>
      %dma_start3A_68 = tpu.memref_squeeze %dma_start3A_67 : memref<1x80x128xi32, #tpu.memory_space<hbm>> -> memref<80x128xi32, #tpu.memory_space<hbm>>
      %dma_start3A_69 = arith.constant 0 : i32
      %dma_start3A_70 = arith.constant 0 : i32
      %dma_start3A_71 = tpu.memref_slice %arg3[%add3A_32, %dma_start3A_69, %dma_start3A_70] : memref<32x80x128xi32, #tpu.memory_space<hbm>> -> memref<1x80x128xi32, #tpu.memory_space<hbm>>
      %dma_start3A_72 = tpu.memref_squeeze %dma_start3A_71 : memref<1x80x128xi32, #tpu.memory_space<hbm>> -> memref<80x128xi32, #tpu.memory_space<hbm>>
      tpu.enqueue_dma source(%dma_start3A_72 : memref<80x128xi32, #tpu.memory_space<hbm>>) target(%arg10 : memref<80x128xi32, #tpu.memory_space<vmem>>) target_semaphore(%run_scoped3A : memref<!tpu.dma_semaphore, #tpu.memory_space<semaphore_mem>>)
      %dma_wait3A = arith.constant 0 : i32
      %dma_wait3A_73 = arith.constant 0 : i32
      %dma_wait3A_74 = tpu.memref_slice %arg3[%add3A_32, %dma_wait3A, %dma_wait3A_73] : memref<32x80x128xi32, #tpu.memory_space<hbm>> -> memref<1x80x128xi32, #tpu.memory_space<hbm>>
      %dma_wait3A_75 = tpu.memref_squeeze %dma_wait3A_74 : memref<1x80x128xi32, #tpu.memory_space<hbm>> -> memref<80x128xi32, #tpu.memory_space<hbm>>
      %dma_wait3A_76 = arith.constant 0 : i32
      %dma_wait3A_77 = arith.constant 0 : i32
      %dma_wait3A_78 = tpu.memref_slice %arg3[%add3A_32, %dma_wait3A_76, %dma_wait3A_77] : memref<32x80x128xi32, #tpu.memory_space<hbm>> -> memref<1x80x128xi32, #tpu.memory_space<hbm>>
      %dma_wait3A_79 = tpu.memref_squeeze %dma_wait3A_78 : memref<1x80x128xi32, #tpu.memory_space<hbm>> -> memref<80x128xi32, #tpu.memory_space<hbm>>
      tpu.wait_dma2 semaphore(%run_scoped3A : memref<!tpu.dma_semaphore, #tpu.memory_space<semaphore_mem>>) src(%dma_wait3A_79 : memref<80x128xi32, #tpu.memory_space<hbm>>) dst(%arg10 : memref<80x128xi32, #tpu.memory_space<vmem>>)
      tpu.yield
    }) : () -> ()
    %mul3A_33 = arith.constant 2 : i32
    %mul3A_34 = arith.muli %arg1, %mul3A_33 : i32
    %add3A_35 = arith.constant 1 : i32
    %add3A_36 = arith.addi %mul3A_34, %add3A_35 : i32
    "tpu.region"() ({
      %run_scoped3A = tpu.sem_alloc : memref<!tpu.dma_semaphore, #tpu.memory_space<semaphore_mem>>
      %dma_start3A_65 = arith.constant 0 : i32
      %dma_start3A_66 = arith.constant 0 : i32
      %dma_start3A_67 = tpu.memref_slice %arg4[%add3A_36, %dma_start3A_65, %dma_start3A_66] : memref<32x80x128xi32, #tpu.memory_space<hbm>> -> memref<1x80x128xi32, #tpu.memory_space<hbm>>
      %dma_start3A_68 = tpu.memref_squeeze %dma_start3A_67 : memref<1x80x128xi32, #tpu.memory_space<hbm>> -> memref<80x128xi32, #tpu.memory_space<hbm>>
      %dma_start3A_69 = arith.constant 0 : i32
      %dma_start3A_70 = arith.constant 0 : i32
      %dma_start3A_71 = tpu.memref_slice %arg4[%add3A_36, %dma_start3A_69, %dma_start3A_70] : memref<32x80x128xi32, #tpu.memory_space<hbm>> -> memref<1x80x128xi32, #tpu.memory_space<hbm>>
      %dma_start3A_72 = tpu.memref_squeeze %dma_start3A_71 : memref<1x80x128xi32, #tpu.memory_space<hbm>> -> memref<80x128xi32, #tpu.memory_space<hbm>>
      tpu.enqueue_dma source(%dma_start3A_72 : memref<80x128xi32, #tpu.memory_space<hbm>>) target(%arg11 : memref<80x128xi32, #tpu.memory_space<vmem>>) target_semaphore(%run_scoped3A : memref<!tpu.dma_semaphore, #tpu.memory_space<semaphore_mem>>)
      %dma_wait3A = arith.constant 0 : i32
      %dma_wait3A_73 = arith.constant 0 : i32
      %dma_wait3A_74 = tpu.memref_slice %arg4[%add3A_36, %dma_wait3A, %dma_wait3A_73] : memref<32x80x128xi32, #tpu.memory_space<hbm>> -> memref<1x80x128xi32, #tpu.memory_space<hbm>>
      %dma_wait3A_75 = tpu.memref_squeeze %dma_wait3A_74 : memref<1x80x128xi32, #tpu.memory_space<hbm>> -> memref<80x128xi32, #tpu.memory_space<hbm>>
      %dma_wait3A_76 = arith.constant 0 : i32
      %dma_wait3A_77 = arith.constant 0 : i32
      %dma_wait3A_78 = tpu.memref_slice %arg4[%add3A_36, %dma_wait3A_76, %dma_wait3A_77] : memref<32x80x128xi32, #tpu.memory_space<hbm>> -> memref<1x80x128xi32, #tpu.memory_space<hbm>>
      %dma_wait3A_79 = tpu.memref_squeeze %dma_wait3A_78 : memref<1x80x128xi32, #tpu.memory_space<hbm>> -> memref<80x128xi32, #tpu.memory_space<hbm>>
      tpu.wait_dma2 semaphore(%run_scoped3A : memref<!tpu.dma_semaphore, #tpu.memory_space<semaphore_mem>>) src(%dma_wait3A_79 : memref<80x128xi32, #tpu.memory_space<hbm>>) dst(%arg11 : memref<80x128xi32, #tpu.memory_space<vmem>>)
      tpu.yield
    }) : () -> ()
    %dma_start3A_37 = arith.constant 0 : i32
    %dma_start3A_38 = arith.constant 0 : i32
    %dma_start3A_39 = tpu.memref_slice %arg10[%dma_start3A_37, %dma_start3A_38] : memref<80x128xi32, #tpu.memory_space<vmem>> -> memref<1x128xi32, #tpu.memory_space<vmem>>
    %dma_start3A_40 = tpu.memref_squeeze %dma_start3A_39 : memref<1x128xi32, #tpu.memory_space<vmem>> -> memref<128xi32, #tpu.memory_space<vmem>>
    %dma_start3A_41 = arith.constant 0 : i32
    %dma_start3A_42 = arith.constant 0 : i32
    %dma_start3A_43 = tpu.memref_slice %arg9[%dma_start3A_41, %dma_start3A_42] : memref<10240x64xf32, #tpu.memory_space<vmem_shared>> -> memref<10240x64xf32, #tpu.memory_space<vmem_shared>>
    tpu.enqueue_indirect_dma source(%dma_start3A_43 : memref<10240x64xf32, #tpu.memory_space<vmem_shared>>) target(%arg12 : memref<128x64xf32, #tpu.memory_space<vmem>>) offsets(%dma_start3A_40 : memref<128xi32, #tpu.memory_space<vmem>>) semaphore(%arg14 : memref<!tpu.dma_semaphore, #tpu.memory_space<semaphore_mem>>)
    %dma_start3A_44 = arith.constant 1 : i32
    %dma_start3A_45 = arith.constant 0 : i32
    %dma_start3A_46 = tpu.memref_slice %arg10[%dma_start3A_44, %dma_start3A_45] : memref<80x128xi32, #tpu.memory_space<vmem>> -> memref<1x128xi32, #tpu.memory_space<vmem>>
    %dma_start3A_47 = tpu.memref_squeeze %dma_start3A_46 : memref<1x128xi32, #tpu.memory_space<vmem>> -> memref<128xi32, #tpu.memory_space<vmem>>
    %dma_start3A_48 = arith.constant 0 : i32
    %dma_start3A_49 = arith.constant 0 : i32
    %dma_start3A_50 = tpu.memref_slice %arg9[%dma_start3A_48, %dma_start3A_49] : memref<10240x64xf32, #tpu.memory_space<vmem_shared>> -> memref<10240x64xf32, #tpu.memory_space<vmem_shared>>
    tpu.enqueue_indirect_dma source(%dma_start3A_50 : memref<10240x64xf32, #tpu.memory_space<vmem_shared>>) target(%arg13 : memref<128x64xf32, #tpu.memory_space<vmem>>) offsets(%dma_start3A_47 : memref<128xi32, #tpu.memory_space<vmem>>) semaphore(%arg15 : memref<!tpu.dma_semaphore, #tpu.memory_space<semaphore_mem>>)
    %scan3A_51 = arith.constant 0 : i32
    %scan3A_52 = arith.constant 0 : i32
    %scan3A_53 = arith.constant 40 : i32
    %scan3A_54 = arith.addi %scan3A_52, %scan3A_53 : i32
    %scan3A_55 = arith.constant 1 : i32
    scf.for %scan3A_65 = %scan3A_52 to %scan3A_54 step %scan3A_55  : i32 {
      %mul3A_66 = arith.constant 2 : i32
      %mul3A_67 = arith.muli %scan3A_65, %mul3A_66 : i32
      %add3A_68 = arith.constant 0 : i32
      %add3A_69 = arith.addi %mul3A_67, %add3A_68 : i32
      %dma_wait3A = arith.constant 0 : i32
      %dma_wait3A_70 = arith.constant 0 : i32
      %dma_wait3A_71 = tpu.memref_slice %arg10[%dma_wait3A, %dma_wait3A_70] : memref<80x128xi32, #tpu.memory_space<vmem>> -> memref<1x128xi32, #tpu.memory_space<vmem>>
      %dma_wait3A_72 = tpu.memref_squeeze %dma_wait3A_71 : memref<1x128xi32, #tpu.memory_space<vmem>> -> memref<128xi32, #tpu.memory_space<vmem>>
      %dma_wait3A_73 = arith.constant 0 : i32
      %dma_wait3A_74 = arith.constant 0 : i32
      %dma_wait3A_75 = tpu.memref_slice %arg9[%dma_wait3A_73, %dma_wait3A_74] : memref<10240x64xf32, #tpu.memory_space<vmem_shared>> -> memref<10240x64xf32, #tpu.memory_space<vmem_shared>>
      tpu.wait_indirect_dma semaphore(%arg14 : memref<!tpu.dma_semaphore, #tpu.memory_space<semaphore_mem>>) src(%dma_wait3A_75 : memref<10240x64xf32, #tpu.memory_space<vmem_shared>>) dst(%arg12 : memref<128x64xf32, #tpu.memory_space<vmem>>)
      "tpu.region"() ({
        %run_scoped3A = tpu.sem_alloc : memref<!tpu.dma_semaphore, #tpu.memory_space<semaphore_mem>>
        %dma_start3A_100 = arith.constant 0 : i32
        %dma_start3A_101 = tpu.memref_slice %arg11[%add3A_69, %dma_start3A_100] : memref<80x128xi32, #tpu.memory_space<vmem>> -> memref<1x128xi32, #tpu.memory_space<vmem>>
        %dma_start3A_102 = tpu.memref_squeeze %dma_start3A_101 : memref<1x128xi32, #tpu.memory_space<vmem>> -> memref<128xi32, #tpu.memory_space<vmem>>
        %dma_start3A_103 = arith.constant 0 : i32
        %dma_start3A_104 = arith.constant 0 : i32
        %dma_start3A_105 = tpu.memref_slice %arg8[%dma_start3A_103, %dma_start3A_104] : memref<10240x64xf32, #tpu.memory_space<vmem_shared>> -> memref<10240x64xf32, #tpu.memory_space<vmem_shared>>
        tpu.enqueue_indirect_dma source(%arg12 : memref<128x64xf32, #tpu.memory_space<vmem>>) target(%dma_start3A_105 : memref<10240x64xf32, #tpu.memory_space<vmem_shared>>) offsets(%dma_start3A_102 : memref<128xi32, #tpu.memory_space<vmem>>) semaphore(%run_scoped3A : memref<!tpu.dma_semaphore, #tpu.memory_space<semaphore_mem>>) {add = true}
        %dma_wait3A_106 = arith.constant 0 : i32
        %dma_wait3A_107 = tpu.memref_slice %arg11[%add3A_69, %dma_wait3A_106] : memref<80x128xi32, #tpu.memory_space<vmem>> -> memref<1x128xi32, #tpu.memory_space<vmem>>
        %dma_wait3A_108 = tpu.memref_squeeze %dma_wait3A_107 : memref<1x128xi32, #tpu.memory_space<vmem>> -> memref<128xi32, #tpu.memory_space<vmem>>
        %dma_wait3A_109 = arith.constant 0 : i32
        %dma_wait3A_110 = arith.constant 0 : i32
        %dma_wait3A_111 = tpu.memref_slice %arg8[%dma_wait3A_109, %dma_wait3A_110] : memref<10240x64xf32, #tpu.memory_space<vmem_shared>> -> memref<10240x64xf32, #tpu.memory_space<vmem_shared>>
        tpu.wait_indirect_dma semaphore(%run_scoped3A : memref<!tpu.dma_semaphore, #tpu.memory_space<semaphore_mem>>) src(%arg12 : memref<128x64xf32, #tpu.memory_space<vmem>>) dst(%dma_wait3A_111 : memref<10240x64xf32, #tpu.memory_space<vmem_shared>>)
        tpu.yield
      }) : () -> ()
      %add3A_76 = arith.constant 2 : i32
      %add3A_77 = arith.addi %add3A_69, %add3A_76 : i32
      %lt3A = arith.constant 80 : i32
      %lt3A_78 = arith.cmpi slt, %add3A_77, %lt3A : i32
      %convert_element_type3A_79 = arith.extui %lt3A_78 : i1 to i32
      %cond3A_80 = arith.constant 0 : i32
      %cond3A_81 = arith.cmpi ne, %convert_element_type3A_79, %cond3A_80 : i32
      scf.if %cond3A_81 {
        %add3A_100 = arith.constant 2 : i32
        %add3A_101 = arith.addi %add3A_69, %add3A_100 : i32
        %dma_start3A_102 = arith.constant 0 : i32
        %dma_start3A_103 = tpu.memref_slice %arg10[%add3A_101, %dma_start3A_102] : memref<80x128xi32, #tpu.memory_space<vmem>> -> memref<1x128xi32, #tpu.memory_space<vmem>>
        %dma_start3A_104 = tpu.memref_squeeze %dma_start3A_103 : memref<1x128xi32, #tpu.memory_space<vmem>> -> memref<128xi32, #tpu.memory_space<vmem>>
        %dma_start3A_105 = arith.constant 0 : i32
        %dma_start3A_106 = arith.constant 0 : i32
        %dma_start3A_107 = tpu.memref_slice %arg9[%dma_start3A_105, %dma_start3A_106] : memref<10240x64xf32, #tpu.memory_space<vmem_shared>> -> memref<10240x64xf32, #tpu.memory_space<vmem_shared>>
        tpu.enqueue_indirect_dma source(%dma_start3A_107 : memref<10240x64xf32, #tpu.memory_space<vmem_shared>>) target(%arg12 : memref<128x64xf32, #tpu.memory_space<vmem>>) offsets(%dma_start3A_104 : memref<128xi32, #tpu.memory_space<vmem>>) semaphore(%arg14 : memref<!tpu.dma_semaphore, #tpu.memory_space<semaphore_mem>>)
      } else {
      }
      %mul3A_82 = arith.constant 2 : i32
      %mul3A_83 = arith.muli %scan3A_65, %mul3A_82 : i32
      %add3A_84 = arith.constant 1 : i32
      %add3A_85 = arith.addi %mul3A_83, %add3A_84 : i32
      %dma_wait3A_86 = arith.constant 1 : i32
      %dma_wait3A_87 = arith.constant 0 : i32
      %dma_wait3A_88 = tpu.memref_slice %arg10[%dma_wait3A_86, %dma_wait3A_87] : memref<80x128xi32, #tpu.memory_space<vmem>> -> memref<1x128xi32, #tpu.memory_space<vmem>>
      %dma_wait3A_89 = tpu.memref_squeeze %dma_wait3A_88 : memref<1x128xi32, #tpu.memory_space<vmem>> -> memref<128xi32, #tpu.memory_space<vmem>>
      %dma_wait3A_90 = arith.constant 0 : i32
      %dma_wait3A_91 = arith.constant 0 : i32
      %dma_wait3A_92 = tpu.memref_slice %arg9[%dma_wait3A_90, %dma_wait3A_91] : memref<10240x64xf32, #tpu.memory_space<vmem_shared>> -> memref<10240x64xf32, #tpu.memory_space<vmem_shared>>
      tpu.wait_indirect_dma semaphore(%arg15 : memref<!tpu.dma_semaphore, #tpu.memory_space<semaphore_mem>>) src(%dma_wait3A_92 : memref<10240x64xf32, #tpu.memory_space<vmem_shared>>) dst(%arg13 : memref<128x64xf32, #tpu.memory_space<vmem>>)
      "tpu.region"() ({
        %run_scoped3A = tpu.sem_alloc : memref<!tpu.dma_semaphore, #tpu.memory_space<semaphore_mem>>
        %dma_start3A_100 = arith.constant 0 : i32
        %dma_start3A_101 = tpu.memref_slice %arg11[%add3A_85, %dma_start3A_100] : memref<80x128xi32, #tpu.memory_space<vmem>> -> memref<1x128xi32, #tpu.memory_space<vmem>>
        %dma_start3A_102 = tpu.memref_squeeze %dma_start3A_101 : memref<1x128xi32, #tpu.memory_space<vmem>> -> memref<128xi32, #tpu.memory_space<vmem>>
        %dma_start3A_103 = arith.constant 0 : i32
        %dma_start3A_104 = arith.constant 0 : i32
        %dma_start3A_105 = tpu.memref_slice %arg8[%dma_start3A_103, %dma_start3A_104] : memref<10240x64xf32, #tpu.memory_space<vmem_shared>> -> memref<10240x64xf32, #tpu.memory_space<vmem_shared>>
        tpu.enqueue_indirect_dma source(%arg13 : memref<128x64xf32, #tpu.memory_space<vmem>>) target(%dma_start3A_105 : memref<10240x64xf32, #tpu.memory_space<vmem_shared>>) offsets(%dma_start3A_102 : memref<128xi32, #tpu.memory_space<vmem>>) semaphore(%run_scoped3A : memref<!tpu.dma_semaphore, #tpu.memory_space<semaphore_mem>>) {add = true}
        %dma_wait3A_106 = arith.constant 0 : i32
        %dma_wait3A_107 = tpu.memref_slice %arg11[%add3A_85, %dma_wait3A_106] : memref<80x128xi32, #tpu.memory_space<vmem>> -> memref<1x128xi32, #tpu.memory_space<vmem>>
        %dma_wait3A_108 = tpu.memref_squeeze %dma_wait3A_107 : memref<1x128xi32, #tpu.memory_space<vmem>> -> memref<128xi32, #tpu.memory_space<vmem>>
        %dma_wait3A_109 = arith.constant 0 : i32
        %dma_wait3A_110 = arith.constant 0 : i32
        %dma_wait3A_111 = tpu.memref_slice %arg8[%dma_wait3A_109, %dma_wait3A_110] : memref<10240x64xf32, #tpu.memory_space<vmem_shared>> -> memref<10240x64xf32, #tpu.memory_space<vmem_shared>>
        tpu.wait_indirect_dma semaphore(%run_scoped3A : memref<!tpu.dma_semaphore, #tpu.memory_space<semaphore_mem>>) src(%arg13 : memref<128x64xf32, #tpu.memory_space<vmem>>) dst(%dma_wait3A_111 : memref<10240x64xf32, #tpu.memory_space<vmem_shared>>)
        tpu.yield
      }) : () -> ()
      %add3A_93 = arith.constant 2 : i32
      %add3A_94 = arith.addi %add3A_85, %add3A_93 : i32
      %lt3A_95 = arith.constant 80 : i32
      %lt3A_96 = arith.cmpi slt, %add3A_94, %lt3A_95 : i32
      %convert_element_type3A_97 = arith.extui %lt3A_96 : i1 to i32
      %cond3A_98 = arith.constant 0 : i32
      %cond3A_99 = arith.cmpi ne, %convert_element_type3A_97, %cond3A_98 : i32
      scf.if %cond3A_99 {
        %add3A_100 = arith.constant 2 : i32
        %add3A_101 = arith.addi %add3A_85, %add3A_100 : i32
        %dma_start3A_102 = arith.constant 0 : i32
        %dma_start3A_103 = tpu.memref_slice %arg10[%add3A_101, %dma_start3A_102] : memref<80x128xi32, #tpu.memory_space<vmem>> -> memref<1x128xi32, #tpu.memory_space<vmem>>
        %dma_start3A_104 = tpu.memref_squeeze %dma_start3A_103 : memref<1x128xi32, #tpu.memory_space<vmem>> -> memref<128xi32, #tpu.memory_space<vmem>>
        %dma_start3A_105 = arith.constant 0 : i32
        %dma_start3A_106 = arith.constant 0 : i32
        %dma_start3A_107 = tpu.memref_slice %arg9[%dma_start3A_105, %dma_start3A_106] : memref<10240x64xf32, #tpu.memory_space<vmem_shared>> -> memref<10240x64xf32, #tpu.memory_space<vmem_shared>>
        tpu.enqueue_indirect_dma source(%dma_start3A_107 : memref<10240x64xf32, #tpu.memory_space<vmem_shared>>) target(%arg13 : memref<128x64xf32, #tpu.memory_space<vmem>>) offsets(%dma_start3A_104 : memref<128xi32, #tpu.memory_space<vmem>>) semaphore(%arg15 : memref<!tpu.dma_semaphore, #tpu.memory_space<semaphore_mem>>)
      } else {
      }
    }
    %scan3A_56 = arith.constant 40 : i32
    %barrier3A_57 = arith.constant 0 : index
    tpu.barrier barrier_id(%barrier3A_57)
    %eq3A = arith.constant 0 : i32
    %eq3A_58 = arith.cmpi eq, %arg0, %eq3A : i32
    %convert_element_type3A = arith.extui %eq3A_58 : i1 to i32
    %cond3A = arith.constant 0 : i32
    %cond3A_59 = arith.cmpi ne, %convert_element_type3A, %cond3A : i32
    scf.if %cond3A_59 {
      "tpu.region"() ({
        %run_scoped3A = tpu.sem_alloc : memref<!tpu.dma_semaphore, #tpu.memory_space<semaphore_mem>>
        %dma_start3A_65 = arith.constant 0 : i32
        %dma_start3A_66 = tpu.memref_slice %arg6[%mul3A_0, %dma_start3A_65] : memref<10240x64xf32, #tpu.memory_space<hbm>> -> memref<640x64xf32, #tpu.memory_space<hbm>>
        %dma_start3A_67 = arith.constant 0 : i32
        %dma_start3A_68 = tpu.memref_slice %arg8[%mul3A_0, %dma_start3A_67] : memref<10240x64xf32, #tpu.memory_space<vmem_shared>> -> memref<640x64xf32, #tpu.memory_space<vmem_shared>>
        tpu.enqueue_dma source(%dma_start3A_68 : memref<640x64xf32, #tpu.memory_space<vmem_shared>>) target(%dma_start3A_66 : memref<640x64xf32, #tpu.memory_space<hbm>>) target_semaphore(%run_scoped3A : memref<!tpu.dma_semaphore, #tpu.memory_space<semaphore_mem>>)
        %dma_wait3A = arith.constant 0 : i32
        %dma_wait3A_69 = tpu.memref_slice %arg6[%mul3A_0, %dma_wait3A] : memref<10240x64xf32, #tpu.memory_space<hbm>> -> memref<640x64xf32, #tpu.memory_space<hbm>>
        %dma_wait3A_70 = arith.constant 0 : i32
        %dma_wait3A_71 = tpu.memref_slice %arg8[%mul3A_0, %dma_wait3A_70] : memref<10240x64xf32, #tpu.memory_space<vmem_shared>> -> memref<640x64xf32, #tpu.memory_space<vmem_shared>>
        tpu.wait_dma2 semaphore(%run_scoped3A : memref<!tpu.dma_semaphore, #tpu.memory_space<semaphore_mem>>) src(%dma_wait3A_71 : memref<640x64xf32, #tpu.memory_space<vmem_shared>>) dst(%dma_wait3A_69 : memref<640x64xf32, #tpu.memory_space<hbm>>)
        tpu.yield
      }) : () -> ()
    } else {
    }
    %eq3A_60 = arith.constant 1 : i32
    %eq3A_61 = arith.cmpi eq, %arg0, %eq3A_60 : i32
    %convert_element_type3A_62 = arith.extui %eq3A_61 : i1 to i32
    %cond3A_63 = arith.constant 0 : i32
    %cond3A_64 = arith.cmpi ne, %convert_element_type3A_62, %cond3A_63 : i32
    scf.if %cond3A_64 {
      "tpu.region"() ({
        %run_scoped3A = tpu.sem_alloc : memref<!tpu.dma_semaphore, #tpu.memory_space<semaphore_mem>>
        %dma_start3A_65 = arith.constant 0 : i32
        %dma_start3A_66 = tpu.memref_slice %arg7[%mul3A_0, %dma_start3A_65] : memref<10240x64xf32, #tpu.memory_space<hbm>> -> memref<640x64xf32, #tpu.memory_space<hbm>>
        %dma_start3A_67 = arith.constant 0 : i32
        %dma_start3A_68 = tpu.memref_slice %arg8[%mul3A_0, %dma_start3A_67] : memref<10240x64xf32, #tpu.memory_space<vmem_shared>> -> memref<640x64xf32, #tpu.memory_space<vmem_shared>>
        tpu.enqueue_dma source(%dma_start3A_68 : memref<640x64xf32, #tpu.memory_space<vmem_shared>>) target(%dma_start3A_66 : memref<640x64xf32, #tpu.memory_space<hbm>>) target_semaphore(%run_scoped3A : memref<!tpu.dma_semaphore, #tpu.memory_space<semaphore_mem>>)
        %dma_wait3A = arith.constant 0 : i32
        %dma_wait3A_69 = tpu.memref_slice %arg7[%mul3A_0, %dma_wait3A] : memref<10240x64xf32, #tpu.memory_space<hbm>> -> memref<640x64xf32, #tpu.memory_space<hbm>>
        %dma_wait3A_70 = arith.constant 0 : i32
        %dma_wait3A_71 = tpu.memref_slice %arg8[%mul3A_0, %dma_wait3A_70] : memref<10240x64xf32, #tpu.memory_space<vmem_shared>> -> memref<640x64xf32, #tpu.memory_space<vmem_shared>>
        tpu.wait_dma2 semaphore(%run_scoped3A : memref<!tpu.dma_semaphore, #tpu.memory_space<semaphore_mem>>) src(%dma_wait3A_71 : memref<640x64xf32, #tpu.memory_space<vmem_shared>>) dst(%dma_wait3A_69 : memref<640x64xf32, #tpu.memory_space<hbm>>)
        tpu.yield
      }) : () -> ()
    } else {
    }
    return
  }
}

#map = affine_map<(d0, d1) -> (0, 0)>
#map1 = affine_map<(d0, d1) -> (0, 0, 0)>
module attributes {stable_mosaic.version = 14 : i64} {
  func.func @_agg_body(%arg0: i32, %arg1: i32, %arg2: memref<20480x64xf32, #tpu.memory_space<hbm>>, %arg3: memref<32x80x128xi32, #tpu.memory_space<hbm>>, %arg4: memref<32x80x128xi32, #tpu.memory_space<hbm>>, %arg5: memref<640x64xf32, #tpu.memory_space<hbm>>, %arg6: memref<10240x64xf32, #tpu.memory_space<hbm>>, %arg7: memref<10240x64xf32, #tpu.memory_space<hbm>>, %arg8: memref<10240x64xf32, #tpu.memory_space<vmem_shared>>, %arg9: memref<10240x64xf32, #tpu.memory_space<vmem_shared>>, %arg10: memref<80x128xi32, #tpu.memory_space<vmem>>, %arg11: memref<80x128xi32, #tpu.memory_space<vmem>>, %arg12: memref<128x64xf32, #tpu.memory_space<vmem>>, %arg13: memref<128x64xf32, #tpu.memory_space<vmem>>, %arg14: memref<!tpu.dma_semaphore, #tpu.memory_space<semaphore_mem>>, %arg15: memref<!tpu.dma_semaphore, #tpu.memory_space<semaphore_mem>>) attributes {dimension_semantics = [#tpu.dimension_semantics<core_parallel>, #tpu.dimension_semantics<subcore_parallel>], iteration_bounds = array<i64: 2, 16>, scalar_prefetch = 0 : i64, scratch_operands = 8 : i64, tpu.core_type = #tpu.core_type<sc_vector_subcore>, window_params = [{transform_indices = #map}, {transform_indices = #map1}, {transform_indices = #map1}, {transform_indices = #map}, {transform_indices = #map}, {transform_indices = #map}]} {
    %mul3A = arith.constant 640 : i32
    %mul3A_0 = arith.muli %arg1, %mul3A : i32
    "tpu.region"() ({
      %run_scoped3A = tpu.sem_alloc : memref<!tpu.dma_semaphore, #tpu.memory_space<semaphore_mem>>
      %dma_start3A_65 = arith.constant 0 : i32
      %dma_start3A_66 = tpu.memref_slice %arg8[%mul3A_0, %dma_start3A_65] : memref<10240x64xf32, #tpu.memory_space<vmem_shared>> -> memref<640x64xf32, #tpu.memory_space<vmem_shared>>
      tpu.enqueue_dma source(%arg5 : memref<640x64xf32, #tpu.memory_space<hbm>>) target(%dma_start3A_66 : memref<640x64xf32, #tpu.memory_space<vmem_shared>>) target_semaphore(%run_scoped3A : memref<!tpu.dma_semaphore, #tpu.memory_space<semaphore_mem>>)
      %dma_wait3A = arith.constant 0 : i32
      %dma_wait3A_67 = tpu.memref_slice %arg8[%mul3A_0, %dma_wait3A] : memref<10240x64xf32, #tpu.memory_space<vmem_shared>> -> memref<640x64xf32, #tpu.memory_space<vmem_shared>>
      tpu.wait_dma2 semaphore(%run_scoped3A : memref<!tpu.dma_semaphore, #tpu.memory_space<semaphore_mem>>) src(%arg5 : memref<640x64xf32, #tpu.memory_space<hbm>>) dst(%dma_wait3A_67 : memref<640x64xf32, #tpu.memory_space<vmem_shared>>)
      tpu.yield
    }) : () -> ()
    %mul3A_1 = arith.constant 10240 : i32
    %mul3A_2 = arith.muli %arg0, %mul3A_1 : i32
    %add3A = arith.addi %mul3A_2, %mul3A_0 : i32
    "tpu.region"() ({
      %run_scoped3A = tpu.sem_alloc : memref<!tpu.dma_semaphore, #tpu.memory_space<semaphore_mem>>
      %dma_start3A_65 = arith.constant 0 : i32
      %dma_start3A_66 = tpu.memref_slice %arg9[%mul3A_0, %dma_start3A_65] : memref<10240x64xf32, #tpu.memory_space<vmem_shared>> -> memref<640x64xf32, #tpu.memory_space<vmem_shared>>
      %dma_start3A_67 = arith.constant 0 : i32
      %dma_start3A_68 = tpu.memref_slice %arg2[%add3A, %dma_start3A_67] : memref<20480x64xf32, #tpu.memory_space<hbm>> -> memref<640x64xf32, #tpu.memory_space<hbm>>
      tpu.enqueue_dma source(%dma_start3A_68 : memref<640x64xf32, #tpu.memory_space<hbm>>) target(%dma_start3A_66 : memref<640x64xf32, #tpu.memory_space<vmem_shared>>) target_semaphore(%run_scoped3A : memref<!tpu.dma_semaphore, #tpu.memory_space<semaphore_mem>>)
      %dma_wait3A = arith.constant 0 : i32
      %dma_wait3A_69 = tpu.memref_slice %arg9[%mul3A_0, %dma_wait3A] : memref<10240x64xf32, #tpu.memory_space<vmem_shared>> -> memref<640x64xf32, #tpu.memory_space<vmem_shared>>
      %dma_wait3A_70 = arith.constant 0 : i32
      %dma_wait3A_71 = tpu.memref_slice %arg2[%add3A, %dma_wait3A_70] : memref<20480x64xf32, #tpu.memory_space<hbm>> -> memref<640x64xf32, #tpu.memory_space<hbm>>
      tpu.wait_dma2 semaphore(%run_scoped3A : memref<!tpu.dma_semaphore, #tpu.memory_space<semaphore_mem>>) src(%dma_wait3A_71 : memref<640x64xf32, #tpu.memory_space<hbm>>) dst(%dma_wait3A_69 : memref<640x64xf32, #tpu.memory_space<vmem_shared>>)
      tpu.yield
    }) : () -> ()
    %barrier3A = arith.constant 0 : index
    tpu.barrier barrier_id(%barrier3A)
    %mul3A_3 = arith.constant 2 : i32
    %mul3A_4 = arith.muli %arg1, %mul3A_3 : i32
    %add3A_5 = arith.constant 0 : i32
    %add3A_6 = arith.addi %mul3A_4, %add3A_5 : i32
    "tpu.region"() ({
      %run_scoped3A = tpu.sem_alloc : memref<!tpu.dma_semaphore, #tpu.memory_space<semaphore_mem>>
      %dma_start3A_65 = arith.constant 0 : i32
      %dma_start3A_66 = arith.constant 0 : i32
      %dma_start3A_67 = tpu.memref_slice %arg3[%add3A_6, %dma_start3A_65, %dma_start3A_66] : memref<32x80x128xi32, #tpu.memory_space<hbm>> -> memref<1x80x128xi32, #tpu.memory_space<hbm>>
      %dma_start3A_68 = tpu.memref_squeeze %dma_start3A_67 : memref<1x80x128xi32, #tpu.memory_space<hbm>> -> memref<80x128xi32, #tpu.memory_space<hbm>>
      %dma_start3A_69 = arith.constant 0 : i32
      %dma_start3A_70 = arith.constant 0 : i32
      %dma_start3A_71 = tpu.memref_slice %arg3[%add3A_6, %dma_start3A_69, %dma_start3A_70] : memref<32x80x128xi32, #tpu.memory_space<hbm>> -> memref<1x80x128xi32, #tpu.memory_space<hbm>>
      %dma_start3A_72 = tpu.memref_squeeze %dma_start3A_71 : memref<1x80x128xi32, #tpu.memory_space<hbm>> -> memref<80x128xi32, #tpu.memory_space<hbm>>
      tpu.enqueue_dma source(%dma_start3A_72 : memref<80x128xi32, #tpu.memory_space<hbm>>) target(%arg10 : memref<80x128xi32, #tpu.memory_space<vmem>>) target_semaphore(%run_scoped3A : memref<!tpu.dma_semaphore, #tpu.memory_space<semaphore_mem>>)
      %dma_wait3A = arith.constant 0 : i32
      %dma_wait3A_73 = arith.constant 0 : i32
      %dma_wait3A_74 = tpu.memref_slice %arg3[%add3A_6, %dma_wait3A, %dma_wait3A_73] : memref<32x80x128xi32, #tpu.memory_space<hbm>> -> memref<1x80x128xi32, #tpu.memory_space<hbm>>
      %dma_wait3A_75 = tpu.memref_squeeze %dma_wait3A_74 : memref<1x80x128xi32, #tpu.memory_space<hbm>> -> memref<80x128xi32, #tpu.memory_space<hbm>>
      %dma_wait3A_76 = arith.constant 0 : i32
      %dma_wait3A_77 = arith.constant 0 : i32
      %dma_wait3A_78 = tpu.memref_slice %arg3[%add3A_6, %dma_wait3A_76, %dma_wait3A_77] : memref<32x80x128xi32, #tpu.memory_space<hbm>> -> memref<1x80x128xi32, #tpu.memory_space<hbm>>
      %dma_wait3A_79 = tpu.memref_squeeze %dma_wait3A_78 : memref<1x80x128xi32, #tpu.memory_space<hbm>> -> memref<80x128xi32, #tpu.memory_space<hbm>>
      tpu.wait_dma2 semaphore(%run_scoped3A : memref<!tpu.dma_semaphore, #tpu.memory_space<semaphore_mem>>) src(%dma_wait3A_79 : memref<80x128xi32, #tpu.memory_space<hbm>>) dst(%arg10 : memref<80x128xi32, #tpu.memory_space<vmem>>)
      tpu.yield
    }) : () -> ()
    %mul3A_7 = arith.constant 2 : i32
    %mul3A_8 = arith.muli %arg1, %mul3A_7 : i32
    %add3A_9 = arith.constant 0 : i32
    %add3A_10 = arith.addi %mul3A_8, %add3A_9 : i32
    "tpu.region"() ({
      %run_scoped3A = tpu.sem_alloc : memref<!tpu.dma_semaphore, #tpu.memory_space<semaphore_mem>>
      %dma_start3A_65 = arith.constant 0 : i32
      %dma_start3A_66 = arith.constant 0 : i32
      %dma_start3A_67 = tpu.memref_slice %arg4[%add3A_10, %dma_start3A_65, %dma_start3A_66] : memref<32x80x128xi32, #tpu.memory_space<hbm>> -> memref<1x80x128xi32, #tpu.memory_space<hbm>>
      %dma_start3A_68 = tpu.memref_squeeze %dma_start3A_67 : memref<1x80x128xi32, #tpu.memory_space<hbm>> -> memref<80x128xi32, #tpu.memory_space<hbm>>
      %dma_start3A_69 = arith.constant 0 : i32
      %dma_start3A_70 = arith.constant 0 : i32
      %dma_start3A_71 = tpu.memref_slice %arg4[%add3A_10, %dma_start3A_69, %dma_start3A_70] : memref<32x80x128xi32, #tpu.memory_space<hbm>> -> memref<1x80x128xi32, #tpu.memory_space<hbm>>
      %dma_start3A_72 = tpu.memref_squeeze %dma_start3A_71 : memref<1x80x128xi32, #tpu.memory_space<hbm>> -> memref<80x128xi32, #tpu.memory_space<hbm>>
      tpu.enqueue_dma source(%dma_start3A_72 : memref<80x128xi32, #tpu.memory_space<hbm>>) target(%arg11 : memref<80x128xi32, #tpu.memory_space<vmem>>) target_semaphore(%run_scoped3A : memref<!tpu.dma_semaphore, #tpu.memory_space<semaphore_mem>>)
      %dma_wait3A = arith.constant 0 : i32
      %dma_wait3A_73 = arith.constant 0 : i32
      %dma_wait3A_74 = tpu.memref_slice %arg4[%add3A_10, %dma_wait3A, %dma_wait3A_73] : memref<32x80x128xi32, #tpu.memory_space<hbm>> -> memref<1x80x128xi32, #tpu.memory_space<hbm>>
      %dma_wait3A_75 = tpu.memref_squeeze %dma_wait3A_74 : memref<1x80x128xi32, #tpu.memory_space<hbm>> -> memref<80x128xi32, #tpu.memory_space<hbm>>
      %dma_wait3A_76 = arith.constant 0 : i32
      %dma_wait3A_77 = arith.constant 0 : i32
      %dma_wait3A_78 = tpu.memref_slice %arg4[%add3A_10, %dma_wait3A_76, %dma_wait3A_77] : memref<32x80x128xi32, #tpu.memory_space<hbm>> -> memref<1x80x128xi32, #tpu.memory_space<hbm>>
      %dma_wait3A_79 = tpu.memref_squeeze %dma_wait3A_78 : memref<1x80x128xi32, #tpu.memory_space<hbm>> -> memref<80x128xi32, #tpu.memory_space<hbm>>
      tpu.wait_dma2 semaphore(%run_scoped3A : memref<!tpu.dma_semaphore, #tpu.memory_space<semaphore_mem>>) src(%dma_wait3A_79 : memref<80x128xi32, #tpu.memory_space<hbm>>) dst(%arg11 : memref<80x128xi32, #tpu.memory_space<vmem>>)
      tpu.yield
    }) : () -> ()
    %dma_start3A = arith.constant 0 : i32
    %dma_start3A_11 = arith.constant 0 : i32
    %dma_start3A_12 = tpu.memref_slice %arg10[%dma_start3A, %dma_start3A_11] : memref<80x128xi32, #tpu.memory_space<vmem>> -> memref<1x128xi32, #tpu.memory_space<vmem>>
    %dma_start3A_13 = tpu.memref_squeeze %dma_start3A_12 : memref<1x128xi32, #tpu.memory_space<vmem>> -> memref<128xi32, #tpu.memory_space<vmem>>
    %dma_start3A_14 = arith.constant 0 : i32
    %dma_start3A_15 = arith.constant 0 : i32
    %dma_start3A_16 = tpu.memref_slice %arg9[%dma_start3A_14, %dma_start3A_15] : memref<10240x64xf32, #tpu.memory_space<vmem_shared>> -> memref<10240x64xf32, #tpu.memory_space<vmem_shared>>
    tpu.enqueue_indirect_dma source(%dma_start3A_16 : memref<10240x64xf32, #tpu.memory_space<vmem_shared>>) target(%arg12 : memref<128x64xf32, #tpu.memory_space<vmem>>) offsets(%dma_start3A_13 : memref<128xi32, #tpu.memory_space<vmem>>) semaphore(%arg14 : memref<!tpu.dma_semaphore, #tpu.memory_space<semaphore_mem>>)
    %dma_start3A_17 = arith.constant 1 : i32
    %dma_start3A_18 = arith.constant 0 : i32
    %dma_start3A_19 = tpu.memref_slice %arg10[%dma_start3A_17, %dma_start3A_18] : memref<80x128xi32, #tpu.memory_space<vmem>> -> memref<1x128xi32, #tpu.memory_space<vmem>>
    %dma_start3A_20 = tpu.memref_squeeze %dma_start3A_19 : memref<1x128xi32, #tpu.memory_space<vmem>> -> memref<128xi32, #tpu.memory_space<vmem>>
    %dma_start3A_21 = arith.constant 0 : i32
    %dma_start3A_22 = arith.constant 0 : i32
    %dma_start3A_23 = tpu.memref_slice %arg9[%dma_start3A_21, %dma_start3A_22] : memref<10240x64xf32, #tpu.memory_space<vmem_shared>> -> memref<10240x64xf32, #tpu.memory_space<vmem_shared>>
    tpu.enqueue_indirect_dma source(%dma_start3A_23 : memref<10240x64xf32, #tpu.memory_space<vmem_shared>>) target(%arg13 : memref<128x64xf32, #tpu.memory_space<vmem>>) offsets(%dma_start3A_20 : memref<128xi32, #tpu.memory_space<vmem>>) semaphore(%arg15 : memref<!tpu.dma_semaphore, #tpu.memory_space<semaphore_mem>>)
    %scan3A = arith.constant 0 : i32
    %scan3A_24 = arith.constant 0 : i32
    %scan3A_25 = arith.constant 40 : i32
    %scan3A_26 = arith.addi %scan3A_24, %scan3A_25 : i32
    %scan3A_27 = arith.constant 1 : i32
    scf.for %scan3A_65 = %scan3A_24 to %scan3A_26 step %scan3A_27  : i32 {
      %mul3A_66 = arith.constant 2 : i32
      %mul3A_67 = arith.muli %scan3A_65, %mul3A_66 : i32
      %add3A_68 = arith.constant 0 : i32
      %add3A_69 = arith.addi %mul3A_67, %add3A_68 : i32
      %dma_wait3A = arith.constant 0 : i32
      %dma_wait3A_70 = arith.constant 0 : i32
      %dma_wait3A_71 = tpu.memref_slice %arg10[%dma_wait3A, %dma_wait3A_70] : memref<80x128xi32, #tpu.memory_space<vmem>> -> memref<1x128xi32, #tpu.memory_space<vmem>>
      %dma_wait3A_72 = tpu.memref_squeeze %dma_wait3A_71 : memref<1x128xi32, #tpu.memory_space<vmem>> -> memref<128xi32, #tpu.memory_space<vmem>>
      %dma_wait3A_73 = arith.constant 0 : i32
      %dma_wait3A_74 = arith.constant 0 : i32
      %dma_wait3A_75 = tpu.memref_slice %arg9[%dma_wait3A_73, %dma_wait3A_74] : memref<10240x64xf32, #tpu.memory_space<vmem_shared>> -> memref<10240x64xf32, #tpu.memory_space<vmem_shared>>
      tpu.wait_indirect_dma semaphore(%arg14 : memref<!tpu.dma_semaphore, #tpu.memory_space<semaphore_mem>>) src(%dma_wait3A_75 : memref<10240x64xf32, #tpu.memory_space<vmem_shared>>) dst(%arg12 : memref<128x64xf32, #tpu.memory_space<vmem>>)
      "tpu.region"() ({
        %run_scoped3A = tpu.sem_alloc : memref<!tpu.dma_semaphore, #tpu.memory_space<semaphore_mem>>
        %dma_start3A_100 = arith.constant 0 : i32
        %dma_start3A_101 = tpu.memref_slice %arg11[%add3A_69, %dma_start3A_100] : memref<80x128xi32, #tpu.memory_space<vmem>> -> memref<1x128xi32, #tpu.memory_space<vmem>>
        %dma_start3A_102 = tpu.memref_squeeze %dma_start3A_101 : memref<1x128xi32, #tpu.memory_space<vmem>> -> memref<128xi32, #tpu.memory_space<vmem>>
        %dma_start3A_103 = arith.constant 0 : i32
        %dma_start3A_104 = arith.constant 0 : i32
        %dma_start3A_105 = tpu.memref_slice %arg8[%dma_start3A_103, %dma_start3A_104] : memref<10240x64xf32, #tpu.memory_space<vmem_shared>> -> memref<10240x64xf32, #tpu.memory_space<vmem_shared>>
        tpu.enqueue_indirect_dma source(%arg12 : memref<128x64xf32, #tpu.memory_space<vmem>>) target(%dma_start3A_105 : memref<10240x64xf32, #tpu.memory_space<vmem_shared>>) offsets(%dma_start3A_102 : memref<128xi32, #tpu.memory_space<vmem>>) semaphore(%run_scoped3A : memref<!tpu.dma_semaphore, #tpu.memory_space<semaphore_mem>>) {add = true}
        %dma_wait3A_106 = arith.constant 0 : i32
        %dma_wait3A_107 = tpu.memref_slice %arg11[%add3A_69, %dma_wait3A_106] : memref<80x128xi32, #tpu.memory_space<vmem>> -> memref<1x128xi32, #tpu.memory_space<vmem>>
        %dma_wait3A_108 = tpu.memref_squeeze %dma_wait3A_107 : memref<1x128xi32, #tpu.memory_space<vmem>> -> memref<128xi32, #tpu.memory_space<vmem>>
        %dma_wait3A_109 = arith.constant 0 : i32
        %dma_wait3A_110 = arith.constant 0 : i32
        %dma_wait3A_111 = tpu.memref_slice %arg8[%dma_wait3A_109, %dma_wait3A_110] : memref<10240x64xf32, #tpu.memory_space<vmem_shared>> -> memref<10240x64xf32, #tpu.memory_space<vmem_shared>>
        tpu.wait_indirect_dma semaphore(%run_scoped3A : memref<!tpu.dma_semaphore, #tpu.memory_space<semaphore_mem>>) src(%arg12 : memref<128x64xf32, #tpu.memory_space<vmem>>) dst(%dma_wait3A_111 : memref<10240x64xf32, #tpu.memory_space<vmem_shared>>)
        tpu.yield
      }) : () -> ()
      %add3A_76 = arith.constant 2 : i32
      %add3A_77 = arith.addi %add3A_69, %add3A_76 : i32
      %lt3A = arith.constant 80 : i32
      %lt3A_78 = arith.cmpi slt, %add3A_77, %lt3A : i32
      %convert_element_type3A_79 = arith.extui %lt3A_78 : i1 to i32
      %cond3A_80 = arith.constant 0 : i32
      %cond3A_81 = arith.cmpi ne, %convert_element_type3A_79, %cond3A_80 : i32
      scf.if %cond3A_81 {
        %add3A_100 = arith.constant 2 : i32
        %add3A_101 = arith.addi %add3A_69, %add3A_100 : i32
        %dma_start3A_102 = arith.constant 0 : i32
        %dma_start3A_103 = tpu.memref_slice %arg10[%add3A_101, %dma_start3A_102] : memref<80x128xi32, #tpu.memory_space<vmem>> -> memref<1x128xi32, #tpu.memory_space<vmem>>
        %dma_start3A_104 = tpu.memref_squeeze %dma_start3A_103 : memref<1x128xi32, #tpu.memory_space<vmem>> -> memref<128xi32, #tpu.memory_space<vmem>>
        %dma_start3A_105 = arith.constant 0 : i32
        %dma_start3A_106 = arith.constant 0 : i32
        %dma_start3A_107 = tpu.memref_slice %arg9[%dma_start3A_105, %dma_start3A_106] : memref<10240x64xf32, #tpu.memory_space<vmem_shared>> -> memref<10240x64xf32, #tpu.memory_space<vmem_shared>>
        tpu.enqueue_indirect_dma source(%dma_start3A_107 : memref<10240x64xf32, #tpu.memory_space<vmem_shared>>) target(%arg12 : memref<128x64xf32, #tpu.memory_space<vmem>>) offsets(%dma_start3A_104 : memref<128xi32, #tpu.memory_space<vmem>>) semaphore(%arg14 : memref<!tpu.dma_semaphore, #tpu.memory_space<semaphore_mem>>)
      } else {
      }
      %mul3A_82 = arith.constant 2 : i32
      %mul3A_83 = arith.muli %scan3A_65, %mul3A_82 : i32
      %add3A_84 = arith.constant 1 : i32
      %add3A_85 = arith.addi %mul3A_83, %add3A_84 : i32
      %dma_wait3A_86 = arith.constant 1 : i32
      %dma_wait3A_87 = arith.constant 0 : i32
      %dma_wait3A_88 = tpu.memref_slice %arg10[%dma_wait3A_86, %dma_wait3A_87] : memref<80x128xi32, #tpu.memory_space<vmem>> -> memref<1x128xi32, #tpu.memory_space<vmem>>
      %dma_wait3A_89 = tpu.memref_squeeze %dma_wait3A_88 : memref<1x128xi32, #tpu.memory_space<vmem>> -> memref<128xi32, #tpu.memory_space<vmem>>
      %dma_wait3A_90 = arith.constant 0 : i32
      %dma_wait3A_91 = arith.constant 0 : i32
      %dma_wait3A_92 = tpu.memref_slice %arg9[%dma_wait3A_90, %dma_wait3A_91] : memref<10240x64xf32, #tpu.memory_space<vmem_shared>> -> memref<10240x64xf32, #tpu.memory_space<vmem_shared>>
      tpu.wait_indirect_dma semaphore(%arg15 : memref<!tpu.dma_semaphore, #tpu.memory_space<semaphore_mem>>) src(%dma_wait3A_92 : memref<10240x64xf32, #tpu.memory_space<vmem_shared>>) dst(%arg13 : memref<128x64xf32, #tpu.memory_space<vmem>>)
      "tpu.region"() ({
        %run_scoped3A = tpu.sem_alloc : memref<!tpu.dma_semaphore, #tpu.memory_space<semaphore_mem>>
        %dma_start3A_100 = arith.constant 0 : i32
        %dma_start3A_101 = tpu.memref_slice %arg11[%add3A_85, %dma_start3A_100] : memref<80x128xi32, #tpu.memory_space<vmem>> -> memref<1x128xi32, #tpu.memory_space<vmem>>
        %dma_start3A_102 = tpu.memref_squeeze %dma_start3A_101 : memref<1x128xi32, #tpu.memory_space<vmem>> -> memref<128xi32, #tpu.memory_space<vmem>>
        %dma_start3A_103 = arith.constant 0 : i32
        %dma_start3A_104 = arith.constant 0 : i32
        %dma_start3A_105 = tpu.memref_slice %arg8[%dma_start3A_103, %dma_start3A_104] : memref<10240x64xf32, #tpu.memory_space<vmem_shared>> -> memref<10240x64xf32, #tpu.memory_space<vmem_shared>>
        tpu.enqueue_indirect_dma source(%arg13 : memref<128x64xf32, #tpu.memory_space<vmem>>) target(%dma_start3A_105 : memref<10240x64xf32, #tpu.memory_space<vmem_shared>>) offsets(%dma_start3A_102 : memref<128xi32, #tpu.memory_space<vmem>>) semaphore(%run_scoped3A : memref<!tpu.dma_semaphore, #tpu.memory_space<semaphore_mem>>) {add = true}
        %dma_wait3A_106 = arith.constant 0 : i32
        %dma_wait3A_107 = tpu.memref_slice %arg11[%add3A_85, %dma_wait3A_106] : memref<80x128xi32, #tpu.memory_space<vmem>> -> memref<1x128xi32, #tpu.memory_space<vmem>>
        %dma_wait3A_108 = tpu.memref_squeeze %dma_wait3A_107 : memref<1x128xi32, #tpu.memory_space<vmem>> -> memref<128xi32, #tpu.memory_space<vmem>>
        %dma_wait3A_109 = arith.constant 0 : i32
        %dma_wait3A_110 = arith.constant 0 : i32
        %dma_wait3A_111 = tpu.memref_slice %arg8[%dma_wait3A_109, %dma_wait3A_110] : memref<10240x64xf32, #tpu.memory_space<vmem_shared>> -> memref<10240x64xf32, #tpu.memory_space<vmem_shared>>
        tpu.wait_indirect_dma semaphore(%run_scoped3A : memref<!tpu.dma_semaphore, #tpu.memory_space<semaphore_mem>>) src(%arg13 : memref<128x64xf32, #tpu.memory_space<vmem>>) dst(%dma_wait3A_111 : memref<10240x64xf32, #tpu.memory_space<vmem_shared>>)
        tpu.yield
      }) : () -> ()
      %add3A_93 = arith.constant 2 : i32
      %add3A_94 = arith.addi %add3A_85, %add3A_93 : i32
      %lt3A_95 = arith.constant 80 : i32
      %lt3A_96 = arith.cmpi slt, %add3A_94, %lt3A_95 : i32
      %convert_element_type3A_97 = arith.extui %lt3A_96 : i1 to i32
      %cond3A_98 = arith.constant 0 : i32
      %cond3A_99 = arith.cmpi ne, %convert_element_type3A_97, %cond3A_98 : i32
      scf.if %cond3A_99 {
        %add3A_100 = arith.constant 2 : i32
        %add3A_101 = arith.addi %add3A_85, %add3A_100 : i32
        %dma_start3A_102 = arith.constant 0 : i32
        %dma_start3A_103 = tpu.memref_slice %arg10[%add3A_101, %dma_start3A_102] : memref<80x128xi32, #tpu.memory_space<vmem>> -> memref<1x128xi32, #tpu.memory_space<vmem>>
        %dma_start3A_104 = tpu.memref_squeeze %dma_start3A_103 : memref<1x128xi32, #tpu.memory_space<vmem>> -> memref<128xi32, #tpu.memory_space<vmem>>
        %dma_start3A_105 = arith.constant 0 : i32
        %dma_start3A_106 = arith.constant 0 : i32
        %dma_start3A_107 = tpu.memref_slice %arg9[%dma_start3A_105, %dma_start3A_106] : memref<10240x64xf32, #tpu.memory_space<vmem_shared>> -> memref<10240x64xf32, #tpu.memory_space<vmem_shared>>
        tpu.enqueue_indirect_dma source(%dma_start3A_107 : memref<10240x64xf32, #tpu.memory_space<vmem_shared>>) target(%arg13 : memref<128x64xf32, #tpu.memory_space<vmem>>) offsets(%dma_start3A_104 : memref<128xi32, #tpu.memory_space<vmem>>) semaphore(%arg15 : memref<!tpu.dma_semaphore, #tpu.memory_space<semaphore_mem>>)
      } else {
      }
    }
    %scan3A_28 = arith.constant 40 : i32
    %mul3A_29 = arith.constant 2 : i32
    %mul3A_30 = arith.muli %arg1, %mul3A_29 : i32
    %add3A_31 = arith.constant 1 : i32
    %add3A_32 = arith.addi %mul3A_30, %add3A_31 : i32
    "tpu.region"() ({
      %run_scoped3A = tpu.sem_alloc : memref<!tpu.dma_semaphore, #tpu.memory_space<semaphore_mem>>
      %dma_start3A_65 = arith.constant 0 : i32
      %dma_start3A_66 = arith.constant 0 : i32
      %dma_start3A_67 = tpu.memref_slice %arg3[%add3A_32, %dma_start3A_65, %dma_start3A_66] : memref<32x80x128xi32, #tpu.memory_space<hbm>> -> memref<1x80x128xi32, #tpu.memory_space<hbm>>
      %dma_start3A_68 = tpu.memref_squeeze %dma_start3A_67 : memref<1x80x128xi32, #tpu.memory_space<hbm>> -> memref<80x128xi32, #tpu.memory_space<hbm>>
      %dma_start3A_69 = arith.constant 0 : i32
      %dma_start3A_70 = arith.constant 0 : i32
      %dma_start3A_71 = tpu.memref_slice %arg3[%add3A_32, %dma_start3A_69, %dma_start3A_70] : memref<32x80x128xi32, #tpu.memory_space<hbm>> -> memref<1x80x128xi32, #tpu.memory_space<hbm>>
      %dma_start3A_72 = tpu.memref_squeeze %dma_start3A_71 : memref<1x80x128xi32, #tpu.memory_space<hbm>> -> memref<80x128xi32, #tpu.memory_space<hbm>>
      tpu.enqueue_dma source(%dma_start3A_72 : memref<80x128xi32, #tpu.memory_space<hbm>>) target(%arg10 : memref<80x128xi32, #tpu.memory_space<vmem>>) target_semaphore(%run_scoped3A : memref<!tpu.dma_semaphore, #tpu.memory_space<semaphore_mem>>)
      %dma_wait3A = arith.constant 0 : i32
      %dma_wait3A_73 = arith.constant 0 : i32
      %dma_wait3A_74 = tpu.memref_slice %arg3[%add3A_32, %dma_wait3A, %dma_wait3A_73] : memref<32x80x128xi32, #tpu.memory_space<hbm>> -> memref<1x80x128xi32, #tpu.memory_space<hbm>>
      %dma_wait3A_75 = tpu.memref_squeeze %dma_wait3A_74 : memref<1x80x128xi32, #tpu.memory_space<hbm>> -> memref<80x128xi32, #tpu.memory_space<hbm>>
      %dma_wait3A_76 = arith.constant 0 : i32
      %dma_wait3A_77 = arith.constant 0 : i32
      %dma_wait3A_78 = tpu.memref_slice %arg3[%add3A_32, %dma_wait3A_76, %dma_wait3A_77] : memref<32x80x128xi32, #tpu.memory_space<hbm>> -> memref<1x80x128xi32, #tpu.memory_space<hbm>>
      %dma_wait3A_79 = tpu.memref_squeeze %dma_wait3A_78 : memref<1x80x128xi32, #tpu.memory_space<hbm>> -> memref<80x128xi32, #tpu.memory_space<hbm>>
      tpu.wait_dma2 semaphore(%run_scoped3A : memref<!tpu.dma_semaphore, #tpu.memory_space<semaphore_mem>>) src(%dma_wait3A_79 : memref<80x128xi32, #tpu.memory_space<hbm>>) dst(%arg10 : memref<80x128xi32, #tpu.memory_space<vmem>>)
      tpu.yield
    }) : () -> ()
    %mul3A_33 = arith.constant 2 : i32
    %mul3A_34 = arith.muli %arg1, %mul3A_33 : i32
    %add3A_35 = arith.constant 1 : i32
    %add3A_36 = arith.addi %mul3A_34, %add3A_35 : i32
    "tpu.region"() ({
      %run_scoped3A = tpu.sem_alloc : memref<!tpu.dma_semaphore, #tpu.memory_space<semaphore_mem>>
      %dma_start3A_65 = arith.constant 0 : i32
      %dma_start3A_66 = arith.constant 0 : i32
      %dma_start3A_67 = tpu.memref_slice %arg4[%add3A_36, %dma_start3A_65, %dma_start3A_66] : memref<32x80x128xi32, #tpu.memory_space<hbm>> -> memref<1x80x128xi32, #tpu.memory_space<hbm>>
      %dma_start3A_68 = tpu.memref_squeeze %dma_start3A_67 : memref<1x80x128xi32, #tpu.memory_space<hbm>> -> memref<80x128xi32, #tpu.memory_space<hbm>>
      %dma_start3A_69 = arith.constant 0 : i32
      %dma_start3A_70 = arith.constant 0 : i32
      %dma_start3A_71 = tpu.memref_slice %arg4[%add3A_36, %dma_start3A_69, %dma_start3A_70] : memref<32x80x128xi32, #tpu.memory_space<hbm>> -> memref<1x80x128xi32, #tpu.memory_space<hbm>>
      %dma_start3A_72 = tpu.memref_squeeze %dma_start3A_71 : memref<1x80x128xi32, #tpu.memory_space<hbm>> -> memref<80x128xi32, #tpu.memory_space<hbm>>
      tpu.enqueue_dma source(%dma_start3A_72 : memref<80x128xi32, #tpu.memory_space<hbm>>) target(%arg11 : memref<80x128xi32, #tpu.memory_space<vmem>>) target_semaphore(%run_scoped3A : memref<!tpu.dma_semaphore, #tpu.memory_space<semaphore_mem>>)
      %dma_wait3A = arith.constant 0 : i32
      %dma_wait3A_73 = arith.constant 0 : i32
      %dma_wait3A_74 = tpu.memref_slice %arg4[%add3A_36, %dma_wait3A, %dma_wait3A_73] : memref<32x80x128xi32, #tpu.memory_space<hbm>> -> memref<1x80x128xi32, #tpu.memory_space<hbm>>
      %dma_wait3A_75 = tpu.memref_squeeze %dma_wait3A_74 : memref<1x80x128xi32, #tpu.memory_space<hbm>> -> memref<80x128xi32, #tpu.memory_space<hbm>>
      %dma_wait3A_76 = arith.constant 0 : i32
      %dma_wait3A_77 = arith.constant 0 : i32
      %dma_wait3A_78 = tpu.memref_slice %arg4[%add3A_36, %dma_wait3A_76, %dma_wait3A_77] : memref<32x80x128xi32, #tpu.memory_space<hbm>> -> memref<1x80x128xi32, #tpu.memory_space<hbm>>
      %dma_wait3A_79 = tpu.memref_squeeze %dma_wait3A_78 : memref<1x80x128xi32, #tpu.memory_space<hbm>> -> memref<80x128xi32, #tpu.memory_space<hbm>>
      tpu.wait_dma2 semaphore(%run_scoped3A : memref<!tpu.dma_semaphore, #tpu.memory_space<semaphore_mem>>) src(%dma_wait3A_79 : memref<80x128xi32, #tpu.memory_space<hbm>>) dst(%arg11 : memref<80x128xi32, #tpu.memory_space<vmem>>)
      tpu.yield
    }) : () -> ()
    %dma_start3A_37 = arith.constant 0 : i32
    %dma_start3A_38 = arith.constant 0 : i32
    %dma_start3A_39 = tpu.memref_slice %arg10[%dma_start3A_37, %dma_start3A_38] : memref<80x128xi32, #tpu.memory_space<vmem>> -> memref<1x128xi32, #tpu.memory_space<vmem>>
    %dma_start3A_40 = tpu.memref_squeeze %dma_start3A_39 : memref<1x128xi32, #tpu.memory_space<vmem>> -> memref<128xi32, #tpu.memory_space<vmem>>
    %dma_start3A_41 = arith.constant 0 : i32
    %dma_start3A_42 = arith.constant 0 : i32
    %dma_start3A_43 = tpu.memref_slice %arg9[%dma_start3A_41, %dma_start3A_42] : memref<10240x64xf32, #tpu.memory_space<vmem_shared>> -> memref<10240x64xf32, #tpu.memory_space<vmem_shared>>
    tpu.enqueue_indirect_dma source(%dma_start3A_43 : memref<10240x64xf32, #tpu.memory_space<vmem_shared>>) target(%arg12 : memref<128x64xf32, #tpu.memory_space<vmem>>) offsets(%dma_start3A_40 : memref<128xi32, #tpu.memory_space<vmem>>) semaphore(%arg14 : memref<!tpu.dma_semaphore, #tpu.memory_space<semaphore_mem>>)
    %dma_start3A_44 = arith.constant 1 : i32
    %dma_start3A_45 = arith.constant 0 : i32
    %dma_start3A_46 = tpu.memref_slice %arg10[%dma_start3A_44, %dma_start3A_45] : memref<80x128xi32, #tpu.memory_space<vmem>> -> memref<1x128xi32, #tpu.memory_space<vmem>>
    %dma_start3A_47 = tpu.memref_squeeze %dma_start3A_46 : memref<1x128xi32, #tpu.memory_space<vmem>> -> memref<128xi32, #tpu.memory_space<vmem>>
    %dma_start3A_48 = arith.constant 0 : i32
    %dma_start3A_49 = arith.constant 0 : i32
    %dma_start3A_50 = tpu.memref_slice %arg9[%dma_start3A_48, %dma_start3A_49] : memref<10240x64xf32, #tpu.memory_space<vmem_shared>> -> memref<10240x64xf32, #tpu.memory_space<vmem_shared>>
    tpu.enqueue_indirect_dma source(%dma_start3A_50 : memref<10240x64xf32, #tpu.memory_space<vmem_shared>>) target(%arg13 : memref<128x64xf32, #tpu.memory_space<vmem>>) offsets(%dma_start3A_47 : memref<128xi32, #tpu.memory_space<vmem>>) semaphore(%arg15 : memref<!tpu.dma_semaphore, #tpu.memory_space<semaphore_mem>>)
    %scan3A_51 = arith.constant 0 : i32
    %scan3A_52 = arith.constant 0 : i32
    %scan3A_53 = arith.constant 40 : i32
    %scan3A_54 = arith.addi %scan3A_52, %scan3A_53 : i32
    %scan3A_55 = arith.constant 1 : i32
    scf.for %scan3A_65 = %scan3A_52 to %scan3A_54 step %scan3A_55  : i32 {
      %mul3A_66 = arith.constant 2 : i32
      %mul3A_67 = arith.muli %scan3A_65, %mul3A_66 : i32
      %add3A_68 = arith.constant 0 : i32
      %add3A_69 = arith.addi %mul3A_67, %add3A_68 : i32
      %dma_wait3A = arith.constant 0 : i32
      %dma_wait3A_70 = arith.constant 0 : i32
      %dma_wait3A_71 = tpu.memref_slice %arg10[%dma_wait3A, %dma_wait3A_70] : memref<80x128xi32, #tpu.memory_space<vmem>> -> memref<1x128xi32, #tpu.memory_space<vmem>>
      %dma_wait3A_72 = tpu.memref_squeeze %dma_wait3A_71 : memref<1x128xi32, #tpu.memory_space<vmem>> -> memref<128xi32, #tpu.memory_space<vmem>>
      %dma_wait3A_73 = arith.constant 0 : i32
      %dma_wait3A_74 = arith.constant 0 : i32
      %dma_wait3A_75 = tpu.memref_slice %arg9[%dma_wait3A_73, %dma_wait3A_74] : memref<10240x64xf32, #tpu.memory_space<vmem_shared>> -> memref<10240x64xf32, #tpu.memory_space<vmem_shared>>
      tpu.wait_indirect_dma semaphore(%arg14 : memref<!tpu.dma_semaphore, #tpu.memory_space<semaphore_mem>>) src(%dma_wait3A_75 : memref<10240x64xf32, #tpu.memory_space<vmem_shared>>) dst(%arg12 : memref<128x64xf32, #tpu.memory_space<vmem>>)
      "tpu.region"() ({
        %run_scoped3A = tpu.sem_alloc : memref<!tpu.dma_semaphore, #tpu.memory_space<semaphore_mem>>
        %dma_start3A_100 = arith.constant 0 : i32
        %dma_start3A_101 = tpu.memref_slice %arg11[%add3A_69, %dma_start3A_100] : memref<80x128xi32, #tpu.memory_space<vmem>> -> memref<1x128xi32, #tpu.memory_space<vmem>>
        %dma_start3A_102 = tpu.memref_squeeze %dma_start3A_101 : memref<1x128xi32, #tpu.memory_space<vmem>> -> memref<128xi32, #tpu.memory_space<vmem>>
        %dma_start3A_103 = arith.constant 0 : i32
        %dma_start3A_104 = arith.constant 0 : i32
        %dma_start3A_105 = tpu.memref_slice %arg8[%dma_start3A_103, %dma_start3A_104] : memref<10240x64xf32, #tpu.memory_space<vmem_shared>> -> memref<10240x64xf32, #tpu.memory_space<vmem_shared>>
        tpu.enqueue_indirect_dma source(%arg12 : memref<128x64xf32, #tpu.memory_space<vmem>>) target(%dma_start3A_105 : memref<10240x64xf32, #tpu.memory_space<vmem_shared>>) offsets(%dma_start3A_102 : memref<128xi32, #tpu.memory_space<vmem>>) semaphore(%run_scoped3A : memref<!tpu.dma_semaphore, #tpu.memory_space<semaphore_mem>>) {add = true}
        %dma_wait3A_106 = arith.constant 0 : i32
        %dma_wait3A_107 = tpu.memref_slice %arg11[%add3A_69, %dma_wait3A_106] : memref<80x128xi32, #tpu.memory_space<vmem>> -> memref<1x128xi32, #tpu.memory_space<vmem>>
        %dma_wait3A_108 = tpu.memref_squeeze %dma_wait3A_107 : memref<1x128xi32, #tpu.memory_space<vmem>> -> memref<128xi32, #tpu.memory_space<vmem>>
        %dma_wait3A_109 = arith.constant 0 : i32
        %dma_wait3A_110 = arith.constant 0 : i32
        %dma_wait3A_111 = tpu.memref_slice %arg8[%dma_wait3A_109, %dma_wait3A_110] : memref<10240x64xf32, #tpu.memory_space<vmem_shared>> -> memref<10240x64xf32, #tpu.memory_space<vmem_shared>>
        tpu.wait_indirect_dma semaphore(%run_scoped3A : memref<!tpu.dma_semaphore, #tpu.memory_space<semaphore_mem>>) src(%arg12 : memref<128x64xf32, #tpu.memory_space<vmem>>) dst(%dma_wait3A_111 : memref<10240x64xf32, #tpu.memory_space<vmem_shared>>)
        tpu.yield
      }) : () -> ()
      %add3A_76 = arith.constant 2 : i32
      %add3A_77 = arith.addi %add3A_69, %add3A_76 : i32
      %lt3A = arith.constant 80 : i32
      %lt3A_78 = arith.cmpi slt, %add3A_77, %lt3A : i32
      %convert_element_type3A_79 = arith.extui %lt3A_78 : i1 to i32
      %cond3A_80 = arith.constant 0 : i32
      %cond3A_81 = arith.cmpi ne, %convert_element_type3A_79, %cond3A_80 : i32
      scf.if %cond3A_81 {
        %add3A_100 = arith.constant 2 : i32
        %add3A_101 = arith.addi %add3A_69, %add3A_100 : i32
        %dma_start3A_102 = arith.constant 0 : i32
        %dma_start3A_103 = tpu.memref_slice %arg10[%add3A_101, %dma_start3A_102] : memref<80x128xi32, #tpu.memory_space<vmem>> -> memref<1x128xi32, #tpu.memory_space<vmem>>
        %dma_start3A_104 = tpu.memref_squeeze %dma_start3A_103 : memref<1x128xi32, #tpu.memory_space<vmem>> -> memref<128xi32, #tpu.memory_space<vmem>>
        %dma_start3A_105 = arith.constant 0 : i32
        %dma_start3A_106 = arith.constant 0 : i32
        %dma_start3A_107 = tpu.memref_slice %arg9[%dma_start3A_105, %dma_start3A_106] : memref<10240x64xf32, #tpu.memory_space<vmem_shared>> -> memref<10240x64xf32, #tpu.memory_space<vmem_shared>>
        tpu.enqueue_indirect_dma source(%dma_start3A_107 : memref<10240x64xf32, #tpu.memory_space<vmem_shared>>) target(%arg12 : memref<128x64xf32, #tpu.memory_space<vmem>>) offsets(%dma_start3A_104 : memref<128xi32, #tpu.memory_space<vmem>>) semaphore(%arg14 : memref<!tpu.dma_semaphore, #tpu.memory_space<semaphore_mem>>)
      } else {
      }
      %mul3A_82 = arith.constant 2 : i32
      %mul3A_83 = arith.muli %scan3A_65, %mul3A_82 : i32
      %add3A_84 = arith.constant 1 : i32
      %add3A_85 = arith.addi %mul3A_83, %add3A_84 : i32
      %dma_wait3A_86 = arith.constant 1 : i32
      %dma_wait3A_87 = arith.constant 0 : i32
      %dma_wait3A_88 = tpu.memref_slice %arg10[%dma_wait3A_86, %dma_wait3A_87] : memref<80x128xi32, #tpu.memory_space<vmem>> -> memref<1x128xi32, #tpu.memory_space<vmem>>
      %dma_wait3A_89 = tpu.memref_squeeze %dma_wait3A_88 : memref<1x128xi32, #tpu.memory_space<vmem>> -> memref<128xi32, #tpu.memory_space<vmem>>
      %dma_wait3A_90 = arith.constant 0 : i32
      %dma_wait3A_91 = arith.constant 0 : i32
      %dma_wait3A_92 = tpu.memref_slice %arg9[%dma_wait3A_90, %dma_wait3A_91] : memref<10240x64xf32, #tpu.memory_space<vmem_shared>> -> memref<10240x64xf32, #tpu.memory_space<vmem_shared>>
      tpu.wait_indirect_dma semaphore(%arg15 : memref<!tpu.dma_semaphore, #tpu.memory_space<semaphore_mem>>) src(%dma_wait3A_92 : memref<10240x64xf32, #tpu.memory_space<vmem_shared>>) dst(%arg13 : memref<128x64xf32, #tpu.memory_space<vmem>>)
      "tpu.region"() ({
        %run_scoped3A = tpu.sem_alloc : memref<!tpu.dma_semaphore, #tpu.memory_space<semaphore_mem>>
        %dma_start3A_100 = arith.constant 0 : i32
        %dma_start3A_101 = tpu.memref_slice %arg11[%add3A_85, %dma_start3A_100] : memref<80x128xi32, #tpu.memory_space<vmem>> -> memref<1x128xi32, #tpu.memory_space<vmem>>
        %dma_start3A_102 = tpu.memref_squeeze %dma_start3A_101 : memref<1x128xi32, #tpu.memory_space<vmem>> -> memref<128xi32, #tpu.memory_space<vmem>>
        %dma_start3A_103 = arith.constant 0 : i32
        %dma_start3A_104 = arith.constant 0 : i32
        %dma_start3A_105 = tpu.memref_slice %arg8[%dma_start3A_103, %dma_start3A_104] : memref<10240x64xf32, #tpu.memory_space<vmem_shared>> -> memref<10240x64xf32, #tpu.memory_space<vmem_shared>>
        tpu.enqueue_indirect_dma source(%arg13 : memref<128x64xf32, #tpu.memory_space<vmem>>) target(%dma_start3A_105 : memref<10240x64xf32, #tpu.memory_space<vmem_shared>>) offsets(%dma_start3A_102 : memref<128xi32, #tpu.memory_space<vmem>>) semaphore(%run_scoped3A : memref<!tpu.dma_semaphore, #tpu.memory_space<semaphore_mem>>) {add = true}
        %dma_wait3A_106 = arith.constant 0 : i32
        %dma_wait3A_107 = tpu.memref_slice %arg11[%add3A_85, %dma_wait3A_106] : memref<80x128xi32, #tpu.memory_space<vmem>> -> memref<1x128xi32, #tpu.memory_space<vmem>>
        %dma_wait3A_108 = tpu.memref_squeeze %dma_wait3A_107 : memref<1x128xi32, #tpu.memory_space<vmem>> -> memref<128xi32, #tpu.memory_space<vmem>>
        %dma_wait3A_109 = arith.constant 0 : i32
        %dma_wait3A_110 = arith.constant 0 : i32
        %dma_wait3A_111 = tpu.memref_slice %arg8[%dma_wait3A_109, %dma_wait3A_110] : memref<10240x64xf32, #tpu.memory_space<vmem_shared>> -> memref<10240x64xf32, #tpu.memory_space<vmem_shared>>
        tpu.wait_indirect_dma semaphore(%run_scoped3A : memref<!tpu.dma_semaphore, #tpu.memory_space<semaphore_mem>>) src(%arg13 : memref<128x64xf32, #tpu.memory_space<vmem>>) dst(%dma_wait3A_111 : memref<10240x64xf32, #tpu.memory_space<vmem_shared>>)
        tpu.yield
      }) : () -> ()
      %add3A_93 = arith.constant 2 : i32
      %add3A_94 = arith.addi %add3A_85, %add3A_93 : i32
      %lt3A_95 = arith.constant 80 : i32
      %lt3A_96 = arith.cmpi slt, %add3A_94, %lt3A_95 : i32
      %convert_element_type3A_97 = arith.extui %lt3A_96 : i1 to i32
      %cond3A_98 = arith.constant 0 : i32
      %cond3A_99 = arith.cmpi ne, %convert_element_type3A_97, %cond3A_98 : i32
      scf.if %cond3A_99 {
        %add3A_100 = arith.constant 2 : i32
        %add3A_101 = arith.addi %add3A_85, %add3A_100 : i32
        %dma_start3A_102 = arith.constant 0 : i32
        %dma_start3A_103 = tpu.memref_slice %arg10[%add3A_101, %dma_start3A_102] : memref<80x128xi32, #tpu.memory_space<vmem>> -> memref<1x128xi32, #tpu.memory_space<vmem>>
        %dma_start3A_104 = tpu.memref_squeeze %dma_start3A_103 : memref<1x128xi32, #tpu.memory_space<vmem>> -> memref<128xi32, #tpu.memory_space<vmem>>
        %dma_start3A_105 = arith.constant 0 : i32
        %dma_start3A_106 = arith.constant 0 : i32
        %dma_start3A_107 = tpu.memref_slice %arg9[%dma_start3A_105, %dma_start3A_106] : memref<10240x64xf32, #tpu.memory_space<vmem_shared>> -> memref<10240x64xf32, #tpu.memory_space<vmem_shared>>
        tpu.enqueue_indirect_dma source(%dma_start3A_107 : memref<10240x64xf32, #tpu.memory_space<vmem_shared>>) target(%arg13 : memref<128x64xf32, #tpu.memory_space<vmem>>) offsets(%dma_start3A_104 : memref<128xi32, #tpu.memory_space<vmem>>) semaphore(%arg15 : memref<!tpu.dma_semaphore, #tpu.memory_space<semaphore_mem>>)
      } else {
      }
    }
    %scan3A_56 = arith.constant 40 : i32
    %barrier3A_57 = arith.constant 0 : index
    tpu.barrier barrier_id(%barrier3A_57)
    %eq3A = arith.constant 0 : i32
    %eq3A_58 = arith.cmpi eq, %arg0, %eq3A : i32
    %convert_element_type3A = arith.extui %eq3A_58 : i1 to i32
    %cond3A = arith.constant 0 : i32
    %cond3A_59 = arith.cmpi ne, %convert_element_type3A, %cond3A : i32
    scf.if %cond3A_59 {
      "tpu.region"() ({
        %run_scoped3A = tpu.sem_alloc : memref<!tpu.dma_semaphore, #tpu.memory_space<semaphore_mem>>
        %dma_start3A_65 = arith.constant 0 : i32
        %dma_start3A_66 = tpu.memref_slice %arg6[%mul3A_0, %dma_start3A_65] : memref<10240x64xf32, #tpu.memory_space<hbm>> -> memref<640x64xf32, #tpu.memory_space<hbm>>
        %dma_start3A_67 = arith.constant 0 : i32
        %dma_start3A_68 = tpu.memref_slice %arg8[%mul3A_0, %dma_start3A_67] : memref<10240x64xf32, #tpu.memory_space<vmem_shared>> -> memref<640x64xf32, #tpu.memory_space<vmem_shared>>
        tpu.enqueue_dma source(%dma_start3A_68 : memref<640x64xf32, #tpu.memory_space<vmem_shared>>) target(%dma_start3A_66 : memref<640x64xf32, #tpu.memory_space<hbm>>) target_semaphore(%run_scoped3A : memref<!tpu.dma_semaphore, #tpu.memory_space<semaphore_mem>>)
        %dma_wait3A = arith.constant 0 : i32
        %dma_wait3A_69 = tpu.memref_slice %arg6[%mul3A_0, %dma_wait3A] : memref<10240x64xf32, #tpu.memory_space<hbm>> -> memref<640x64xf32, #tpu.memory_space<hbm>>
        %dma_wait3A_70 = arith.constant 0 : i32
        %dma_wait3A_71 = tpu.memref_slice %arg8[%mul3A_0, %dma_wait3A_70] : memref<10240x64xf32, #tpu.memory_space<vmem_shared>> -> memref<640x64xf32, #tpu.memory_space<vmem_shared>>
        tpu.wait_dma2 semaphore(%run_scoped3A : memref<!tpu.dma_semaphore, #tpu.memory_space<semaphore_mem>>) src(%dma_wait3A_71 : memref<640x64xf32, #tpu.memory_space<vmem_shared>>) dst(%dma_wait3A_69 : memref<640x64xf32, #tpu.memory_space<hbm>>)
        tpu.yield
      }) : () -> ()
    } else {
    }
    %eq3A_60 = arith.constant 1 : i32
    %eq3A_61 = arith.cmpi eq, %arg0, %eq3A_60 : i32
    %convert_element_type3A_62 = arith.extui %eq3A_61 : i1 to i32
    %cond3A_63 = arith.constant 0 : i32
    %cond3A_64 = arith.cmpi ne, %convert_element_type3A_62, %cond3A_63 : i32
    scf.if %cond3A_64 {
      "tpu.region"() ({
        %run_scoped3A = tpu.sem_alloc : memref<!tpu.dma_semaphore, #tpu.memory_space<semaphore_mem>>
        %dma_start3A_65 = arith.constant 0 : i32
        %dma_start3A_66 = tpu.memref_slice %arg7[%mul3A_0, %dma_start3A_65] : memref<10240x64xf32, #tpu.memory_space<hbm>> -> memref<640x64xf32, #tpu.memory_space<hbm>>
        %dma_start3A_67 = arith.constant 0 : i32
        %dma_start3A_68 = tpu.memref_slice %arg8[%mul3A_0, %dma_start3A_67] : memref<10240x64xf32, #tpu.memory_space<vmem_shared>> -> memref<640x64xf32, #tpu.memory_space<vmem_shared>>
        tpu.enqueue_dma source(%dma_start3A_68 : memref<640x64xf32, #tpu.memory_space<vmem_shared>>) target(%dma_start3A_66 : memref<640x64xf32, #tpu.memory_space<hbm>>) target_semaphore(%run_scoped3A : memref<!tpu.dma_semaphore, #tpu.memory_space<semaphore_mem>>)
        %dma_wait3A = arith.constant 0 : i32
        %dma_wait3A_69 = tpu.memref_slice %arg7[%mul3A_0, %dma_wait3A] : memref<10240x64xf32, #tpu.memory_space<hbm>> -> memref<640x64xf32, #tpu.memory_space<hbm>>
        %dma_wait3A_70 = arith.constant 0 : i32
        %dma_wait3A_71 = tpu.memref_slice %arg8[%mul3A_0, %dma_wait3A_70] : memref<10240x64xf32, #tpu.memory_space<vmem_shared>> -> memref<640x64xf32, #tpu.memory_space<vmem_shared>>
        tpu.wait_dma2 semaphore(%run_scoped3A : memref<!tpu.dma_semaphore, #tpu.memory_space<semaphore_mem>>) src(%dma_wait3A_71 : memref<640x64xf32, #tpu.memory_space<vmem_shared>>) dst(%dma_wait3A_69 : memref<640x64xf32, #tpu.memory_space<hbm>>)
        tpu.yield
      }) : () -> ()
    } else {
    }
    return
  }
}

module attributes {stable_mosaic.version = 14 : i64} {
  func.func @_scale_body(%arg0: i32, %arg1: memref<1024x16xf32, #tpu.memory_space<vmem>>, %arg2: memref<1024x16xf32, #tpu.memory_space<vmem>>, %arg3: memref<1024x128xf32, #tpu.memory_space<vmem>>, %arg4: memref<1024x1xf32, #tpu.memory_space<vmem>>, %arg5: memref<2x1024x64xf32, #tpu.memory_space<vmem>>) attributes {dimension_semantics = [#tpu.dimension_semantics<arbitrary>], iteration_bounds = array<i64: 10>, scalar_prefetch = 0 : i64, scratch_operands = 0 : i64, tpu.core_type = #tpu.core_type<tc>, window_params = [{transform_indices = @transform_0, window_bounds = array<i64: 1024, 16>}, {transform_indices = @transform_1, window_bounds = array<i64: 1024, 16>}, {transform_indices = @transform_2, window_bounds = array<i64: 1024, 128>}, {transform_indices = @transform_3, window_bounds = array<i64: 1024, 1>}, {transform_indices = @transform_4, window_bounds = array<i64: 2, 1024, 64>}]} {
    %get3A = arith.constant 0 : index
    %get3A_0 = arith.constant 0 : index
    %get3A_1 = vector.load %arg1[%get3A, %get3A_0] : memref<1024x16xf32, #tpu.memory_space<vmem>>, vector<1024x1xf32>
    %get3A_2 = arith.constant 0 : index
    %get3A_3 = arith.constant 0 : index
    %get3A_4 = vector.load %arg2[%get3A_2, %get3A_3] : memref<1024x16xf32, #tpu.memory_space<vmem>>, vector<1024x1xf32>
    %add3A = arith.addf %get3A_1, %get3A_4 : vector<1024x1xf32>
    %add3A_5 = arith.constant 1.000000e+00 : f32
    %add3A_6 = vector.broadcast %add3A_5 : f32 to vector<1024x1xf32>
    %add3A_7 = arith.addf %add3A, %add3A_6 : vector<1024x1xf32>
    %rsqrt3A = math.rsqrt %add3A_7 : vector<1024x1xf32>
    %swap3A = arith.constant 0 : index
    %swap3A_8 = arith.constant 0 : index
    %swap3A_9 = vector.load %arg4[%swap3A, %swap3A_8] : memref<1024x1xf32, #tpu.memory_space<vmem>>, vector<1024x1xf32>
    tpu.vector_store %arg4[%swap3A, %swap3A_8], %rsqrt3A {strides = array<i32>} : memref<1024x1xf32, #tpu.memory_space<vmem>>, vector<1024x1xf32>,
    %get3A_10 = arith.constant 0 : index
    %get3A_11 = arith.constant 0 : index
    %get3A_12 = vector.load %arg3[%get3A_10, %get3A_11] : memref<1024x128xf32, #tpu.memory_space<vmem>>, vector<1024x128xf32>
    %mul3A = vector.broadcast %rsqrt3A : vector<1024x1xf32> to vector<1024x128xf32>
    %mul3A_13 = arith.mulf %mul3A, %get3A_12 : vector<1024x128xf32>
    %slice3A = vector.extract_strided_slice %mul3A_13 {offsets = [0, 0], sizes = [1024, 64], strides = [1, 1]} : vector<1024x128xf32> to vector<1024x64xf32>
    %swap3A_14 = arith.constant 0 : index
    %swap3A_15 = arith.constant 0 : index
    %swap3A_16 = arith.constant 0 : index
    %swap3A_17 = vector.load %arg5[%swap3A_14, %swap3A_15, %swap3A_16] : memref<2x1024x64xf32, #tpu.memory_space<vmem>>, vector<1x1024x64xf32>
    %swap3A_18 = vector.shape_cast %swap3A_17 : vector<1x1024x64xf32> to vector<1024x64xf32>
    %swap3A_19 = vector.shape_cast %slice3A : vector<1024x64xf32> to vector<1x1024x64xf32>
    tpu.vector_store %arg5[%swap3A_14, %swap3A_15, %swap3A_16], %swap3A_19 {strides = array<i32>} : memref<2x1024x64xf32, #tpu.memory_space<vmem>>, vector<1x1024x64xf32>,
    %slice3A_20 = vector.extract_strided_slice %mul3A_13 {offsets = [0, 64], sizes = [1024, 64], strides = [1, 1]} : vector<1024x128xf32> to vector<1024x64xf32>
    %swap3A_21 = arith.constant 1 : index
    %swap3A_22 = arith.constant 0 : index
    %swap3A_23 = arith.constant 0 : index
    %swap3A_24 = vector.load %arg5[%swap3A_21, %swap3A_22, %swap3A_23] : memref<2x1024x64xf32, #tpu.memory_space<vmem>>, vector<1x1024x64xf32>
    %swap3A_25 = vector.shape_cast %swap3A_24 : vector<1x1024x64xf32> to vector<1024x64xf32>
    %swap3A_26 = vector.shape_cast %slice3A_20 : vector<1024x64xf32> to vector<1x1024x64xf32>
    tpu.vector_store %arg5[%swap3A_21, %swap3A_22, %swap3A_23], %swap3A_26 {strides = array<i32>} : memref<2x1024x64xf32, #tpu.memory_space<vmem>>, vector<1x1024x64xf32>,
    return
  }
  func.func @transform_0(%arg0: i32) -> (i32, i32) {
    %c0_i32 = arith.constant 0 : i32
    %c0_i32_0 = arith.constant 0 : i32
    return %arg0, %c0_i32 : i32, i32
  }
  func.func @transform_1(%arg0: i32) -> (i32, i32) {
    %add3A = arith.constant 10 : i32
    %add3A_0 = arith.addi %add3A, %arg0 : i32
    %c0_i32 = arith.constant 0 : i32
    %c0_i32_1 = arith.constant 0 : i32
    return %add3A_0, %c0_i32 : i32, i32
  }
  func.func @transform_2(%arg0: i32) -> (i32, i32) {
    %c0_i32 = arith.constant 0 : i32
    %c0_i32_0 = arith.constant 0 : i32
    return %arg0, %c0_i32 : i32, i32
  }
  func.func @transform_3(%arg0: i32) -> (i32, i32) {
    %c0_i32 = arith.constant 0 : i32
    %c0_i32_0 = arith.constant 0 : i32
    return %arg0, %c0_i32 : i32, i32
  }
  func.func @transform_4(%arg0: i32) -> (i32, i32, i32) {
    %c0_i32 = arith.constant 0 : i32
    %c0_i32_0 = arith.constant 0 : i32
    %c0_i32_1 = arith.constant 0 : i32
    return %c0_i32, %arg0, %c0_i32_0 : i32, i32, i32
  }
}

module attributes {stable_mosaic.version = 14 : i64} {
  func.func @_hidden_body(%arg0: i32, %arg1: memref<1024x64xf32, #tpu.memory_space<vmem>>, %arg2: memref<1024x64xf32, #tpu.memory_space<vmem>>, %arg3: memref<1024x1xf32, #tpu.memory_space<vmem>>, %arg4: memref<1024x128xf32, #tpu.memory_space<vmem>>, %arg5: memref<128x128xf32, #tpu.memory_space<vmem>>, %arg6: memref<1x128xf32, #tpu.memory_space<vmem>>, %arg7: memref<128x128xf32, #tpu.memory_space<vmem>>, %arg8: memref<1x128xf32, #tpu.memory_space<vmem>>, %arg9: memref<1024x128xf32, #tpu.memory_space<vmem>>, %arg10: memref<2x1024x64xf32, #tpu.memory_space<vmem>>) attributes {dimension_semantics = [#tpu.dimension_semantics<arbitrary>], iteration_bounds = array<i64: 10>, scalar_prefetch = 0 : i64, scratch_operands = 0 : i64, tpu.core_type = #tpu.core_type<tc>, window_params = [{transform_indices = @transform_0, window_bounds = array<i64: 1024, 64>}, {transform_indices = @transform_1, window_bounds = array<i64: 1024, 64>}, {transform_indices = @transform_2, window_bounds = array<i64: 1024, 1>}, {transform_indices = @transform_3, window_bounds = array<i64: 1024, 128>}, {pipeline_mode = #tpu.pipeline_mode<synchronous>, transform_indices = @transform_4, window_bounds = array<i64: 128, 128>}, {pipeline_mode = #tpu.pipeline_mode<synchronous>, transform_indices = @transform_5, window_bounds = array<i64: 1, 128>}, {pipeline_mode = #tpu.pipeline_mode<synchronous>, transform_indices = @transform_6, window_bounds = array<i64: 128, 128>}, {pipeline_mode = #tpu.pipeline_mode<synchronous>, transform_indices = @transform_7, window_bounds = array<i64: 1, 128>}, {transform_indices = @transform_8, window_bounds = array<i64: 1024, 128>}, {transform_indices = @transform_9, window_bounds = array<i64: 2, 1024, 64>}]} {
    %get3A = arith.constant 0 : index
    %get3A_0 = arith.constant 0 : index
    %get3A_1 = vector.load %arg3[%get3A, %get3A_0] : memref<1024x1xf32, #tpu.memory_space<vmem>>, vector<1024x1xf32>
    %get3A_2 = arith.constant 0 : index
    %get3A_3 = arith.constant 0 : index
    %get3A_4 = vector.load %arg4[%get3A_2, %get3A_3] : memref<1024x128xf32, #tpu.memory_space<vmem>>, vector<1024x128xf32>
    %get3A_5 = arith.constant 0 : index
    %get3A_6 = arith.constant 0 : index
    %get3A_7 = vector.load %arg1[%get3A_5, %get3A_6] : memref<1024x64xf32, #tpu.memory_space<vmem>>, vector<1024x64xf32>
    %get3A_8 = arith.constant 0 : index
    %get3A_9 = arith.constant 0 : index
    %get3A_10 = vector.load %arg2[%get3A_8, %get3A_9] : memref<1024x64xf32, #tpu.memory_space<vmem>>, vector<1024x64xf32>
    %concatenate3A = tpu.concatenate %get3A_7, %get3A_10 in 1 : vector<1024x64xf32>, vector<1024x64xf32> -> vector<1024x128xf32>
    %mul3A = vector.broadcast %get3A_1 : vector<1024x1xf32> to vector<1024x128xf32>
    %mul3A_11 = arith.mulf %mul3A, %concatenate3A : vector<1024x128xf32>
    %mul3A_12 = arith.mulf %get3A_1, %get3A_1 : vector<1024x1xf32>
    %mul3A_13 = vector.broadcast %mul3A_12 : vector<1024x1xf32> to vector<1024x128xf32>
    %mul3A_14 = arith.mulf %mul3A_13, %get3A_4 : vector<1024x128xf32>
    %add3A = arith.addf %mul3A_11, %mul3A_14 : vector<1024x128xf32>
    %get3A_15 = arith.constant 0 : index
    %get3A_16 = arith.constant 0 : index
    %get3A_17 = vector.load %arg5[%get3A_15, %get3A_16] : memref<128x128xf32, #tpu.memory_space<vmem>>, vector<128x128xf32>
    %dot_general3A = arith.constant dense<0.000000e+00> : vector<1024x128xf32>
    %dot_general3A_18 = tpu.matmul %add3A, %get3A_17, %dot_general3A {dimension_numbers = #tpu.dot_dimension_numbers<[1], [0], [0], [1], [0, 0, 1, 1], [], []>, transpose_lhs_hint = false} : vector<1024x128xf32>, vector<128x128xf32>, vector<1024x128xf32> -> vector<1024x128xf32>
    %get3A_19 = arith.constant 0 : index
    %get3A_20 = arith.constant 0 : index
    %get3A_21 = vector.load %arg6[%get3A_19, %get3A_20] : memref<1x128xf32, #tpu.memory_space<vmem>>, vector<1x128xf32>
    %add3A_22 = vector.broadcast %get3A_21 : vector<1x128xf32> to vector<1024x128xf32>
    %add3A_23 = arith.addf %dot_general3A_18, %add3A_22 : vector<1024x128xf32>
    %max3A = arith.constant 0.000000e+00 : f32
    %max3A_24 = vector.broadcast %max3A : f32 to vector<1024x128xf32>
    %max3A_25 = arith.maximumf %add3A_23, %max3A_24 : vector<1024x128xf32>
    %get3A_26 = arith.constant 0 : index
    %get3A_27 = arith.constant 0 : index
    %get3A_28 = vector.load %arg7[%get3A_26, %get3A_27] : memref<128x128xf32, #tpu.memory_space<vmem>>, vector<128x128xf32>
    %dot_general3A_29 = arith.constant dense<0.000000e+00> : vector<1024x128xf32>
    %dot_general3A_30 = tpu.matmul %get3A_4, %get3A_28, %dot_general3A_29 {dimension_numbers = #tpu.dot_dimension_numbers<[1], [0], [0], [1], [0, 0, 1, 1], [], []>, transpose_lhs_hint = false} : vector<1024x128xf32>, vector<128x128xf32>, vector<1024x128xf32> -> vector<1024x128xf32>
    %add3A_31 = arith.addf %max3A_25, %dot_general3A_30 : vector<1024x128xf32>
    %get3A_32 = arith.constant 0 : index
    %get3A_33 = arith.constant 0 : index
    %get3A_34 = vector.load %arg8[%get3A_32, %get3A_33] : memref<1x128xf32, #tpu.memory_space<vmem>>, vector<1x128xf32>
    %add3A_35 = vector.broadcast %get3A_34 : vector<1x128xf32> to vector<1024x128xf32>
    %add3A_36 = arith.addf %add3A_31, %add3A_35 : vector<1024x128xf32>
    %swap3A = arith.constant 0 : index
    %swap3A_37 = arith.constant 0 : index
    %swap3A_38 = vector.load %arg9[%swap3A, %swap3A_37] : memref<1024x128xf32, #tpu.memory_space<vmem>>, vector<1024x128xf32>
    tpu.vector_store %arg9[%swap3A, %swap3A_37], %add3A_36 {strides = array<i32>} : memref<1024x128xf32, #tpu.memory_space<vmem>>, vector<1024x128xf32>,
    %mul3A_39 = vector.broadcast %get3A_1 : vector<1024x1xf32> to vector<1024x128xf32>
    %mul3A_40 = arith.mulf %mul3A_39, %add3A_36 : vector<1024x128xf32>
    %slice3A = vector.extract_strided_slice %mul3A_40 {offsets = [0, 0], sizes = [1024, 64], strides = [1, 1]} : vector<1024x128xf32> to vector<1024x64xf32>
    %swap3A_41 = arith.constant 0 : index
    %swap3A_42 = arith.constant 0 : index
    %swap3A_43 = arith.constant 0 : index
    %swap3A_44 = vector.load %arg10[%swap3A_41, %swap3A_42, %swap3A_43] : memref<2x1024x64xf32, #tpu.memory_space<vmem>>, vector<1x1024x64xf32>
    %swap3A_45 = vector.shape_cast %swap3A_44 : vector<1x1024x64xf32> to vector<1024x64xf32>
    %swap3A_46 = vector.shape_cast %slice3A : vector<1024x64xf32> to vector<1x1024x64xf32>
    tpu.vector_store %arg10[%swap3A_41, %swap3A_42, %swap3A_43], %swap3A_46 {strides = array<i32>} : memref<2x1024x64xf32, #tpu.memory_space<vmem>>, vector<1x1024x64xf32>,
    %slice3A_47 = vector.extract_strided_slice %mul3A_40 {offsets = [0, 64], sizes = [1024, 64], strides = [1, 1]} : vector<1024x128xf32> to vector<1024x64xf32>
    %swap3A_48 = arith.constant 1 : index
    %swap3A_49 = arith.constant 0 : index
    %swap3A_50 = arith.constant 0 : index
    %swap3A_51 = vector.load %arg10[%swap3A_48, %swap3A_49, %swap3A_50] : memref<2x1024x64xf32, #tpu.memory_space<vmem>>, vector<1x1024x64xf32>
    %swap3A_52 = vector.shape_cast %swap3A_51 : vector<1x1024x64xf32> to vector<1024x64xf32>
    %swap3A_53 = vector.shape_cast %slice3A_47 : vector<1024x64xf32> to vector<1x1024x64xf32>
    tpu.vector_store %arg10[%swap3A_48, %swap3A_49, %swap3A_50], %swap3A_53 {strides = array<i32>} : memref<2x1024x64xf32, #tpu.memory_space<vmem>>, vector<1x1024x64xf32>,
    return
  }
  func.func @transform_0(%arg0: i32) -> (i32, i32) {
    %c0_i32 = arith.constant 0 : i32
    %c0_i32_0 = arith.constant 0 : i32
    return %arg0, %c0_i32 : i32, i32
  }
  func.func @transform_1(%arg0: i32) -> (i32, i32) {
    %c0_i32 = arith.constant 0 : i32
    %c0_i32_0 = arith.constant 0 : i32
    return %arg0, %c0_i32 : i32, i32
  }
  func.func @transform_2(%arg0: i32) -> (i32, i32) {
    %c0_i32 = arith.constant 0 : i32
    %c0_i32_0 = arith.constant 0 : i32
    return %arg0, %c0_i32 : i32, i32
  }
  func.func @transform_3(%arg0: i32) -> (i32, i32) {
    %c0_i32 = arith.constant 0 : i32
    %c0_i32_0 = arith.constant 0 : i32
    return %arg0, %c0_i32 : i32, i32
  }
  func.func @transform_4(%arg0: i32) -> (i32, i32) {
    %c0_i32 = arith.constant 0 : i32
    %c0_i32_0 = arith.constant 0 : i32
    %c0_i32_1 = arith.constant 0 : i32
    return %c0_i32, %c0_i32_0 : i32, i32
  }
  func.func @transform_5(%arg0: i32) -> (i32, i32) {
    %c0_i32 = arith.constant 0 : i32
    %c0_i32_0 = arith.constant 0 : i32
    %c0_i32_1 = arith.constant 0 : i32
    return %c0_i32, %c0_i32_0 : i32, i32
  }
  func.func @transform_6(%arg0: i32) -> (i32, i32) {
    %c0_i32 = arith.constant 0 : i32
    %c0_i32_0 = arith.constant 0 : i32
    %c0_i32_1 = arith.constant 0 : i32
    return %c0_i32, %c0_i32_0 : i32, i32
  }
  func.func @transform_7(%arg0: i32) -> (i32, i32) {
    %c0_i32 = arith.constant 0 : i32
    %c0_i32_0 = arith.constant 0 : i32
    %c0_i32_1 = arith.constant 0 : i32
    return %c0_i32, %c0_i32_0 : i32, i32
  }
  func.func @transform_8(%arg0: i32) -> (i32, i32) {
    %c0_i32 = arith.constant 0 : i32
    %c0_i32_0 = arith.constant 0 : i32
    return %arg0, %c0_i32 : i32, i32
  }
  func.func @transform_9(%arg0: i32) -> (i32, i32, i32) {
    %c0_i32 = arith.constant 0 : i32
    %c0_i32_0 = arith.constant 0 : i32
    %c0_i32_1 = arith.constant 0 : i32
    return %c0_i32, %arg0, %c0_i32_0 : i32, i32, i32
  }
}

module attributes {stable_mosaic.version = 14 : i64} {
  func.func @_heads_body(%arg0: i32, %arg1: memref<1024x64xf32, #tpu.memory_space<vmem>>, %arg2: memref<1024x64xf32, #tpu.memory_space<vmem>>, %arg3: memref<1024x1xf32, #tpu.memory_space<vmem>>, %arg4: memref<1024x128xf32, #tpu.memory_space<vmem>>, %arg5: memref<128x64xf32, #tpu.memory_space<vmem>>, %arg6: memref<1x64xf32, #tpu.memory_space<vmem>>, %arg7: memref<128x64xf32, #tpu.memory_space<vmem>>, %arg8: memref<1x64xf32, #tpu.memory_space<vmem>>, %arg9: memref<1024x64xf32, #tpu.memory_space<vmem>>, %arg10: memref<1024x64xf32, #tpu.memory_space<vmem>>) attributes {dimension_semantics = [#tpu.dimension_semantics<arbitrary>], iteration_bounds = array<i64: 10>, scalar_prefetch = 0 : i64, scratch_operands = 0 : i64, tpu.core_type = #tpu.core_type<tc>, window_params = [{transform_indices = @transform_0, window_bounds = array<i64: 1024, 64>}, {transform_indices = @transform_1, window_bounds = array<i64: 1024, 64>}, {transform_indices = @transform_2, window_bounds = array<i64: 1024, 1>}, {transform_indices = @transform_3, window_bounds = array<i64: 1024, 128>}, {pipeline_mode = #tpu.pipeline_mode<synchronous>, transform_indices = @transform_4, window_bounds = array<i64: 128, 64>}, {pipeline_mode = #tpu.pipeline_mode<synchronous>, transform_indices = @transform_5, window_bounds = array<i64: 1, 64>}, {pipeline_mode = #tpu.pipeline_mode<synchronous>, transform_indices = @transform_6, window_bounds = array<i64: 128, 64>}, {pipeline_mode = #tpu.pipeline_mode<synchronous>, transform_indices = @transform_7, window_bounds = array<i64: 1, 64>}, {transform_indices = @transform_8, window_bounds = array<i64: 1024, 64>}, {transform_indices = @transform_9, window_bounds = array<i64: 1024, 64>}]} {
    %get3A = arith.constant 0 : index
    %get3A_0 = arith.constant 0 : index
    %get3A_1 = vector.load %arg3[%get3A, %get3A_0] : memref<1024x1xf32, #tpu.memory_space<vmem>>, vector<1024x1xf32>
    %get3A_2 = arith.constant 0 : index
    %get3A_3 = arith.constant 0 : index
    %get3A_4 = vector.load %arg1[%get3A_2, %get3A_3] : memref<1024x64xf32, #tpu.memory_space<vmem>>, vector<1024x64xf32>
    %get3A_5 = arith.constant 0 : index
    %get3A_6 = arith.constant 0 : index
    %get3A_7 = vector.load %arg2[%get3A_5, %get3A_6] : memref<1024x64xf32, #tpu.memory_space<vmem>>, vector<1024x64xf32>
    %concatenate3A = tpu.concatenate %get3A_4, %get3A_7 in 1 : vector<1024x64xf32>, vector<1024x64xf32> -> vector<1024x128xf32>
    %mul3A = vector.broadcast %get3A_1 : vector<1024x1xf32> to vector<1024x128xf32>
    %mul3A_8 = arith.mulf %mul3A, %concatenate3A : vector<1024x128xf32>
    %mul3A_9 = arith.mulf %get3A_1, %get3A_1 : vector<1024x1xf32>
    %get3A_10 = arith.constant 0 : index
    %get3A_11 = arith.constant 0 : index
    %get3A_12 = vector.load %arg4[%get3A_10, %get3A_11] : memref<1024x128xf32, #tpu.memory_space<vmem>>, vector<1024x128xf32>
    %mul3A_13 = vector.broadcast %mul3A_9 : vector<1024x1xf32> to vector<1024x128xf32>
    %mul3A_14 = arith.mulf %mul3A_13, %get3A_12 : vector<1024x128xf32>
    %add3A = arith.addf %mul3A_8, %mul3A_14 : vector<1024x128xf32>
    %get3A_15 = arith.constant 0 : index
    %get3A_16 = arith.constant 0 : index
    %get3A_17 = vector.load %arg5[%get3A_15, %get3A_16] : memref<128x64xf32, #tpu.memory_space<vmem>>, vector<128x64xf32>
    %dot_general3A = arith.constant dense<0.000000e+00> : vector<1024x64xf32>
    %dot_general3A_18 = tpu.matmul %add3A, %get3A_17, %dot_general3A {dimension_numbers = #tpu.dot_dimension_numbers<[1], [0], [0], [1], [0, 0, 1, 1], [], []>, transpose_lhs_hint = false} : vector<1024x128xf32>, vector<128x64xf32>, vector<1024x64xf32> -> vector<1024x64xf32>
    %get3A_19 = arith.constant 0 : index
    %get3A_20 = arith.constant 0 : index
    %get3A_21 = vector.load %arg6[%get3A_19, %get3A_20] : memref<1x64xf32, #tpu.memory_space<vmem>>, vector<1x64xf32>
    %add3A_22 = vector.broadcast %get3A_21 : vector<1x64xf32> to vector<1024x64xf32>
    %add3A_23 = arith.addf %dot_general3A_18, %add3A_22 : vector<1024x64xf32>
    %swap3A = arith.constant 0 : index
    %swap3A_24 = arith.constant 0 : index
    %swap3A_25 = vector.load %arg9[%swap3A, %swap3A_24] : memref<1024x64xf32, #tpu.memory_space<vmem>>, vector<1024x64xf32>
    tpu.vector_store %arg9[%swap3A, %swap3A_24], %add3A_23 {strides = array<i32>} : memref<1024x64xf32, #tpu.memory_space<vmem>>, vector<1024x64xf32>,
    %get3A_26 = arith.constant 0 : index
    %get3A_27 = arith.constant 0 : index
    %get3A_28 = vector.load %arg7[%get3A_26, %get3A_27] : memref<128x64xf32, #tpu.memory_space<vmem>>, vector<128x64xf32>
    %dot_general3A_29 = arith.constant dense<0.000000e+00> : vector<1024x64xf32>
    %dot_general3A_30 = tpu.matmul %add3A, %get3A_28, %dot_general3A_29 {dimension_numbers = #tpu.dot_dimension_numbers<[1], [0], [0], [1], [0, 0, 1, 1], [], []>, transpose_lhs_hint = false} : vector<1024x128xf32>, vector<128x64xf32>, vector<1024x64xf32> -> vector<1024x64xf32>
    %get3A_31 = arith.constant 0 : index
    %get3A_32 = arith.constant 0 : index
    %get3A_33 = vector.load %arg8[%get3A_31, %get3A_32] : memref<1x64xf32, #tpu.memory_space<vmem>>, vector<1x64xf32>
    %add3A_34 = vector.broadcast %get3A_33 : vector<1x64xf32> to vector<1024x64xf32>
    %add3A_35 = arith.addf %dot_general3A_30, %add3A_34 : vector<1024x64xf32>
    %swap3A_36 = arith.constant 0 : index
    %swap3A_37 = arith.constant 0 : index
    %swap3A_38 = vector.load %arg10[%swap3A_36, %swap3A_37] : memref<1024x64xf32, #tpu.memory_space<vmem>>, vector<1024x64xf32>
    tpu.vector_store %arg10[%swap3A_36, %swap3A_37], %add3A_35 {strides = array<i32>} : memref<1024x64xf32, #tpu.memory_space<vmem>>, vector<1024x64xf32>,
    return
  }
  func.func @transform_0(%arg0: i32) -> (i32, i32) {
    %c0_i32 = arith.constant 0 : i32
    %c0_i32_0 = arith.constant 0 : i32
    return %arg0, %c0_i32 : i32, i32
  }
  func.func @transform_1(%arg0: i32) -> (i32, i32) {
    %c0_i32 = arith.constant 0 : i32
    %c0_i32_0 = arith.constant 0 : i32
    return %arg0, %c0_i32 : i32, i32
  }
  func.func @transform_2(%arg0: i32) -> (i32, i32) {
    %c0_i32 = arith.constant 0 : i32
    %c0_i32_0 = arith.constant 0 : i32
    return %arg0, %c0_i32 : i32, i32
  }
  func.func @transform_3(%arg0: i32) -> (i32, i32) {
    %c0_i32 = arith.constant 0 : i32
    %c0_i32_0 = arith.constant 0 : i32
    return %arg0, %c0_i32 : i32, i32
  }
  func.func @transform_4(%arg0: i32) -> (i32, i32) {
    %c0_i32 = arith.constant 0 : i32
    %c0_i32_0 = arith.constant 0 : i32
    %c0_i32_1 = arith.constant 0 : i32
    return %c0_i32, %c0_i32_0 : i32, i32
  }
  func.func @transform_5(%arg0: i32) -> (i32, i32) {
    %c0_i32 = arith.constant 0 : i32
    %c0_i32_0 = arith.constant 0 : i32
    %c0_i32_1 = arith.constant 0 : i32
    return %c0_i32, %c0_i32_0 : i32, i32
  }
  func.func @transform_6(%arg0: i32) -> (i32, i32) {
    %c0_i32 = arith.constant 0 : i32
    %c0_i32_0 = arith.constant 0 : i32
    %c0_i32_1 = arith.constant 0 : i32
    return %c0_i32, %c0_i32_0 : i32, i32
  }
  func.func @transform_7(%arg0: i32) -> (i32, i32) {
    %c0_i32 = arith.constant 0 : i32
    %c0_i32_0 = arith.constant 0 : i32
    %c0_i32_1 = arith.constant 0 : i32
    return %c0_i32, %c0_i32_0 : i32, i32
  }
  func.func @transform_8(%arg0: i32) -> (i32, i32) {
    %c0_i32 = arith.constant 0 : i32
    %c0_i32_0 = arith.constant 0 : i32
    return %arg0, %c0_i32 : i32, i32
  }
  func.func @transform_9(%arg0: i32) -> (i32, i32) {
    %c0_i32 = arith.constant 0 : i32
    %c0_i32_0 = arith.constant 0 : i32
    return %arg0, %c0_i32 : i32, i32
  }
}

</mosaic_0001>

<sc_bundles>
// kernel: kernel.11.cloned.1.call-start
scs
__scs_entry_jumppad:
0x0: {  	(pc) =	sbr.rel $0x88, $3  }
0x1: {  	(tag) =	ssettag $0x0;
	lr =	simm.s32 $0x1  }
0x2: {  	[smem:$0x3F97] =	sst lr;
	_ =	strace $0xD0000000  }
0x3: {  	_ = 	snop  }
0x4: {  	_ = 	snop  }
0x5: {  	_ = 	snop  }
0x6: {  	_ = 	snop  }
0x7: {  	_ = 	snop  }
__scs_overlays_trampoline_lowered:
0x8: {  	[smem:$0x3FA6] =	sst s0  }
0x9: {  	[smem:$0x3FA7] =	sst s1  }
0xa: {  	[smem:$0x3FA8] =	sst s2  }
0xb: {  	[smem:$0x3FA9] =	sst s3  }
0xc: {  	[smem:$0x3FAA] =	sst s4  }
0xd: {  	[smem:$0x3FAB] =	sst s5  }
0xe: {  	[smem:$0x3FAC] =	sst s6  }
0xf: {  	[smem:$0x3FAD] =	sst s7  }
0x10: {  	[smem:$0x3FAE] =	sst s8  }
0x11: {  	[smem:$0x3FAF] =	sst s9;
	s0 =	simm.s32 @!p0 $0x0  }
0x12: {  	s1 =	sld [smem:$0x3F95];
	s0 =	simm.s32 @p0 $0x1  }
0x13: {  	[smem:$0x3FB0] =	sst s0;
	s0 =	simm.s32 @!p1 $0x0  }
0x14: {  	s2 =	sld [smem:$0x3F94];
	s0 =	simm.s32 @p1 $0x1  }
0x15: {  	[smem:$0x3FB1] =	sst s0;
	s0 =	simm.s32 @!p2 $0x0  }
0x16: {  	s3 =	sld [smem:$0x3FDB];
	s0 =	simm.s32 @p2 $0x1  }
0x17: {  	s4 =	simm.s32 $0x1BF5;
	[smem:$0x3FB3] =	sst s0  }
0x18: {  	s0 =	sld [smem:$0x3F96];
	_ =	swait.ge [sflag:s4], $0x0  }
0x19: {  	s7 =	sld [smem:$0x3F97]  }
0x1a: {  	s8 =	sadd.s32 $0xFFFFE003, lr  }
0x1b: {  	s9 =	sadd.s32 $0xFFFFFEF7, lr;
	s5 =	simm.s32 $0xFFFFFFFF;
	p2 =	slt.u32 s8, $0xFFFFF086  }
0x1c: {  	p1 =	slt.u32 s9, $0xF7A;
	s5 =	simm.s32 @!p2 $0x0  }
0x1d: {  	s5 =	simm.s32 @p1 $0x1;
	p0 =	seq.s32 s7, s2  }
0x1e: {  	s7 =	smul.u32 @!p0 $0xF7A, s2;
	p2 =	seq.s32 @!p0 s5, $0x0  }
0x1f: {  	s9 =	smul.u32 $0xF7A, s1;
	s8 =	simm.s32 @!p0 $0x1BF5;
	p2 =	por !p2, p0  }
0x20: {  	[sflag:s8] =	ssyncset.s32 @!p0 $0xFFFFF086;
	s6 =	sadd.s32 @!p0 s3, s7;
	s7 =	simm.s32 @!p0 $0x108  }
0x21: {  	s3 =	sadd.s32 s3, s9;
	s6 =	sadd.s32 @!p0 $0x88, s6;
	s7 =	simm.s32 @p2 $0x1082  }
0x22: {  	[simem:s7], [sflag:s8] =	dma.local @!p0 [hbm:s6], $0xF7A  }
0x23: {  	s9 =	sor.u32 $0xD0000000, s2;
	s6 =	simm.s32 $0x108;
	_ =	swait.ge @!p0 [sflag:s8], $0x0  }
0x24: {  	s3 =	sadd.s32 $0x88, s3;
	s6 =	simm.s32 @!p1 $0x1082;
	[sflag:s4] =	ssyncset.s32 $0xFFFFF086  }
0x25: {  	[simem:s6], [sflag:s4] =	dma.local [hbm:s3], $0xF7A  }
0x26: {  	[smem:$0x3F97] =	sst s1;
	(tag) =	ssettag s2;
	_ =	strace s9  }
0x27: {  	s1 =	sld [smem:$0x3FA7]  }
0x28: {  	s2 =	sld [smem:$0x3FA8]  }
0x29: {  	s4 =	sld [smem:$0x3FAA]  }
0x2a: {  	p0 =	seq.s32 s5, $0x0;
	s5 =	sld [smem:$0x3FAB]  }
0x2b: {  	s6 =	sld [smem:$0x3FAC]  }
0x2c: {  	s7 =	sld [smem:$0x3FAD]  }
0x2d: {  	s3 =	simm.s32 $0x108;
	s8 =	sld [smem:$0x3FAE]  }
0x2e: {  	s3 =	simm.s32 @!p0 $0x1082;
	s9 =	sld [smem:$0x3FAF]  }
0x2f: {  	lr =	sadd.s32 s0, s3;
	s0 =	sld [smem:$0x3FA6]  }
0x30: {  	s3 =	sld [smem:$0x3FA9]  }
0x31: {  	[smem:$0x3FB2] =	sst s10  }
0x32: {  	s10 =	sld [smem:$0x3FB0];
	_ =	sdelay $0x3  }
0x33: {  	p0 =	seq.s32 s10, $0x1;
	s10 =	sld [smem:$0x3FB2];
	_ =	sdelay $0x3  }
0x34: {  	[smem:$0x3FB2] =	sst s10  }
0x35: {  	s10 =	sld [smem:$0x3FB1];
	_ =	sdelay $0x3  }
0x36: {  	p1 =	seq.s32 s10, $0x1;
	s10 =	sld [smem:$0x3FB2];
	_ =	sdelay $0x3  }
0x37: {  	[smem:$0x3FB2] =	sst s10  }
0x38: {  	s10 =	sld [smem:$0x3FB3]  }
0x39: {  	_ = 	snop;
	(pc) =	sbr.ind lr, $3  }
0x3a: {  	_ = 	snop  }
0x3b: {  	_ = 	snop  }
0x3c: {  	p2 =	seq.s32 s10, $0x1;
	s10 =	sld [smem:$0x3FB2]  }
0x3d: {  	_ =	shalt  }
0x3e: {  	_ =	shalt  }
0x3f: {  	_ =	shalt  }
0x40: {  	_ =	shalt  }
0x41: {  	_ =	shalt  }
0x42: {  	_ =	shalt  }
0x43: {  	_ =	shalt  }
0x44: {  	_ =	shalt  }
0x45: {  	_ =	shalt  }
0x46: {  	_ =	shalt  }
0x47: {  	_ =	shalt  }
0x48: {  	_ =	shalt  }
0x49: {  	_ =	shalt  }
0x4a: {  	_ =	shalt  }
0x4b: {  	_ =	shalt  }
0x4c: {  	_ =	shalt  }
0x4d: {  	_ =	shalt  }
0x4e: {  	_ =	shalt  }
0x4f: {  	_ =	shalt  }
0x50: {  	_ =	shalt  }
0x51: {  	_ =	shalt  }
0x52: {  	_ =	shalt  }
0x53: {  	_ =	shalt  }
0x54: {  	_ =	shalt  }
0x55: {  	_ =	shalt  }
0x56: {  	_ =	shalt  }
0x57: {  	_ =	shalt  }
0x58: {  	_ =	shalt  }
0x59: {  	_ =	shalt  }
0x5a: {  	_ =	shalt  }
0x5b: {  	_ =	shalt  }
0x5c: {  	_ =	shalt  }
0x5d: {  	_ =	shalt  }
0x5e: {  	_ =	shalt  }
0x5f: {  	_ =	shalt  }
0x60: {  	_ =	shalt  }
0x61: {  	_ =	shalt  }
0x62: {  	_ =	shalt  }
0x63: {  	_ =	shalt  }
0x64: {  	_ =	shalt  }
0x65: {  	_ =	shalt  }
0x66: {  	_ =	shalt  }
0x67: {  	_ =	shalt  }
0x68: {  	_ =	shalt  }
0x69: {  	_ =	shalt  }
0x6a: {  	_ =	shalt  }
0x6b: {  	_ =	shalt  }
0x6c: {  	_ =	shalt  }
0x6d: {  	_ =	shalt  }
0x6e: {  	_ =	shalt  }
0x6f: {  	_ =	shalt  }
0x70: {  	_ =	shalt  }
0x71: {  	_ =	shalt  }
0x72: {  	_ =	shalt  }
0x73: {  	_ =	shalt  }
0x74: {  	_ =	shalt  }
0x75: {  	_ =	shalt  }
0x76: {  	_ =	shalt  }
0x77: {  	_ =	shalt  }
0x78: {  	_ =	shalt  }
0x79: {  	_ =	shalt  }
0x7a: {  	_ =	shalt  }
0x7b: {  	_ =	shalt  }
0x7c: {  	_ =	shalt  }
0x7d: {  	_ =	shalt  }
0x7e: {  	_ =	shalt  }
0x7f: {  	_ =	shalt  }
0x80: {  	_ =	shalt  }
0x81: {  	_ =	shalt  }
0x82: {  	_ =	shalt  }
0x83: {  	_ =	shalt  }
0x84: {  	_ =	shalt  }
0x85: {  	_ =	shalt  }
0x86: {  	_ =	shalt  }
0x87: {  	_ =	shalt  }
.Lfunc_end0:
.L_simem_size_0:
called_computation.1_lowered:
.L_overlay_start_0:
0x88: {  	s2 =	sld [smem:$0x3FD9]  }
0x89: {  	s3 =	sld [smem:$0x3FFE];
	_ =	sdelay $0x1  }
0x8a: {  	s1 =	srdreg.scid  }
0x8b: {  	s0 =	sand.u32 $0x1, s1  }
0x8c: {  	s14 =	sshll.u32 s0, $0xA;
	s2 =	sadd.s32 s3, s2  }
0x8d: {  	s2 =	sadd.s32 s2, s14  }
0x8e: {  	[smem:$0x3FBE] =	sst s2  }
0x8f: {  	_ = 	snop  }
0x90: {  	s2 =	sld [smem:$0x3FD0];
	_ =	sdelay $0x2  }
0x91: {  	s15 =	simm.s32 $0xA;
	s4 =	simm.s32 $0x10  }
0x92: {  	[smem:s4], [sflag:s15] =	dma.local [hbm:s2], $0x1  }
0x93: {  	_ =	swait.eq [sflag:s15], $0x1  }
0x94: {  	[sflag:s15] =	ssyncset.done $0x0  }
0x95: {  	s16 =	sld [smem:$0x10];
	[sflag:s15] =	ssyncadd.s32 $0xFFFFFFFF  }
0x96: {  	s17 =	sld [smem:$0x11];
	(tm) =	ssettm $0x1  }
0x97: {  	s18 =	sld [smem:$0x3FFB];
	_ =	sdelay $0x3  }
0x98: {  	_ =	strace s18  }
0x99: {  	s4 =	sld [smem:$0x3FFC];
	_ =	sdelay $0x3  }
0x9a: {  	_ =	strace s4  }
0x9b: {  	s4 =	sld [smem:$0x3FFD];
	_ =	sdelay $0x3  }
0x9c: {  	_ =	strace s4  }
0x9d: {  	_ =	strace $0x8FFFFFFF  }
0x9e: {  	s19 =	sld [smem:$0x3FDB];
	_ =	sdelay $0x1  }
0x9f: {  	s5 =	simm.s32 $_scs_section_size  }
0xa0: {  	s6 =	simm.s32 $_size__tile_overlayer_lowered;
	s7 =	simm.s32 $_tile_overlayer_lowered  }
0xa1: {  	s22 =	simm.s32 $0x1BFF;
	s21 =	sshll.u32 s7, $0x1;
	s4 =	sadd.s32 s5, s19  }
0xa2: {  	s8 =	simm.s32 $0x0;
	s20 =	sshll.u32 s6, $0x1;
	s6 =	sadd.s32 s21, s4  }
0xa3: {  	[timem:s8], [sflag:s22] =	dma.local [hbm:s6], s20  }
0xa4: {  	_ =	swait.ge [sflag:s22], s20  }
0xa5: {  	s5 =	ssub.s32 $0x0, s20;
	[sflag:s22] =	ssyncset.done $0x0  }
0xa6: {  	[sflag:s22] =	ssyncadd.s32 s5;
	_ =	sdelay $0x1  }
0xa7: {  	s23 =	simm.s32 $0x1B8B  }
0xa8: {  	_ =	swait.ge [sflag:s23], $0x1  }
0xa9: {  	[sflag:s23] =	ssyncset.done $0x0  }
0xaa: {  	s25 =	simm.s32 $0x1B8E;
	s24 =	sld [smem:$0x3FFE];
	[sflag:s23] =	ssyncadd.s32 $0xFFFFFFFF  }
0xab: {  	s26 =	simm.s32 $execute0_lowered;
	[smem:$0x3FD2] =	sst s25  }
0xac: {  	s6 =	sshll.u32 s26, $0x1;
	_ =	strace $0x80000049;
	[dreg:$0x1] =	wrdreg $0xFFFFFFFF  }
0xad: {  	s28 =	simm.s32 $_size_execute0_lowered;
	s4 =	sadd.s32 s4, s6;
	[dreg:$0x0] =	wrdreg $0x0  }
0xae: {  	s6 =	sshll.u32 s28, $0x1;
	[dreg:$0x2] =	wrdreg s4  }
0xaf: {  	[dreg:$0x3] =	wrdreg s6  }
0xb0: {  	[dreg:$0x4] =	wrdreg $0xC0  }
0xb1: {  	_ =	task [dreg:s8], $0x5FFFF  }
0xb2: {  	[dreg:$0x1] =	wrdreg $0xFFFFFFFF  }
0xb3: {  	[dreg:$0x0] =	wrdreg $0x60  }
0xb4: {  	[dreg:$0x2] =	wrdreg s24  }
0xb5: {  	[dreg:$0x3] =	wrdreg s17  }
0xb6: {  	[dreg:$0x4] =	wrdreg s16  }
0xb7: {  	[dreg:$0x5] =	wrdreg $0x0  }
0xb8: {  	[dreg:$0x6] =	wrdreg $0xA0000  }
0xb9: {  	[dreg:$0x7] =	wrdreg $0x9  }
0xba: {  	_ =	task.clear_ibuf [dreg:s8], $0x8FFFF;
	_ =	strace $0x90000049  }
0xbb: {  	s29 =	simm.s32 $0x9;
	_ =	strace $0x8000004B  }
0xbc: {  	_ =	swait.ge [sflag:s29], $0x1  }
0xbd: {  	[sflag:s29] =	ssyncadd.s32 $0xFFFFFFFF  }
0xbe: {  	_ =	strace $0x9000004B  }
0xbf: {  	_ =	sfence  }
0xc0: {  	s30 =	sld [smem:$0x0];
	_ =	sdelay $0x2  }
0xc1: {  	s31 =	sshll.u32 s1, $0xD;
	s1 =	sshrl.u32 s1, $0x2  }
0xc2: {  	s3 =	sand.u32 $0x4000, s31;
	s1 =	sadd.s32 s1, s30  }
0xc3: {  	s0 =	sor.u32 s3, s0;
	s1 =	sshll.u32 s1, $0x11  }
0xc4: {  	s0 =	sor.u32 s1, s0  }
0xc5: {  	s0 =	sadd.s32 $0x8F2B, s0  }
0xc6: {  	[sflag:s0] =	ssyncadd.remote.s32 $0x1  }
0xc7: {  	_ =	sfence.sel $0xFFFF  }
0xc8: {  	[dreg:$0x0] =	wrdreg $0xFFFFFFFF;
	(pc) =	sbr.abs _section_cstart, $3  }
0xc9: {  	[dreg:$0x1] =	wrdreg $0xFFFFFFFF  }
0xca: {  	_ =	task.clear_ibuf [dreg:s8], $0x2FFFF;
	_ =	strace $0x9FFFFFFF  }
0xcb: {  	(tm) =	ssettm $0x7FFFFFFF  }
tec
execute0_lowered:
.L_overlay_start_1:
0x0: {  	(tag) =	ssettag $0x1  }
0x1: {  	s13 =	rddreg [dreg:$0x0]  }
0x2: {  	s10 =	rddreg [dreg:$0x1]  }
0x3: {  	s11 =	rddreg [dreg:$0x2]  }
0x4: {  	s2 =	rddreg [dreg:$0x3];
	s0 =	srdreg.scid  }
0x5: {  	s3 =	rddreg [dreg:$0x4];
	s1 =	stileid.u32  }
0x6: {  	s4 =	simm.s32 $0x0;
	s19 =	simm.s32 $0x85800;
	s20 =	simm.s32 $0x19000  }
0x7: {  	s21 =	simm.s32 $0x14080;
	s22 =	simm.s32 $0x1B000;
	s23 =	simm.s32 $0x1  }
0x8: {  	s24 =	simm.s32 $0x2;
	s25 =	simm.s32 $0x18F00;
	s6 =	smul.u32 $0x1400, s1  }
0x9: {  	s26 =	simm.s32 $0x18F80;
	s28 =	simm.s32 $0x0;
	s14 =	smul.u32 $0xA000, s1  }
0xa: {  	s12 =	sand.u32 $0x1, s0;
	s0 =	rddreg [dreg:$0x5];
	s9 =	smul.u32 $0xA00, s1  }
0xb: {  	[smem:$0x7FF] =	sst s4;
	s31 =	sshll.u32 s1, $0x6;
	s17 =	smul.u32 $0x5000, s1  }
0xc: {  	s5 =	smul.u32 $0x14000, s12;
	_ =	strace $0x8000004A;
	s30 =	ssub.s32 $0x2, s12  }
0xd: {  	p0 =	seq.s32 s12, $0x1;
	s8 =	sshrl.u32 s30, $0x1;
	s16 =	sadd.s32 s14, s2  }
0xe: {  	s18 =	sadd.s32 s14, s3;
	s17 =	sshrl.u32 s17, $0x3;
	s19 =	simm.s32 @!p0 $0x99800  }
0xf: {  	s14 =	sshrl.u32 s14, $0x3;
	s5 =	sadd.s32 s6, s5;
	s15 =	ssub.s32 s30, s8  }
0x10: {  	s6 =	sor.u32 $0x1C03, s31;
	s8 =	sadd.s32 s10, s9;
	s9 =	sadd.s32 s11, s9  }
0x11: {  	s17 =	sadd.s32 $0x500, s17;
	s7 =	sadd.s32 s5, s13;
	s5 =	sadd.s32 $0x3000, s13  }
0x12: {  	s10 =	sadd.s32 s10, s17;
	s11 =	sadd.s32 s11, s17;
	s12 =	smax.u32 s15, $0x1  }
0x13: {  	s13 =	sadd.s32 s19, s13;
	s15 =	simm.s32 $0x3;
	s17 =	simm.s32 $0x14000  }
0x14: {  	s19 =	simm.s32 $0x80;
	s7 =	sadd.s32 $0x5D800, s7;
	s13 =	sadd.s32 s13, s14  }
0x15: {  	s14 =	sshrl.u32 s16, $0x3;
	s16 =	sshrl.u32 s18, $0x3;
	s18 =	simm.s32 $0x16800  }
.LBB2_1:
0x16: {  	[spmem:s14], [sflag:s6] =	dma.local [hbm:s5], $0x1400  }
0x17: {  	_ =	swait.ge [sflag:s15], $0x1400  }
0x18: {  	[sflag:s15] =	ssyncset.done $0x0  }
0x19: {  	[sflag:s15] =	ssyncadd.s32 $0xFFFFEC00  }
0x1a: {  	[spmem:s16], [sflag:s6] =	dma.local [hbm:s7], $0x1400  }
0x1b: {  	_ =	swait.ge [sflag:s15], $0x1400  }
0x1c: {  	[sflag:s15] =	ssyncset.done $0x0  }
0x1d: {  	[sflag:s15] =	ssyncadd.s32 $0xFFFFEC00  }
0x1e: {  	[bflag:$0x0] =	sbarrier.arrive $0xFFFF  }
0x1f: {  	[tilespmem:s17], [sflag:$0x3] =	stream.linear.gather [hbm4b:s8+s4], $0x2800, $0x38;
	[tilespmem:$0x1D000] =	vst v63  }
0x20: {  	_ =	swait.ge [sflag:s15], $0x2800  }
0x21: {  	[sflag:s15] =	ssyncset.done $0x0  }
0x22: {  	[sflag:s15] =	ssyncadd.s32 $0xFFFFD800  }
0x23: {  	[tilespmem:s18], [sflag:$0x3] =	stream.linear.gather [hbm4b:s9+s4], $0x2800, $0x38;
	[tilespmem:$0x1D000] =	vst v63  }
0x24: {  	_ =	swait.ge [sflag:s15], $0x2800  }
0x25: {  	[sflag:s15] =	ssyncset.done $0x0  }
0x26: {  	[sflag:s15] =	ssyncadd.s32 $0xFFFFD800  }
0x27: {  	[tilespmem:s20], [sflag:$0x1] =	stream.indirect.gather [spmem:s3], $0x40, s17, s19, $0xb8;
	[tilespmem:$0x1D000] =	vst v63  }
0x28: {  	_ = 	snop  }
0x29: {  	[tilespmem:s22], [sflag:$0x2] =	stream.indirect.gather [spmem:s3], $0x40, s21, s19, $0xb8;
	[tilespmem:$0x1D000] =	vst v63  }
0x2a: {  	_ =	swait.ge [sflag:s23], $0x2000  }
0x2b: {  	[sflag:s23] =	ssyncset.done $0x0  }
0x2c: {  	s29 =	simm.s32 $0x16800;
	[sflag:s23] =	ssyncadd.s32 $0xFFFFE000  }
0x2d: {  	[spmem:s2] =	stream.indirect.scatter.add.f32 [tilespmem:s20], [sflag:$0x3], $0x40, s29, s19, $0xb8;
	[tilespmem:$0x1D000] =	vst v63  }
0x2e: {  	_ =	swait.ge [sflag:s15], $0x2000  }
0x2f: {  	[sflag:s15] =	ssyncset.done $0x0  }
0x30: {  	s29 =	simm.s32 $0x14100;
	[sflag:s15] =	ssyncadd.s32 $0xFFFFE000  }
0x31: {  	[tilespmem:s20], [sflag:$0x1] =	stream.indirect.gather [spmem:s3], $0x40, s29, s19, $0xb8;
	[tilespmem:$0x1D000] =	vst v63  }
0x32: {  	_ =	swait.ge [sflag:s24], $0x2000  }
0x33: {  	[sflag:s24] =	ssyncset.done $0x0  }
0x34: {  	s29 =	simm.s32 $0x16880;
	[sflag:s24] =	ssyncadd.s32 $0xFFFFE000  }
0x35: {  	[spmem:s2] =	stream.indirect.scatter.add.f32 [tilespmem:s22], [sflag:$0x3], $0x40, s29, s19, $0xb8;
	[tilespmem:$0x1D000] =	vst v63  }
0x36: {  	_ =	swait.ge [sflag:s15], $0x2000  }
0x37: {  	[sflag:s15] =	ssyncset.done $0x0  }
0x38: {  	s30 =	simm.s32 $0x14180;
	s29 =	simm.s32 $0x400;
	[sflag:s15] =	ssyncadd.s32 $0xFFFFE000  }
.LBB2_2:
0x39: {  	[tilespmem:s22], [sflag:$0x2] =	stream.indirect.gather [spmem:s3], $0x40, s30, s19, $0xb8;
	[tilespmem:$0x1D000] =	vst v63  }
0x3a: {  	s30 =	smov.u32 s29  }
0x3b: {  	p0 =	sne.s32 s29, $0x9800;
	s29 =	sadd.s32 $0x400, s29;
	_ =	swait.ge [sflag:s23], $0x2000  }
0x3c: {  	s30 =	sshra.s32 s30, $0x2;
	[sflag:s23] =	ssyncset.done $0x0  }
0x3d: {  	s31 =	sadd.s32 $0x16800, s30;
	[sflag:s23] =	ssyncadd.s32 $0xFFFFE000  }
0x3e: {  	[spmem:s2] =	stream.indirect.scatter.add.f32 [tilespmem:s20], [sflag:$0x3], $0x40, s31, s19, $0xb8;
	[tilespmem:$0x1D000] =	vst v63  }
0x3f: {  	_ =	swait.ge [sflag:s15], $0x2000  }
0x40: {  	[sflag:s15] =	ssyncset.done $0x0  }
0x41: {  	s31 =	sadd.s32 $0x14100, s30;
	[sflag:s15] =	ssyncadd.s32 $0xFFFFE000  }
0x42: {  	[tilespmem:s20], [sflag:$0x1] =	stream.indirect.gather [spmem:s3], $0x40, s31, s19, $0xb8;
	[tilespmem:$0x1D000] =	vst v63  }
0x43: {  	_ =	swait.ge [sflag:s24], $0x2000  }
0x44: {  	[sflag:s24] =	ssyncset.done $0x0  }
.Ltmp0:
0x45: {  	s31 =	sadd.s32 $0x16880, s30;
	[sflag:s24] =	ssyncadd.s32 $0xFFFFE000;
	(pc) =	sbr.rel @p0 .LBB2_2-.Ltmp0, $4  }
0x46: {  	[spmem:s2] =	stream.indirect.scatter.add.f32 [tilespmem:s22], [sflag:$0x3], $0x40, s31, s19, $0xb8;
	[tilespmem:$0x1D000] =	vst v63  }
0x47: {  	_ =	swait.ge [sflag:s15], $0x2000  }
0x48: {  	[sflag:s15] =	ssyncset.done $0x0  }
0x49: {  	s30 =	sadd.s32 $0x14180, s30;
	[sflag:s15] =	ssyncadd.s32 $0xFFFFE000  }
0x4a: {  	[tilespmem:s22], [sflag:$0x2] =	stream.indirect.gather [spmem:s3], $0x40, s30, s19, $0xb8;
	[tilespmem:$0x1D000] =	vst v63  }
0x4b: {  	_ =	swait.ge [sflag:s23], $0x2000  }
0x4c: {  	[sflag:s23] =	ssyncset.done $0x0  }
0x4d: {  	[sflag:s23] =	ssyncadd.s32 $0xFFFFE000  }
0x4e: {  	[spmem:s2] =	stream.indirect.scatter.add.f32 [tilespmem:s20], [sflag:$0x3], $0x40, s25, s19, $0xb8;
	[tilespmem:$0x1D000] =	vst v63  }
0x4f: {  	_ =	swait.ge [sflag:s15], $0x2000  }
0x50: {  	[sflag:s15] =	ssyncset.done $0x0  }
0x51: {  	[sflag:s15] =	ssyncadd.s32 $0xFFFFE000  }
0x52: {  	_ =	swait.ge [sflag:s24], $0x2000  }
0x53: {  	[sflag:s24] =	ssyncset.done $0x0  }
0x54: {  	[sflag:s24] =	ssyncadd.s32 $0xFFFFE000  }
0x55: {  	[spmem:s2] =	stream.indirect.scatter.add.f32 [tilespmem:s22], [sflag:$0x3], $0x40, s26, s19, $0xb8;
	[tilespmem:$0x1D000] =	vst v63  }
0x56: {  	_ =	swait.ge [sflag:s15], $0x2000  }
0x57: {  	[sflag:s15] =	ssyncset.done $0x0  }
0x58: {  	s29 =	simm.s32 $0x0;
	[sflag:s15] =	ssyncadd.s32 $0xFFFFE000  }
0x59: {  	[tilespmem:s17], [sflag:$0x3] =	stream.linear.gather [hbm4b:s10+s29], $0x2800, $0x38;
	[tilespmem:$0x1D000] =	vst v63  }
0x5a: {  	_ =	swait.ge [sflag:s15], $0x2800  }
0x5b: {  	[sflag:s15] =	ssyncset.done $0x0  }
0x5c: {  	[sflag:s15] =	ssyncadd.s32 $0xFFFFD800  }
0x5d: {  	[tilespmem:s18], [sflag:$0x3] =	stream.linear.gather [hbm4b:s11+s29], $0x2800, $0x38;
	[tilespmem:$0x1D000] =	vst v63  }
0x5e: {  	_ =	swait.ge [sflag:s15], $0x2800  }
0x5f: {  	[sflag:s15] =	ssyncset.done $0x0  }
0x60: {  	[sflag:s15] =	ssyncadd.s32 $0xFFFFD800  }
0x61: {  	[tilespmem:s20], [sflag:$0x1] =	stream.indirect.gather [spmem:s3], $0x40, s17, s19, $0xb8;
	[tilespmem:$0x1D000] =	vst v63  }
0x62: {  	_ = 	snop  }
0x63: {  	[tilespmem:s22], [sflag:$0x2] =	stream.indirect.gather [spmem:s3], $0x40, s21, s19, $0xb8;
	[tilespmem:$0x1D000] =	vst v63  }
0x64: {  	_ =	swait.ge [sflag:s23], $0x2000  }
0x65: {  	[sflag:s23] =	ssyncset.done $0x0  }
0x66: {  	s29 =	simm.s32 $0x16800;
	[sflag:s23] =	ssyncadd.s32 $0xFFFFE000  }
0x67: {  	[spmem:s2] =	stream.indirect.scatter.add.f32 [tilespmem:s20], [sflag:$0x3], $0x40, s29, s19, $0xb8;
	[tilespmem:$0x1D000] =	vst v63  }
0x68: {  	_ =	swait.ge [sflag:s15], $0x2000  }
0x69: {  	[sflag:s15] =	ssyncset.done $0x0  }
0x6a: {  	s29 =	simm.s32 $0x14100;
	[sflag:s15] =	ssyncadd.s32 $0xFFFFE000  }
0x6b: {  	[tilespmem:s20], [sflag:$0x1] =	stream.indirect.gather [spmem:s3], $0x40, s29, s19, $0xb8;
	[tilespmem:$0x1D000] =	vst v63  }
0x6c: {  	_ =	swait.ge [sflag:s24], $0x2000  }
0x6d: {  	[sflag:s24] =	ssyncset.done $0x0  }
0x6e: {  	s29 =	simm.s32 $0x16880;
	[sflag:s24] =	ssyncadd.s32 $0xFFFFE000  }
0x6f: {  	[spmem:s2] =	stream.indirect.scatter.add.f32 [tilespmem:s22], [sflag:$0x3], $0x40, s29, s19, $0xb8;
	[tilespmem:$0x1D000] =	vst v63  }
0x70: {  	_ =	swait.ge [sflag:s15], $0x2000  }
0x71: {  	[sflag:s15] =	ssyncset.done $0x0  }
0x72: {  	s30 =	simm.s32 $0x14180;
	s29 =	simm.s32 $0x400;
	[sflag:s15] =	ssyncadd.s32 $0xFFFFE000  }
.LBB2_4:
0x73: {  	[tilespmem:s22], [sflag:$0x2] =	stream.indirect.gather [spmem:s3], $0x40, s30, s19, $0xb8;
	[tilespmem:$0x1D000] =	vst v63  }
0x74: {  	s30 =	smov.u32 s29  }
0x75: {  	p0 =	sne.s32 s29, $0x9800;
	s29 =	sadd.s32 $0x400, s29;
	_ =	swait.ge [sflag:s23], $0x2000  }
0x76: {  	s30 =	sshra.s32 s30, $0x2;
	[sflag:s23] =	ssyncset.done $0x0  }
0x77: {  	s31 =	sadd.s32 $0x16800, s30;
	[sflag:s23] =	ssyncadd.s32 $0xFFFFE000  }
0x78: {  	[spmem:s2] =	stream.indirect.scatter.add.f32 [tilespmem:s20], [sflag:$0x3], $0x40, s31, s19, $0xb8;
	[tilespmem:$0x1D000] =	vst v63  }
0x79: {  	_ =	swait.ge [sflag:s15], $0x2000  }
0x7a: {  	[sflag:s15] =	ssyncset.done $0x0  }
0x7b: {  	s31 =	sadd.s32 $0x14100, s30;
	[sflag:s15] =	ssyncadd.s32 $0xFFFFE000  }
0x7c: {  	[tilespmem:s20], [sflag:$0x1] =	stream.indirect.gather [spmem:s3], $0x40, s31, s19, $0xb8;
	[tilespmem:$0x1D000] =	vst v63  }
0x7d: {  	_ =	swait.ge [sflag:s24], $0x2000  }
0x7e: {  	[sflag:s24] =	ssyncset.done $0x0  }
.Ltmp1:
0x7f: {  	s31 =	sadd.s32 $0x16880, s30;
	[sflag:s24] =	ssyncadd.s32 $0xFFFFE000;
	(pc) =	sbr.rel @p0 .LBB2_4-.Ltmp1, $4  }
0x80: {  	[spmem:s2] =	stream.indirect.scatter.add.f32 [tilespmem:s22], [sflag:$0x3], $0x40, s31, s19, $0xb8;
	[tilespmem:$0x1D000] =	vst v63  }
0x81: {  	_ =	swait.ge [sflag:s15], $0x2000  }
0x82: {  	[sflag:s15] =	ssyncset.done $0x0  }
0x83: {  	s30 =	sadd.s32 $0x14180, s30;
	[sflag:s15] =	ssyncadd.s32 $0xFFFFE000  }
0x84: {  	[tilespmem:s22], [sflag:$0x2] =	stream.indirect.gather [spmem:s3], $0x40, s30, s19, $0xb8;
	[tilespmem:$0x1D000] =	vst v63  }
0x85: {  	_ =	swait.ge [sflag:s23], $0x2000  }
0x86: {  	[sflag:s23] =	ssyncset.done $0x0  }
0x87: {  	[sflag:s23] =	ssyncadd.s32 $0xFFFFE000  }
0x88: {  	[spmem:s2] =	stream.indirect.scatter.add.f32 [tilespmem:s20], [sflag:$0x3], $0x40, s25, s19, $0xb8;
	[tilespmem:$0x1D000] =	vst v63  }
0x89: {  	_ =	swait.ge [sflag:s15], $0x2000  }
0x8a: {  	[sflag:s15] =	ssyncset.done $0x0  }
0x8b: {  	[sflag:s15] =	ssyncadd.s32 $0xFFFFE000  }
0x8c: {  	_ =	swait.ge [sflag:s24], $0x2000  }
0x8d: {  	[sflag:s24] =	ssyncset.done $0x0  }
0x8e: {  	[sflag:s24] =	ssyncadd.s32 $0xFFFFE000  }
0x8f: {  	[spmem:s2] =	stream.indirect.scatter.add.f32 [tilespmem:s22], [sflag:$0x3], $0x40, s26, s19, $0xb8;
	[tilespmem:$0x1D000] =	vst v63  }
0x90: {  	_ =	swait.ge [sflag:s15], $0x2000  }
0x91: {  	s28 =	sadd.s32 $0x1, s28;
	[sflag:s15] =	ssyncset.done $0x0  }
0x92: {  	p0 =	sne.s32 s28, s12;
	[sflag:s15] =	ssyncadd.s32 $0xFFFFE000  }
.Ltmp2:
0x93: {  	[bflag:$0x0] =	sbarrier.arrive $0xFFFF;
	(pc) =	sbr.rel @p0 .LBB2_1-.Ltmp2, $4  }
0x94: {  	[hbm:s13], [sflag:s6] =	dma.local [spmem:s14], $0x1400  }
0x95: {  	_ =	swait.ge [sflag:s15], $0x1400  }
0x96: {  	[sflag:s15] =	ssyncset.done $0x0  }
0x97: {  	[sflag:s15] =	ssyncadd.s32 $0xFFFFEC00  }
0x98: {  	_ =	sfence.sel $0x180000  }
0x99: {  	[bflag:$0x0] =	sbarrier.arrive $0xFFFF  }
0x9a: {  	p0 =	sne.s32 s1, $0x0;
	_ =	strace $0x9000004A  }
0x9b: {  	s0 =	sadd.s32 @!p0 $0x100000, s0;
	[bflag:$0x2] =	sbarrier.arrive $0xFFFF  }
0x9c: {  	[sflag:s0] =	ssyncadd.tile.s32 @!p0 $0x1;
	_ =	shalt  }
.Lfunc_end2:
_tile_overlayer_lowered:
.L_overlay_start_2:
0x9d: {  	(tag) =	ssettag $0x2  }
0x9e: {  	s0 =	rddreg [dreg:$0x0];
	s2 =	stileid.u32  }
0x9f: {  	s1 =	rddreg [dreg:$0x1];
	p0 =	sne.s32 s2, $0x0  }
0xa0: {  	s3 =	rddreg [dreg:$0x2];
	[bflag:$0x3] =	sbarrier.arrive $0xFFFF;
	s2 =	simm.s32 @!p0 $0x1C03  }
0xa1: {  	[timem:s3], [sflag:s2] =	dma.local @!p0 [hbm:s0], s1  }
0xa2: {  	s0 =	simm.s32 @!p0 $0x3  }
0xa3: {  	_ =	swait.ge @!p0 [sflag:s0], s1  }
0xa4: {  	s1 =	ssub.s32 @!p0 $0x0, s1;
	[sflag:s0] =	ssyncset.done @!p0 $0x0  }
0xa5: {  	[sflag:s0] =	ssyncadd.s32 @!p0 s1  }
0xa6: {  	[bflag:$0x3] =	sbarrier.arrive $0xFFFF  }
0xa7: {  	_ =	shalt  }

// kernel: kernel.14.cloned.1.call-start
scs
__scs_entry_jumppad:
0x0: {  	(pc) =	sbr.rel $0x88, $3  }
0x1: {  	(tag) =	ssettag $0x0;
	lr =	simm.s32 $0x1  }
0x2: {  	[smem:$0x3F97] =	sst lr;
	_ =	strace $0xD0000000  }
0x3: {  	_ = 	snop  }
0x4: {  	_ = 	snop  }
0x5: {  	_ = 	snop  }
0x6: {  	_ = 	snop  }
0x7: {  	_ = 	snop  }
__scs_overlays_trampoline_lowered:
0x8: {  	[smem:$0x3FA6] =	sst s0  }
0x9: {  	[smem:$0x3FA7] =	sst s1  }
0xa: {  	[smem:$0x3FA8] =	sst s2  }
0xb: {  	[smem:$0x3FA9] =	sst s3  }
0xc: {  	[smem:$0x3FAA] =	sst s4  }
0xd: {  	[smem:$0x3FAB] =	sst s5  }
0xe: {  	[smem:$0x3FAC] =	sst s6  }
0xf: {  	[smem:$0x3FAD] =	sst s7  }
0x10: {  	[smem:$0x3FAE] =	sst s8  }
0x11: {  	[smem:$0x3FAF] =	sst s9;
	s0 =	simm.s32 @!p0 $0x0  }
0x12: {  	s1 =	sld [smem:$0x3F95];
	s0 =	simm.s32 @p0 $0x1  }
0x13: {  	[smem:$0x3FB0] =	sst s0;
	s0 =	simm.s32 @!p1 $0x0  }
0x14: {  	s2 =	sld [smem:$0x3F94];
	s0 =	simm.s32 @p1 $0x1  }
0x15: {  	[smem:$0x3FB1] =	sst s0;
	s0 =	simm.s32 @!p2 $0x0  }
0x16: {  	s3 =	sld [smem:$0x3FDB];
	s0 =	simm.s32 @p2 $0x1  }
0x17: {  	s4 =	simm.s32 $0x1BF5;
	[smem:$0x3FB3] =	sst s0  }
0x18: {  	s0 =	sld [smem:$0x3F96];
	_ =	swait.ge [sflag:s4], $0x0  }
0x19: {  	s7 =	sld [smem:$0x3F97]  }
0x1a: {  	s8 =	sadd.s32 $0xFFFFE003, lr  }
0x1b: {  	s9 =	sadd.s32 $0xFFFFFEF7, lr;
	s5 =	simm.s32 $0xFFFFFFFF;
	p2 =	slt.u32 s8, $0xFFFFF086  }
0x1c: {  	p1 =	slt.u32 s9, $0xF7A;
	s5 =	simm.s32 @!p2 $0x0  }
0x1d: {  	s5 =	simm.s32 @p1 $0x1;
	p0 =	seq.s32 s7, s2  }
0x1e: {  	s7 =	smul.u32 @!p0 $0xF7A, s2;
	p2 =	seq.s32 @!p0 s5, $0x0  }
0x1f: {  	s9 =	smul.u32 $0xF7A, s1;
	s8 =	simm.s32 @!p0 $0x1BF5;
	p2 =	por !p2, p0  }
0x20: {  	[sflag:s8] =	ssyncset.s32 @!p0 $0xFFFFF086;
	s6 =	sadd.s32 @!p0 s3, s7;
	s7 =	simm.s32 @!p0 $0x108  }
0x21: {  	s3 =	sadd.s32 s3, s9;
	s6 =	sadd.s32 @!p0 $0x88, s6;
	s7 =	simm.s32 @p2 $0x1082  }
0x22: {  	[simem:s7], [sflag:s8] =	dma.local @!p0 [hbm:s6], $0xF7A  }
0x23: {  	s9 =	sor.u32 $0xD0000000, s2;
	s6 =	simm.s32 $0x108;
	_ =	swait.ge @!p0 [sflag:s8], $0x0  }
0x24: {  	s3 =	sadd.s32 $0x88, s3;
	s6 =	simm.s32 @!p1 $0x1082;
	[sflag:s4] =	ssyncset.s32 $0xFFFFF086  }
0x25: {  	[simem:s6], [sflag:s4] =	dma.local [hbm:s3], $0xF7A  }
0x26: {  	[smem:$0x3F97] =	sst s1;
	(tag) =	ssettag s2;
	_ =	strace s9  }
0x27: {  	s1 =	sld [smem:$0x3FA7]  }
0x28: {  	s2 =	sld [smem:$0x3FA8]  }
0x29: {  	s4 =	sld [smem:$0x3FAA]  }
0x2a: {  	p0 =	seq.s32 s5, $0x0;
	s5 =	sld [smem:$0x3FAB]  }
0x2b: {  	s6 =	sld [smem:$0x3FAC]  }
0x2c: {  	s7 =	sld [smem:$0x3FAD]  }
0x2d: {  	s3 =	simm.s32 $0x108;
	s8 =	sld [smem:$0x3FAE]  }
0x2e: {  	s3 =	simm.s32 @!p0 $0x1082;
	s9 =	sld [smem:$0x3FAF]  }
0x2f: {  	lr =	sadd.s32 s0, s3;
	s0 =	sld [smem:$0x3FA6]  }
0x30: {  	s3 =	sld [smem:$0x3FA9]  }
0x31: {  	[smem:$0x3FB2] =	sst s10  }
0x32: {  	s10 =	sld [smem:$0x3FB0];
	_ =	sdelay $0x3  }
0x33: {  	p0 =	seq.s32 s10, $0x1;
	s10 =	sld [smem:$0x3FB2];
	_ =	sdelay $0x3  }
0x34: {  	[smem:$0x3FB2] =	sst s10  }
0x35: {  	s10 =	sld [smem:$0x3FB1];
	_ =	sdelay $0x3  }
0x36: {  	p1 =	seq.s32 s10, $0x1;
	s10 =	sld [smem:$0x3FB2];
	_ =	sdelay $0x3  }
0x37: {  	[smem:$0x3FB2] =	sst s10  }
0x38: {  	s10 =	sld [smem:$0x3FB3]  }
0x39: {  	_ = 	snop;
	(pc) =	sbr.ind lr, $3  }
0x3a: {  	_ = 	snop  }
0x3b: {  	_ = 	snop  }
0x3c: {  	p2 =	seq.s32 s10, $0x1;
	s10 =	sld [smem:$0x3FB2]  }
0x3d: {  	_ =	shalt  }
0x3e: {  	_ =	shalt  }
0x3f: {  	_ =	shalt  }
0x40: {  	_ =	shalt  }
0x41: {  	_ =	shalt  }
0x42: {  	_ =	shalt  }
0x43: {  	_ =	shalt  }
0x44: {  	_ =	shalt  }
0x45: {  	_ =	shalt  }
0x46: {  	_ =	shalt  }
0x47: {  	_ =	shalt  }
0x48: {  	_ =	shalt  }
0x49: {  	_ =	shalt  }
0x4a: {  	_ =	shalt  }
0x4b: {  	_ =	shalt  }
0x4c: {  	_ =	shalt  }
0x4d: {  	_ =	shalt  }
0x4e: {  	_ =	shalt  }
0x4f: {  	_ =	shalt  }
0x50: {  	_ =	shalt  }
0x51: {  	_ =	shalt  }
0x52: {  	_ =	shalt  }
0x53: {  	_ =	shalt  }
0x54: {  	_ =	shalt  }
0x55: {  	_ =	shalt  }
0x56: {  	_ =	shalt  }
0x57: {  	_ =	shalt  }
0x58: {  	_ =	shalt  }
0x59: {  	_ =	shalt  }
0x5a: {  	_ =	shalt  }
0x5b: {  	_ =	shalt  }
0x5c: {  	_ =	shalt  }
0x5d: {  	_ =	shalt  }
0x5e: {  	_ =	shalt  }
0x5f: {  	_ =	shalt  }
0x60: {  	_ =	shalt  }
0x61: {  	_ =	shalt  }
0x62: {  	_ =	shalt  }
0x63: {  	_ =	shalt  }
0x64: {  	_ =	shalt  }
0x65: {  	_ =	shalt  }
0x66: {  	_ =	shalt  }
0x67: {  	_ =	shalt  }
0x68: {  	_ =	shalt  }
0x69: {  	_ =	shalt  }
0x6a: {  	_ =	shalt  }
0x6b: {  	_ =	shalt  }
0x6c: {  	_ =	shalt  }
0x6d: {  	_ =	shalt  }
0x6e: {  	_ =	shalt  }
0x6f: {  	_ =	shalt  }
0x70: {  	_ =	shalt  }
0x71: {  	_ =	shalt  }
0x72: {  	_ =	shalt  }
0x73: {  	_ =	shalt  }
0x74: {  	_ =	shalt  }
0x75: {  	_ =	shalt  }
0x76: {  	_ =	shalt  }
0x77: {  	_ =	shalt  }
0x78: {  	_ =	shalt  }
0x79: {  	_ =	shalt  }
0x7a: {  	_ =	shalt  }
0x7b: {  	_ =	shalt  }
0x7c: {  	_ =	shalt  }
0x7d: {  	_ =	shalt  }
0x7e: {  	_ =	shalt  }
0x7f: {  	_ =	shalt  }
0x80: {  	_ =	shalt  }
0x81: {  	_ =	shalt  }
0x82: {  	_ =	shalt  }
0x83: {  	_ =	shalt  }
0x84: {  	_ =	shalt  }
0x85: {  	_ =	shalt  }
0x86: {  	_ =	shalt  }
0x87: {  	_ =	shalt  }
.Lfunc_end0:
.L_simem_size_0:
called_computation.2_lowered:
.L_overlay_start_0:
0x88: {  	s2 =	sld [smem:$0x3FD9]  }
0x89: {  	s3 =	sld [smem:$0x3FFE];
	_ =	sdelay $0x1  }
0x8a: {  	s1 =	srdreg.scid  }
0x8b: {  	s0 =	sand.u32 $0x1, s1  }
0x8c: {  	s14 =	sshll.u32 s0, $0xA;
	s2 =	sadd.s32 s3, s2  }
0x8d: {  	s2 =	sadd.s32 s2, s14  }
0x8e: {  	[smem:$0x3FBE] =	sst s2  }
0x8f: {  	_ = 	snop  }
0x90: {  	s2 =	sld [smem:$0x3FD0];
	_ =	sdelay $0x2  }
0x91: {  	s15 =	simm.s32 $0xA;
	s4 =	simm.s32 $0x10  }
0x92: {  	[smem:s4], [sflag:s15] =	dma.local [hbm:s2], $0x1  }
0x93: {  	_ =	swait.eq [sflag:s15], $0x1  }
0x94: {  	[sflag:s15] =	ssyncset.done $0x0  }
0x95: {  	s16 =	sld [smem:$0x10];
	[sflag:s15] =	ssyncadd.s32 $0xFFFFFFFF  }
0x96: {  	s17 =	sld [smem:$0x11];
	(tm) =	ssettm $0x1  }
0x97: {  	s18 =	sld [smem:$0x3FFB];
	_ =	sdelay $0x3  }
0x98: {  	_ =	strace s18  }
0x99: {  	s4 =	sld [smem:$0x3FFC];
	_ =	sdelay $0x3  }
0x9a: {  	_ =	strace s4  }
0x9b: {  	s4 =	sld [smem:$0x3FFD];
	_ =	sdelay $0x3  }
0x9c: {  	_ =	strace s4  }
0x9d: {  	_ =	strace $0x8FFFFFFF  }
0x9e: {  	s19 =	sld [smem:$0x3FDB];
	_ =	sdelay $0x1  }
0x9f: {  	s5 =	simm.s32 $_scs_section_size  }
0xa0: {  	s6 =	simm.s32 $_size__tile_overlayer_lowered;
	s7 =	simm.s32 $_tile_overlayer_lowered  }
0xa1: {  	s22 =	simm.s32 $0x1BFF;
	s21 =	sshll.u32 s7, $0x1;
	s4 =	sadd.s32 s5, s19  }
0xa2: {  	s8 =	simm.s32 $0x0;
	s20 =	sshll.u32 s6, $0x1;
	s6 =	sadd.s32 s21, s4  }
0xa3: {  	[timem:s8], [sflag:s22] =	dma.local [hbm:s6], s20  }
0xa4: {  	_ =	swait.ge [sflag:s22], s20  }
0xa5: {  	s5 =	ssub.s32 $0x0, s20;
	[sflag:s22] =	ssyncset.done $0x0  }
0xa6: {  	[sflag:s22] =	ssyncadd.s32 s5;
	_ =	sdelay $0x1  }
0xa7: {  	s23 =	simm.s32 $0x1B8B  }
0xa8: {  	_ =	swait.ge [sflag:s23], $0x1  }
0xa9: {  	[sflag:s23] =	ssyncset.done $0x0  }
0xaa: {  	s25 =	simm.s32 $0x1B8E;
	s24 =	sld [smem:$0x3FFE];
	[sflag:s23] =	ssyncadd.s32 $0xFFFFFFFF  }
0xab: {  	s26 =	simm.s32 $execute0_lowered;
	[smem:$0x3FD2] =	sst s25  }
0xac: {  	s6 =	sshll.u32 s26, $0x1;
	_ =	strace $0x8000004C;
	[dreg:$0x1] =	wrdreg $0xFFFFFFFF  }
0xad: {  	s28 =	simm.s32 $_size_execute0_lowered;
	s4 =	sadd.s32 s4, s6;
	[dreg:$0x0] =	wrdreg $0x0  }
0xae: {  	s6 =	sshll.u32 s28, $0x1;
	[dreg:$0x2] =	wrdreg s4  }
0xaf: {  	[dreg:$0x3] =	wrdreg s6  }
0xb0: {  	[dreg:$0x4] =	wrdreg $0xC0  }
0xb1: {  	_ =	task [dreg:s8], $0x5FFFF  }
0xb2: {  	[dreg:$0x1] =	wrdreg $0xFFFFFFFF  }
0xb3: {  	[dreg:$0x0] =	wrdreg $0x60  }
0xb4: {  	[dreg:$0x2] =	wrdreg s24  }
0xb5: {  	[dreg:$0x3] =	wrdreg s17  }
0xb6: {  	[dreg:$0x4] =	wrdreg s16  }
0xb7: {  	[dreg:$0x5] =	wrdreg $0x0  }
0xb8: {  	[dreg:$0x6] =	wrdreg $0xA0000  }
0xb9: {  	[dreg:$0x7] =	wrdreg $0x9  }
0xba: {  	_ =	task.clear_ibuf [dreg:s8], $0x8FFFF;
	_ =	strace $0x9000004C  }
0xbb: {  	s29 =	simm.s32 $0x9;
	_ =	strace $0x8000004E  }
0xbc: {  	_ =	swait.ge [sflag:s29], $0x1  }
0xbd: {  	[sflag:s29] =	ssyncadd.s32 $0xFFFFFFFF  }
0xbe: {  	_ =	strace $0x9000004E  }
0xbf: {  	_ =	sfence  }
0xc0: {  	s30 =	sld [smem:$0x0];
	_ =	sdelay $0x2  }
0xc1: {  	s31 =	sshll.u32 s1, $0xD;
	s1 =	sshrl.u32 s1, $0x2  }
0xc2: {  	s3 =	sand.u32 $0x4000, s31;
	s1 =	sadd.s32 s1, s30  }
0xc3: {  	s0 =	sor.u32 s3, s0;
	s1 =	sshll.u32 s1, $0x11  }
0xc4: {  	s0 =	sor.u32 s1, s0  }
0xc5: {  	s0 =	sadd.s32 $0x8F2B, s0  }
0xc6: {  	[sflag:s0] =	ssyncadd.remote.s32 $0x1  }
0xc7: {  	_ =	sfence.sel $0xFFFF  }
0xc8: {  	[dreg:$0x0] =	wrdreg $0xFFFFFFFF;
	(pc) =	sbr.abs _section_cstart, $3  }
0xc9: {  	[dreg:$0x1] =	wrdreg $0xFFFFFFFF  }
0xca: {  	_ =	task.clear_ibuf [dreg:s8], $0x2FFFF;
	_ =	strace $0x9FFFFFFF  }
0xcb: {  	(tm) =	ssettm $0x7FFFFFFF  }
tec
execute0_lowered:
.L_overlay_start_1:
0x0: {  	(tag) =	ssettag $0x1  }
0x1: {  	s13 =	rddreg [dreg:$0x0]  }
0x2: {  	s10 =	rddreg [dreg:$0x1]  }
0x3: {  	s11 =	rddreg [dreg:$0x2]  }
0x4: {  	s2 =	rddreg [dreg:$0x3];
	s0 =	srdreg.scid  }
0x5: {  	s3 =	rddreg [dreg:$0x4];
	s1 =	stileid.u32  }
0x6: {  	s4 =	simm.s32 $0x0;
	s19 =	simm.s32 $0x5D800;
	s20 =	simm.s32 $0x19000  }
0x7: {  	s21 =	simm.s32 $0x14080;
	s22 =	simm.s32 $0x1B000;
	s23 =	simm.s32 $0x1  }
0x8: {  	s24 =	simm.s32 $0x2;
	s25 =	simm.s32 $0x18F00;
	s6 =	smul.u32 $0x1400, s1  }
0x9: {  	s26 =	simm.s32 $0x18F80;
	s28 =	simm.s32 $0x0;
	s14 =	smul.u32 $0xA000, s1  }
0xa: {  	s12 =	sand.u32 $0x1, s0;
	s0 =	rddreg [dreg:$0x5];
	s9 =	smul.u32 $0xA00, s1  }
0xb: {  	[smem:$0x7FF] =	sst s4;
	s31 =	sshll.u32 s1, $0x6;
	s17 =	smul.u32 $0x5000, s1  }
0xc: {  	s5 =	smul.u32 $0x14000, s12;
	_ =	strace $0x8000004D;
	s30 =	ssub.s32 $0x2, s12  }
0xd: {  	p0 =	seq.s32 s12, $0x1;
	s8 =	sshrl.u32 s30, $0x1;
	s16 =	sadd.s32 s14, s2  }
0xe: {  	s18 =	sadd.s32 s14, s3;
	s17 =	sshrl.u32 s17, $0x3;
	s19 =	simm.s32 @!p0 $0x71800  }
0xf: {  	s14 =	sshrl.u32 s14, $0x3;
	s5 =	sadd.s32 s6, s5;
	s15 =	ssub.s32 s30, s8  }
0x10: {  	s6 =	sor.u32 $0x1C03, s31;
	s8 =	sadd.s32 s10, s9;
	s9 =	sadd.s32 s11, s9  }
0x11: {  	s17 =	sadd.s32 $0x500, s17;
	s7 =	sadd.s32 s5, s13;
	s5 =	sadd.s32 $0x3000, s13  }
0x12: {  	s10 =	sadd.s32 s10, s17;
	s11 =	sadd.s32 s11, s17;
	s12 =	smax.u32 s15, $0x1  }
0x13: {  	s13 =	sadd.s32 s19, s13;
	s15 =	simm.s32 $0x3;
	s17 =	simm.s32 $0x14000  }
0x14: {  	s19 =	simm.s32 $0x80;
	s7 =	sadd.s32 $0xAD800, s7;
	s13 =	sadd.s32 s13, s14  }
0x15: {  	s14 =	sshrl.u32 s16, $0x3;
	s16 =	sshrl.u32 s18, $0x3;
	s18 =	simm.s32 $0x16800  }
.LBB2_1:
0x16: {  	[spmem:s14], [sflag:s6] =	dma.local [hbm:s5], $0x1400  }
0x17: {  	_ =	swait.ge [sflag:s15], $0x1400  }
0x18: {  	[sflag:s15] =	ssyncset.done $0x0  }
0x19: {  	[sflag:s15] =	ssyncadd.s32 $0xFFFFEC00  }
0x1a: {  	[spmem:s16], [sflag:s6] =	dma.local [hbm:s7], $0x1400  }
0x1b: {  	_ =	swait.ge [sflag:s15], $0x1400  }
0x1c: {  	[sflag:s15] =	ssyncset.done $0x0  }
0x1d: {  	[sflag:s15] =	ssyncadd.s32 $0xFFFFEC00  }
0x1e: {  	[bflag:$0x0] =	sbarrier.arrive $0xFFFF  }
0x1f: {  	[tilespmem:s17], [sflag:$0x3] =	stream.linear.gather [hbm4b:s8+s4], $0x2800, $0x38;
	[tilespmem:$0x1D000] =	vst v63  }
0x20: {  	_ =	swait.ge [sflag:s15], $0x2800  }
0x21: {  	[sflag:s15] =	ssyncset.done $0x0  }
0x22: {  	[sflag:s15] =	ssyncadd.s32 $0xFFFFD800  }
0x23: {  	[tilespmem:s18], [sflag:$0x3] =	stream.linear.gather [hbm4b:s9+s4], $0x2800, $0x38;
	[tilespmem:$0x1D000] =	vst v63  }
0x24: {  	_ =	swait.ge [sflag:s15], $0x2800  }
0x25: {  	[sflag:s15] =	ssyncset.done $0x0  }
0x26: {  	[sflag:s15] =	ssyncadd.s32 $0xFFFFD800  }
0x27: {  	[tilespmem:s20], [sflag:$0x1] =	stream.indirect.gather [spmem:s3], $0x40, s17, s19, $0xb8;
	[tilespmem:$0x1D000] =	vst v63  }
0x28: {  	_ = 	snop  }
0x29: {  	[tilespmem:s22], [sflag:$0x2] =	stream.indirect.gather [spmem:s3], $0x40, s21, s19, $0xb8;
	[tilespmem:$0x1D000] =	vst v63  }
0x2a: {  	_ =	swait.ge [sflag:s23], $0x2000  }
0x2b: {  	[sflag:s23] =	ssyncset.done $0x0  }
0x2c: {  	s29 =	simm.s32 $0x16800;
	[sflag:s23] =	ssyncadd.s32 $0xFFFFE000  }
0x2d: {  	[spmem:s2] =	stream.indirect.scatter.add.f32 [tilespmem:s20], [sflag:$0x3], $0x40, s29, s19, $0xb8;
	[tilespmem:$0x1D000] =	vst v63  }
0x2e: {  	_ =	swait.ge [sflag:s15], $0x2000  }
0x2f: {  	[sflag:s15] =	ssyncset.done $0x0  }
0x30: {  	s29 =	simm.s32 $0x14100;
	[sflag:s15] =	ssyncadd.s32 $0xFFFFE000  }
0x31: {  	[tilespmem:s20], [sflag:$0x1] =	stream.indirect.gather [spmem:s3], $0x40, s29, s19, $0xb8;
	[tilespmem:$0x1D000] =	vst v63  }
0x32: {  	_ =	swait.ge [sflag:s24], $0x2000  }
0x33: {  	[sflag:s24] =	ssyncset.done $0x0  }
0x34: {  	s29 =	simm.s32 $0x16880;
	[sflag:s24] =	ssyncadd.s32 $0xFFFFE000  }
0x35: {  	[spmem:s2] =	stream.indirect.scatter.add.f32 [tilespmem:s22], [sflag:$0x3], $0x40, s29, s19, $0xb8;
	[tilespmem:$0x1D000] =	vst v63  }
0x36: {  	_ =	swait.ge [sflag:s15], $0x2000  }
0x37: {  	[sflag:s15] =	ssyncset.done $0x0  }
0x38: {  	s30 =	simm.s32 $0x14180;
	s29 =	simm.s32 $0x400;
	[sflag:s15] =	ssyncadd.s32 $0xFFFFE000  }
.LBB2_2:
0x39: {  	[tilespmem:s22], [sflag:$0x2] =	stream.indirect.gather [spmem:s3], $0x40, s30, s19, $0xb8;
	[tilespmem:$0x1D000] =	vst v63  }
0x3a: {  	s30 =	smov.u32 s29  }
0x3b: {  	p0 =	sne.s32 s29, $0x9800;
	s29 =	sadd.s32 $0x400, s29;
	_ =	swait.ge [sflag:s23], $0x2000  }
0x3c: {  	s30 =	sshra.s32 s30, $0x2;
	[sflag:s23] =	ssyncset.done $0x0  }
0x3d: {  	s31 =	sadd.s32 $0x16800, s30;
	[sflag:s23] =	ssyncadd.s32 $0xFFFFE000  }
0x3e: {  	[spmem:s2] =	stream.indirect.scatter.add.f32 [tilespmem:s20], [sflag:$0x3], $0x40, s31, s19, $0xb8;
	[tilespmem:$0x1D000] =	vst v63  }
0x3f: {  	_ =	swait.ge [sflag:s15], $0x2000  }
0x40: {  	[sflag:s15] =	ssyncset.done $0x0  }
0x41: {  	s31 =	sadd.s32 $0x14100, s30;
	[sflag:s15] =	ssyncadd.s32 $0xFFFFE000  }
0x42: {  	[tilespmem:s20], [sflag:$0x1] =	stream.indirect.gather [spmem:s3], $0x40, s31, s19, $0xb8;
	[tilespmem:$0x1D000] =	vst v63  }
0x43: {  	_ =	swait.ge [sflag:s24], $0x2000  }
0x44: {  	[sflag:s24] =	ssyncset.done $0x0  }
.Ltmp0:
0x45: {  	s31 =	sadd.s32 $0x16880, s30;
	[sflag:s24] =	ssyncadd.s32 $0xFFFFE000;
	(pc) =	sbr.rel @p0 .LBB2_2-.Ltmp0, $4  }
0x46: {  	[spmem:s2] =	stream.indirect.scatter.add.f32 [tilespmem:s22], [sflag:$0x3], $0x40, s31, s19, $0xb8;
	[tilespmem:$0x1D000] =	vst v63  }
0x47: {  	_ =	swait.ge [sflag:s15], $0x2000  }
0x48: {  	[sflag:s15] =	ssyncset.done $0x0  }
0x49: {  	s30 =	sadd.s32 $0x14180, s30;
	[sflag:s15] =	ssyncadd.s32 $0xFFFFE000  }
0x4a: {  	[tilespmem:s22], [sflag:$0x2] =	stream.indirect.gather [spmem:s3], $0x40, s30, s19, $0xb8;
	[tilespmem:$0x1D000] =	vst v63  }
0x4b: {  	_ =	swait.ge [sflag:s23], $0x2000  }
0x4c: {  	[sflag:s23] =	ssyncset.done $0x0  }
0x4d: {  	[sflag:s23] =	ssyncadd.s32 $0xFFFFE000  }
0x4e: {  	[spmem:s2] =	stream.indirect.scatter.add.f32 [tilespmem:s20], [sflag:$0x3], $0x40, s25, s19, $0xb8;
	[tilespmem:$0x1D000] =	vst v63  }
0x4f: {  	_ =	swait.ge [sflag:s15], $0x2000  }
0x50: {  	[sflag:s15] =	ssyncset.done $0x0  }
0x51: {  	[sflag:s15] =	ssyncadd.s32 $0xFFFFE000  }
0x52: {  	_ =	swait.ge [sflag:s24], $0x2000  }
0x53: {  	[sflag:s24] =	ssyncset.done $0x0  }
0x54: {  	[sflag:s24] =	ssyncadd.s32 $0xFFFFE000  }
0x55: {  	[spmem:s2] =	stream.indirect.scatter.add.f32 [tilespmem:s22], [sflag:$0x3], $0x40, s26, s19, $0xb8;
	[tilespmem:$0x1D000] =	vst v63  }
0x56: {  	_ =	swait.ge [sflag:s15], $0x2000  }
0x57: {  	[sflag:s15] =	ssyncset.done $0x0  }
0x58: {  	s29 =	simm.s32 $0x0;
	[sflag:s15] =	ssyncadd.s32 $0xFFFFE000  }
0x59: {  	[tilespmem:s17], [sflag:$0x3] =	stream.linear.gather [hbm4b:s10+s29], $0x2800, $0x38;
	[tilespmem:$0x1D000] =	vst v63  }
0x5a: {  	_ =	swait.ge [sflag:s15], $0x2800  }
0x5b: {  	[sflag:s15] =	ssyncset.done $0x0  }
0x5c: {  	[sflag:s15] =	ssyncadd.s32 $0xFFFFD800  }
0x5d: {  	[tilespmem:s18], [sflag:$0x3] =	stream.linear.gather [hbm4b:s11+s29], $0x2800, $0x38;
	[tilespmem:$0x1D000] =	vst v63  }
0x5e: {  	_ =	swait.ge [sflag:s15], $0x2800  }
0x5f: {  	[sflag:s15] =	ssyncset.done $0x0  }
0x60: {  	[sflag:s15] =	ssyncadd.s32 $0xFFFFD800  }
0x61: {  	[tilespmem:s20], [sflag:$0x1] =	stream.indirect.gather [spmem:s3], $0x40, s17, s19, $0xb8;
	[tilespmem:$0x1D000] =	vst v63  }
0x62: {  	_ = 	snop  }
0x63: {  	[tilespmem:s22], [sflag:$0x2] =	stream.indirect.gather [spmem:s3], $0x40, s21, s19, $0xb8;
	[tilespmem:$0x1D000] =	vst v63  }
0x64: {  	_ =	swait.ge [sflag:s23], $0x2000  }
0x65: {  	[sflag:s23] =	ssyncset.done $0x0  }
0x66: {  	s29 =	simm.s32 $0x16800;
	[sflag:s23] =	ssyncadd.s32 $0xFFFFE000  }
0x67: {  	[spmem:s2] =	stream.indirect.scatter.add.f32 [tilespmem:s20], [sflag:$0x3], $0x40, s29, s19, $0xb8;
	[tilespmem:$0x1D000] =	vst v63  }
0x68: {  	_ =	swait.ge [sflag:s15], $0x2000  }
0x69: {  	[sflag:s15] =	ssyncset.done $0x0  }
0x6a: {  	s29 =	simm.s32 $0x14100;
	[sflag:s15] =	ssyncadd.s32 $0xFFFFE000  }
0x6b: {  	[tilespmem:s20], [sflag:$0x1] =	stream.indirect.gather [spmem:s3], $0x40, s29, s19, $0xb8;
	[tilespmem:$0x1D000] =	vst v63  }
0x6c: {  	_ =	swait.ge [sflag:s24], $0x2000  }
0x6d: {  	[sflag:s24] =	ssyncset.done $0x0  }
0x6e: {  	s29 =	simm.s32 $0x16880;
	[sflag:s24] =	ssyncadd.s32 $0xFFFFE000  }
0x6f: {  	[spmem:s2] =	stream.indirect.scatter.add.f32 [tilespmem:s22], [sflag:$0x3], $0x40, s29, s19, $0xb8;
	[tilespmem:$0x1D000] =	vst v63  }
0x70: {  	_ =	swait.ge [sflag:s15], $0x2000  }
0x71: {  	[sflag:s15] =	ssyncset.done $0x0  }
0x72: {  	s30 =	simm.s32 $0x14180;
	s29 =	simm.s32 $0x400;
	[sflag:s15] =	ssyncadd.s32 $0xFFFFE000  }
.LBB2_4:
0x73: {  	[tilespmem:s22], [sflag:$0x2] =	stream.indirect.gather [spmem:s3], $0x40, s30, s19, $0xb8;
	[tilespmem:$0x1D000] =	vst v63  }
0x74: {  	s30 =	smov.u32 s29  }
0x75: {  	p0 =	sne.s32 s29, $0x9800;
	s29 =	sadd.s32 $0x400, s29;
	_ =	swait.ge [sflag:s23], $0x2000  }
0x76: {  	s30 =	sshra.s32 s30, $0x2;
	[sflag:s23] =	ssyncset.done $0x0  }
0x77: {  	s31 =	sadd.s32 $0x16800, s30;
	[sflag:s23] =	ssyncadd.s32 $0xFFFFE000  }
0x78: {  	[spmem:s2] =	stream.indirect.scatter.add.f32 [tilespmem:s20], [sflag:$0x3], $0x40, s31, s19, $0xb8;
	[tilespmem:$0x1D000] =	vst v63  }
0x79: {  	_ =	swait.ge [sflag:s15], $0x2000  }
0x7a: {  	[sflag:s15] =	ssyncset.done $0x0  }
0x7b: {  	s31 =	sadd.s32 $0x14100, s30;
	[sflag:s15] =	ssyncadd.s32 $0xFFFFE000  }
0x7c: {  	[tilespmem:s20], [sflag:$0x1] =	stream.indirect.gather [spmem:s3], $0x40, s31, s19, $0xb8;
	[tilespmem:$0x1D000] =	vst v63  }
0x7d: {  	_ =	swait.ge [sflag:s24], $0x2000  }
0x7e: {  	[sflag:s24] =	ssyncset.done $0x0  }
.Ltmp1:
0x7f: {  	s31 =	sadd.s32 $0x16880, s30;
	[sflag:s24] =	ssyncadd.s32 $0xFFFFE000;
	(pc) =	sbr.rel @p0 .LBB2_4-.Ltmp1, $4  }
0x80: {  	[spmem:s2] =	stream.indirect.scatter.add.f32 [tilespmem:s22], [sflag:$0x3], $0x40, s31, s19, $0xb8;
	[tilespmem:$0x1D000] =	vst v63  }
0x81: {  	_ =	swait.ge [sflag:s15], $0x2000  }
0x82: {  	[sflag:s15] =	ssyncset.done $0x0  }
0x83: {  	s30 =	sadd.s32 $0x14180, s30;
	[sflag:s15] =	ssyncadd.s32 $0xFFFFE000  }
0x84: {  	[tilespmem:s22], [sflag:$0x2] =	stream.indirect.gather [spmem:s3], $0x40, s30, s19, $0xb8;
	[tilespmem:$0x1D000] =	vst v63  }
0x85: {  	_ =	swait.ge [sflag:s23], $0x2000  }
0x86: {  	[sflag:s23] =	ssyncset.done $0x0  }
0x87: {  	[sflag:s23] =	ssyncadd.s32 $0xFFFFE000  }
0x88: {  	[spmem:s2] =	stream.indirect.scatter.add.f32 [tilespmem:s20], [sflag:$0x3], $0x40, s25, s19, $0xb8;
	[tilespmem:$0x1D000] =	vst v63  }
0x89: {  	_ =	swait.ge [sflag:s15], $0x2000  }
0x8a: {  	[sflag:s15] =	ssyncset.done $0x0  }
0x8b: {  	[sflag:s15] =	ssyncadd.s32 $0xFFFFE000  }
0x8c: {  	_ =	swait.ge [sflag:s24], $0x2000  }
0x8d: {  	[sflag:s24] =	ssyncset.done $0x0  }
0x8e: {  	[sflag:s24] =	ssyncadd.s32 $0xFFFFE000  }
0x8f: {  	[spmem:s2] =	stream.indirect.scatter.add.f32 [tilespmem:s22], [sflag:$0x3], $0x40, s26, s19, $0xb8;
	[tilespmem:$0x1D000] =	vst v63  }
0x90: {  	_ =	swait.ge [sflag:s15], $0x2000  }
0x91: {  	s28 =	sadd.s32 $0x1, s28;
	[sflag:s15] =	ssyncset.done $0x0  }
0x92: {  	p0 =	sne.s32 s28, s12;
	[sflag:s15] =	ssyncadd.s32 $0xFFFFE000  }
.Ltmp2:
0x93: {  	[bflag:$0x0] =	sbarrier.arrive $0xFFFF;
	(pc) =	sbr.rel @p0 .LBB2_1-.Ltmp2, $4  }
0x94: {  	[hbm:s13], [sflag:s6] =	dma.local [spmem:s14], $0x1400  }
0x95: {  	_ =	swait.ge [sflag:s15], $0x1400  }
0x96: {  	[sflag:s15] =	ssyncset.done $0x0  }
0x97: {  	[sflag:s15] =	ssyncadd.s32 $0xFFFFEC00  }
0x98: {  	_ =	sfence.sel $0x180000  }
0x99: {  	[bflag:$0x0] =	sbarrier.arrive $0xFFFF  }
0x9a: {  	p0 =	sne.s32 s1, $0x0;
	_ =	strace $0x9000004D  }
0x9b: {  	s0 =	sadd.s32 @!p0 $0x100000, s0;
	[bflag:$0x2] =	sbarrier.arrive $0xFFFF  }
0x9c: {  	[sflag:s0] =	ssyncadd.tile.s32 @!p0 $0x1;
	_ =	shalt  }
.Lfunc_end2:
_tile_overlayer_lowered:
.L_overlay_start_2:
0x9d: {  	(tag) =	ssettag $0x2  }
0x9e: {  	s0 =	rddreg [dreg:$0x0];
	s2 =	stileid.u32  }
0x9f: {  	s1 =	rddreg [dreg:$0x1];
	p0 =	sne.s32 s2, $0x0  }
0xa0: {  	s3 =	rddreg [dreg:$0x2];
	[bflag:$0x3] =	sbarrier.arrive $0xFFFF;
	s2 =	simm.s32 @!p0 $0x1C03  }
0xa1: {  	[timem:s3], [sflag:s2] =	dma.local @!p0 [hbm:s0], s1  }
0xa2: {  	s0 =	simm.s32 @!p0 $0x3  }
0xa3: {  	_ =	swait.ge @!p0 [sflag:s0], s1  }
0xa4: {  	s1 =	ssub.s32 @!p0 $0x0, s1;
	[sflag:s0] =	ssyncset.done @!p0 $0x0  }
0xa5: {  	[sflag:s0] =	ssyncadd.s32 @!p0 s1  }
0xa6: {  	[bflag:$0x3] =	sbarrier.arrive $0xFFFF  }
0xa7: {  	_ =	shalt  }

// kernel: kernel.8.cloned.1.call-start
scs
__scs_entry_jumppad:
0x0: {  	(pc) =	sbr.rel $0x88, $3  }
0x1: {  	(tag) =	ssettag $0x0;
	lr =	simm.s32 $0x1  }
0x2: {  	[smem:$0x3F97] =	sst lr;
	_ =	strace $0xD0000000  }
0x3: {  	_ = 	snop  }
0x4: {  	_ = 	snop  }
0x5: {  	_ = 	snop  }
0x6: {  	_ = 	snop  }
0x7: {  	_ = 	snop  }
__scs_overlays_trampoline_lowered:
0x8: {  	[smem:$0x3FA6] =	sst s0  }
0x9: {  	[smem:$0x3FA7] =	sst s1  }
0xa: {  	[smem:$0x3FA8] =	sst s2  }
0xb: {  	[smem:$0x3FA9] =	sst s3  }
0xc: {  	[smem:$0x3FAA] =	sst s4  }
0xd: {  	[smem:$0x3FAB] =	sst s5  }
0xe: {  	[smem:$0x3FAC] =	sst s6  }
0xf: {  	[smem:$0x3FAD] =	sst s7  }
0x10: {  	[smem:$0x3FAE] =	sst s8  }
0x11: {  	[smem:$0x3FAF] =	sst s9;
	s0 =	simm.s32 @!p0 $0x0  }
0x12: {  	s1 =	sld [smem:$0x3F95];
	s0 =	simm.s32 @p0 $0x1  }
0x13: {  	[smem:$0x3FB0] =	sst s0;
	s0 =	simm.s32 @!p1 $0x0  }
0x14: {  	s2 =	sld [smem:$0x3F94];
	s0 =	simm.s32 @p1 $0x1  }
0x15: {  	[smem:$0x3FB1] =	sst s0;
	s0 =	simm.s32 @!p2 $0x0  }
0x16: {  	s3 =	sld [smem:$0x3FDB];
	s0 =	simm.s32 @p2 $0x1  }
0x17: {  	s4 =	simm.s32 $0x1BF5;
	[smem:$0x3FB3] =	sst s0  }
0x18: {  	s0 =	sld [smem:$0x3F96];
	_ =	swait.ge [sflag:s4], $0x0  }
0x19: {  	s7 =	sld [smem:$0x3F97]  }
0x1a: {  	s8 =	sadd.s32 $0xFFFFE003, lr  }
0x1b: {  	s9 =	sadd.s32 $0xFFFFFEF7, lr;
	s5 =	simm.s32 $0xFFFFFFFF;
	p2 =	slt.u32 s8, $0xFFFFF086  }
0x1c: {  	p1 =	slt.u32 s9, $0xF7A;
	s5 =	simm.s32 @!p2 $0x0  }
0x1d: {  	s5 =	simm.s32 @p1 $0x1;
	p0 =	seq.s32 s7, s2  }
0x1e: {  	s7 =	smul.u32 @!p0 $0xF7A, s2;
	p2 =	seq.s32 @!p0 s5, $0x0  }
0x1f: {  	s9 =	smul.u32 $0xF7A, s1;
	s8 =	simm.s32 @!p0 $0x1BF5;
	p2 =	por !p2, p0  }
0x20: {  	[sflag:s8] =	ssyncset.s32 @!p0 $0xFFFFF086;
	s6 =	sadd.s32 @!p0 s3, s7;
	s7 =	simm.s32 @!p0 $0x108  }
0x21: {  	s3 =	sadd.s32 s3, s9;
	s6 =	sadd.s32 @!p0 $0x88, s6;
	s7 =	simm.s32 @p2 $0x1082  }
0x22: {  	[simem:s7], [sflag:s8] =	dma.local @!p0 [hbm:s6], $0xF7A  }
0x23: {  	s9 =	sor.u32 $0xD0000000, s2;
	s6 =	simm.s32 $0x108;
	_ =	swait.ge @!p0 [sflag:s8], $0x0  }
0x24: {  	s3 =	sadd.s32 $0x88, s3;
	s6 =	simm.s32 @!p1 $0x1082;
	[sflag:s4] =	ssyncset.s32 $0xFFFFF086  }
0x25: {  	[simem:s6], [sflag:s4] =	dma.local [hbm:s3], $0xF7A  }
0x26: {  	[smem:$0x3F97] =	sst s1;
	(tag) =	ssettag s2;
	_ =	strace s9  }
0x27: {  	s1 =	sld [smem:$0x3FA7]  }
0x28: {  	s2 =	sld [smem:$0x3FA8]  }
0x29: {  	s4 =	sld [smem:$0x3FAA]  }
0x2a: {  	p0 =	seq.s32 s5, $0x0;
	s5 =	sld [smem:$0x3FAB]  }
0x2b: {  	s6 =	sld [smem:$0x3FAC]  }
0x2c: {  	s7 =	sld [smem:$0x3FAD]  }
0x2d: {  	s3 =	simm.s32 $0x108;
	s8 =	sld [smem:$0x3FAE]  }
0x2e: {  	s3 =	simm.s32 @!p0 $0x1082;
	s9 =	sld [smem:$0x3FAF]  }
0x2f: {  	lr =	sadd.s32 s0, s3;
	s0 =	sld [smem:$0x3FA6]  }
0x30: {  	s3 =	sld [smem:$0x3FA9]  }
0x31: {  	[smem:$0x3FB2] =	sst s10  }
0x32: {  	s10 =	sld [smem:$0x3FB0];
	_ =	sdelay $0x3  }
0x33: {  	p0 =	seq.s32 s10, $0x1;
	s10 =	sld [smem:$0x3FB2];
	_ =	sdelay $0x3  }
0x34: {  	[smem:$0x3FB2] =	sst s10  }
0x35: {  	s10 =	sld [smem:$0x3FB1];
	_ =	sdelay $0x3  }
0x36: {  	p1 =	seq.s32 s10, $0x1;
	s10 =	sld [smem:$0x3FB2];
	_ =	sdelay $0x3  }
0x37: {  	[smem:$0x3FB2] =	sst s10  }
0x38: {  	s10 =	sld [smem:$0x3FB3]  }
0x39: {  	_ = 	snop;
	(pc) =	sbr.ind lr, $3  }
0x3a: {  	_ = 	snop  }
0x3b: {  	_ = 	snop  }
0x3c: {  	p2 =	seq.s32 s10, $0x1;
	s10 =	sld [smem:$0x3FB2]  }
0x3d: {  	_ =	shalt  }
0x3e: {  	_ =	shalt  }
0x3f: {  	_ =	shalt  }
0x40: {  	_ =	shalt  }
0x41: {  	_ =	shalt  }
0x42: {  	_ =	shalt  }
0x43: {  	_ =	shalt  }
0x44: {  	_ =	shalt  }
0x45: {  	_ =	shalt  }
0x46: {  	_ =	shalt  }
0x47: {  	_ =	shalt  }
0x48: {  	_ =	shalt  }
0x49: {  	_ =	shalt  }
0x4a: {  	_ =	shalt  }
0x4b: {  	_ =	shalt  }
0x4c: {  	_ =	shalt  }
0x4d: {  	_ =	shalt  }
0x4e: {  	_ =	shalt  }
0x4f: {  	_ =	shalt  }
0x50: {  	_ =	shalt  }
0x51: {  	_ =	shalt  }
0x52: {  	_ =	shalt  }
0x53: {  	_ =	shalt  }
0x54: {  	_ =	shalt  }
0x55: {  	_ =	shalt  }
0x56: {  	_ =	shalt  }
0x57: {  	_ =	shalt  }
0x58: {  	_ =	shalt  }
0x59: {  	_ =	shalt  }
0x5a: {  	_ =	shalt  }
0x5b: {  	_ =	shalt  }
0x5c: {  	_ =	shalt  }
0x5d: {  	_ =	shalt  }
0x5e: {  	_ =	shalt  }
0x5f: {  	_ =	shalt  }
0x60: {  	_ =	shalt  }
0x61: {  	_ =	shalt  }
0x62: {  	_ =	shalt  }
0x63: {  	_ =	shalt  }
0x64: {  	_ =	shalt  }
0x65: {  	_ =	shalt  }
0x66: {  	_ =	shalt  }
0x67: {  	_ =	shalt  }
0x68: {  	_ =	shalt  }
0x69: {  	_ =	shalt  }
0x6a: {  	_ =	shalt  }
0x6b: {  	_ =	shalt  }
0x6c: {  	_ =	shalt  }
0x6d: {  	_ =	shalt  }
0x6e: {  	_ =	shalt  }
0x6f: {  	_ =	shalt  }
0x70: {  	_ =	shalt  }
0x71: {  	_ =	shalt  }
0x72: {  	_ =	shalt  }
0x73: {  	_ =	shalt  }
0x74: {  	_ =	shalt  }
0x75: {  	_ =	shalt  }
0x76: {  	_ =	shalt  }
0x77: {  	_ =	shalt  }
0x78: {  	_ =	shalt  }
0x79: {  	_ =	shalt  }
0x7a: {  	_ =	shalt  }
0x7b: {  	_ =	shalt  }
0x7c: {  	_ =	shalt  }
0x7d: {  	_ =	shalt  }
0x7e: {  	_ =	shalt  }
0x7f: {  	_ =	shalt  }
0x80: {  	_ =	shalt  }
0x81: {  	_ =	shalt  }
0x82: {  	_ =	shalt  }
0x83: {  	_ =	shalt  }
0x84: {  	_ =	shalt  }
0x85: {  	_ =	shalt  }
0x86: {  	_ =	shalt  }
0x87: {  	_ =	shalt  }
.Lfunc_end0:
.L_simem_size_0:
called_computation_lowered:
.L_overlay_start_0:
0x88: {  	s2 =	sld [smem:$0x3FD9]  }
0x89: {  	s3 =	sld [smem:$0x3FFE];
	_ =	sdelay $0x1  }
0x8a: {  	s1 =	srdreg.scid  }
0x8b: {  	s0 =	sand.u32 $0x1, s1  }
0x8c: {  	s14 =	sshll.u32 s0, $0xA;
	s2 =	sadd.s32 s3, s2  }
0x8d: {  	s2 =	sadd.s32 s2, s14  }
0x8e: {  	[smem:$0x3FBE] =	sst s2  }
0x8f: {  	_ = 	snop  }
0x90: {  	s2 =	sld [smem:$0x3FD0];
	_ =	sdelay $0x2  }
0x91: {  	s15 =	simm.s32 $0xA;
	s4 =	simm.s32 $0x10  }
0x92: {  	[smem:s4], [sflag:s15] =	dma.local [hbm:s2], $0x1  }
0x93: {  	_ =	swait.eq [sflag:s15], $0x1  }
0x94: {  	[sflag:s15] =	ssyncset.done $0x0  }
0x95: {  	[sflag:s15] =	ssyncadd.s32 $0xFFFFFFFF  }
0x96: {  	s16 =	sld [smem:$0x10];
	(tm) =	ssettm $0x1  }
0x97: {  	s17 =	sld [smem:$0x3FFB];
	_ =	sdelay $0x3  }
0x98: {  	_ =	strace s17  }
0x99: {  	s3 =	sld [smem:$0x3FFC];
	_ =	sdelay $0x3  }
0x9a: {  	_ =	strace s3  }
0x9b: {  	s3 =	sld [smem:$0x3FFD];
	_ =	sdelay $0x3  }
0x9c: {  	_ =	strace s3  }
0x9d: {  	_ =	strace $0x8FFFFFFF  }
0x9e: {  	s18 =	sld [smem:$0x3FDB];
	_ =	sdelay $0x1  }
0x9f: {  	s19 =	simm.s32 $_scs_section_size  }
0xa0: {  	s5 =	simm.s32 $_size__tile_overlayer_lowered;
	s6 =	simm.s32 $_tile_overlayer_lowered  }
0xa1: {  	s22 =	simm.s32 $0x1BFF;
	s21 =	sshll.u32 s6, $0x1;
	s3 =	sadd.s32 s19, s18  }
0xa2: {  	s7 =	simm.s32 $0x0;
	s20 =	sshll.u32 s5, $0x1;
	s5 =	sadd.s32 s21, s3  }
0xa3: {  	[timem:s7], [sflag:s22] =	dma.local [hbm:s5], s20  }
0xa4: {  	_ =	swait.ge [sflag:s22], s20  }
0xa5: {  	s4 =	ssub.s32 $0x0, s20;
	[sflag:s22] =	ssyncset.done $0x0  }
0xa6: {  	[sflag:s22] =	ssyncadd.s32 s4;
	_ =	sdelay $0x1  }
0xa7: {  	s23 =	simm.s32 $0x1B8B  }
0xa8: {  	_ =	swait.ge [sflag:s23], $0x1  }
0xa9: {  	[sflag:s23] =	ssyncset.done $0x0  }
0xaa: {  	s25 =	simm.s32 $0x1B8E;
	s24 =	sld [smem:$0x3FFE];
	[sflag:s23] =	ssyncadd.s32 $0xFFFFFFFF  }
0xab: {  	s26 =	simm.s32 $execute0_lowered;
	[smem:$0x3FD2] =	sst s25  }
0xac: {  	s5 =	sshll.u32 s26, $0x1;
	_ =	strace $0x80000046;
	[dreg:$0x1] =	wrdreg $0xFFFFFFFF  }
0xad: {  	s28 =	simm.s32 $_size_execute0_lowered;
	s3 =	sadd.s32 s3, s5;
	[dreg:$0x0] =	wrdreg $0x0  }
0xae: {  	s5 =	sshll.u32 s28, $0x1;
	[dreg:$0x2] =	wrdreg s3  }
0xaf: {  	[dreg:$0x3] =	wrdreg s5  }
0xb0: {  	[dreg:$0x4] =	wrdreg $0xC0  }
0xb1: {  	_ =	task [dreg:s7], $0x5FFFF  }
0xb2: {  	[dreg:$0x1] =	wrdreg $0xFFFFFFFF  }
0xb3: {  	[dreg:$0x0] =	wrdreg $0x60  }
0xb4: {  	[dreg:$0x2] =	wrdreg s16  }
0xb5: {  	[dreg:$0x3] =	wrdreg s24  }
0xb6: {  	[dreg:$0x4] =	wrdreg $0x0  }
0xb7: {  	[dreg:$0x5] =	wrdreg $0x9  }
0xb8: {  	_ =	task.clear_ibuf [dreg:s7], $0x6FFFF;
	_ =	strace $0x90000046  }
0xb9: {  	s29 =	simm.s32 $0x9;
	_ =	strace $0x80000048  }
0xba: {  	_ =	swait.ge [sflag:s29], $0x1  }
0xbb: {  	[sflag:s29] =	ssyncadd.s32 $0xFFFFFFFF  }
0xbc: {  	_ =	strace $0x90000048  }
0xbd: {  	_ =	sfence  }
0xbe: {  	s30 =	sld [smem:$0x0];
	_ =	sdelay $0x2  }
0xbf: {  	s31 =	sshll.u32 s1, $0xD;
	s1 =	sshrl.u32 s1, $0x2  }
0xc0: {  	s3 =	sand.u32 $0x4000, s31;
	s1 =	sadd.s32 s1, s30  }
0xc1: {  	s0 =	sor.u32 s3, s0;
	s1 =	sshll.u32 s1, $0x11  }
0xc2: {  	s0 =	sor.u32 s1, s0  }
0xc3: {  	s0 =	sadd.s32 $0x8F2B, s0  }
0xc4: {  	[sflag:s0] =	ssyncadd.remote.s32 $0x1  }
0xc5: {  	_ =	sfence.sel $0xFFFF  }
0xc6: {  	[dreg:$0x0] =	wrdreg $0xFFFFFFFF;
	(pc) =	sbr.abs _section_cstart, $3  }
0xc7: {  	[dreg:$0x1] =	wrdreg $0xFFFFFFFF  }
0xc8: {  	_ =	task.clear_ibuf [dreg:s7], $0x2FFFF;
	_ =	strace $0x9FFFFFFF  }
0xc9: {  	(tm) =	ssettm $0x7FFFFFFF  }
tec
execute0_lowered:
.L_overlay_start_1:
0x0: {  	(tag) =	ssettag $0x1  }
0x1: {  	s7 =	rddreg [dreg:$0x0]  }
0x2: {  	s6 =	rddreg [dreg:$0x1]  }
0x3: {  	s2 =	rddreg [dreg:$0x2]  }
0x4: {  	s0 =	rddreg [dreg:$0x3]  }
0x5: {  	s4 =	srdreg.scid;
	s1 =	stileid.u32;
	s3 =	simm.s32 $0x0  }
0x6: {  	s13 =	simm.s32 $0x3000;
	s14 =	simm.s32 $0x80;
	s15 =	simm.s32 $0x1  }
0x7: {  	s16 =	simm.s32 $0x0;
	s8 =	sand.u32 $0x1, s4;
	s9 =	smul.u32 $0x500, s1  }
0x8: {  	[smem:$0x7FF] =	sst s3;
	s4 =	sadd.s32 $0x3000, s6;
	s5 =	sadd.s32 $0x3200, s6  }
0x9: {  	s26 =	sshll.u32 s1, $0x1;
	s12 =	smul.u32 $0xA000, s1;
	s31 =	sshll.u32 s1, $0x6  }
0xa: {  	s10 =	smul.u32 $0x5000, s8;
	s11 =	ssub.s32 $0x2, s8;
	s8 =	sor.u32 s8, s26  }
0xb: {  	_ =	strace $0x80000047;
	s28 =	sshrl.u32 s11, $0x1;
	s8 =	smul.u32 $0x500, s8  }
0xc: {  	s30 =	sshrl.u32 s12, $0x2;
	s9 =	sadd.s32 s9, s10;
	s29 =	ssub.s32 s11, s28  }
0xd: {  	s12 =	sadd.s32 s30, s2;
	s11 =	simm.s32 $0x2;
	s9 =	sadd.s32 s9, s6  }
0xe: {  	s6 =	sor.u32 $0x1C02, s31;
	s7 =	sadd.s32 s7, s8;
	s10 =	sshrl.u32 s12, $0x3  }
0xf: {  	s12 =	simm.s32 $0x2800;
	s8 =	sadd.s32 $0x3800, s9;
	s9 =	smax.u32 s29, $0x1  }
.LBB2_1:
0x10: {  	[spmem:s10], [sflag:s6] =	dma.local [hbm:s5], $0x500  }
0x11: {  	_ =	swait.ge [sflag:s11], $0x500  }
0x12: {  	[sflag:s11] =	ssyncset.done $0x0  }
0x13: {  	[sflag:s11] =	ssyncadd.s32 $0xFFFFFB00  }
0x14: {  	[tilespmem:s12], [sflag:$0x2] =	stream.linear.gather [hbm4b:s4+s3], $0x800, $0x38;
	[tilespmem:$0x5800] =	vst v63  }
0x15: {  	_ =	swait.ge [sflag:s11], $0x800  }
0x16: {  	[sflag:s11] =	ssyncset.done $0x0  }
0x17: {  	[sflag:s11] =	ssyncadd.s32 $0xFFFFF800  }
0x18: {  	[tilespmem:s13], [sflag:$0x2] =	stream.linear.gather [hbm4b:s7+s3], $0x2800, $0x38;
	[tilespmem:$0x5800] =	vst v63  }
0x19: {  	_ =	swait.ge [sflag:s11], $0x2800  }
0x1a: {  	[sflag:s11] =	ssyncset.done $0x0  }
0x1b: {  	[sflag:s11] =	ssyncadd.s32 $0xFFFFD800  }
0x1c: {  	s17 =	simm.s32 $0x3000;
	[bflag:$0x0] =	sbarrier.arrive $0xFFFF  }
0x1d: {  	[spmem:s2] =	stream.indirect.scatter.add.f32 [tilespmem:s12], [sflag:$0x1], $0x10, s17, s14, $0xb8;
	[tilespmem:$0x5800] =	vst v63  }
0x1e: {  	s24 =	simm.s32 $0x3080  }
0x1f: {  	[spmem:s2] =	stream.indirect.scatter.add.f32 [tilespmem:s12], [sflag:$0x1], $0x10, s24, s14, $0xb8;
	[tilespmem:$0x5800] =	vst v63  }
0x20: {  	s25 =	simm.s32 $0x3100  }
0x21: {  	[spmem:s2] =	stream.indirect.scatter.add.f32 [tilespmem:s12], [sflag:$0x1], $0x10, s25, s14, $0xb8;
	[tilespmem:$0x5800] =	vst v63  }
0x22: {  	s26 =	simm.s32 $0x3180  }
0x23: {  	[spmem:s2] =	stream.indirect.scatter.add.f32 [tilespmem:s12], [sflag:$0x1], $0x10, s26, s14, $0xb8;
	[tilespmem:$0x5800] =	vst v63  }
0x24: {  	s28 =	simm.s32 $0x3200  }
0x25: {  	[spmem:s2] =	stream.indirect.scatter.add.f32 [tilespmem:s12], [sflag:$0x1], $0x10, s28, s14, $0xb8;
	[tilespmem:$0x5800] =	vst v63  }
0x26: {  	s29 =	simm.s32 $0x3280  }
0x27: {  	[spmem:s2] =	stream.indirect.scatter.add.f32 [tilespmem:s12], [sflag:$0x1], $0x10, s29, s14, $0xb8;
	[tilespmem:$0x5800] =	vst v63  }
0x28: {  	s30 =	simm.s32 $0x3300  }
0x29: {  	[spmem:s2] =	stream.indirect.scatter.add.f32 [tilespmem:s12], [sflag:$0x1], $0x10, s30, s14, $0xb8;
	[tilespmem:$0x5800] =	vst v63  }
0x2a: {  	s31 =	simm.s32 $0x3380  }
0x2b: {  	[spmem:s2] =	stream.indirect.scatter.add.f32 [tilespmem:s12], [sflag:$0x1], $0x10, s31, s14, $0xb8;
	[tilespmem:$0x5800] =	vst v63  }
0x2c: {  	_ =	swait.ge [sflag:s15], $0x800  }
0x2d: {  	[sflag:s15] =	ssyncset.done $0x0  }
0x2e: {  	[sflag:s15] =	ssyncadd.s32 $0xFFFFF800  }
0x2f: {  	_ =	swait.ge [sflag:s15], $0x800  }
0x30: {  	[sflag:s15] =	ssyncset.done $0x0  }
0x31: {  	[sflag:s15] =	ssyncadd.s32 $0xFFFFF800  }
0x32: {  	_ =	swait.ge [sflag:s15], $0x800  }
0x33: {  	[sflag:s15] =	ssyncset.done $0x0  }
0x34: {  	[sflag:s15] =	ssyncadd.s32 $0xFFFFF800  }
0x35: {  	_ =	swait.ge [sflag:s15], $0x800  }
0x36: {  	[sflag:s15] =	ssyncset.done $0x0  }
0x37: {  	[sflag:s15] =	ssyncadd.s32 $0xFFFFF800  }
0x38: {  	_ =	swait.ge [sflag:s15], $0x800  }
0x39: {  	[sflag:s15] =	ssyncset.done $0x0  }
0x3a: {  	[sflag:s15] =	ssyncadd.s32 $0xFFFFF800  }
0x3b: {  	_ =	swait.ge [sflag:s15], $0x800  }
0x3c: {  	[sflag:s15] =	ssyncset.done $0x0  }
0x3d: {  	[sflag:s15] =	ssyncadd.s32 $0xFFFFF800  }
0x3e: {  	_ =	swait.ge [sflag:s15], $0x800  }
0x3f: {  	[sflag:s15] =	ssyncset.done $0x0  }
0x40: {  	[sflag:s15] =	ssyncadd.s32 $0xFFFFF800  }
0x41: {  	_ =	swait.ge [sflag:s15], $0x800  }
0x42: {  	s20 =	simm.s32 $0x2000;
	s19 =	simm.s32 $0x400;
	[sflag:s15] =	ssyncset.done $0x0  }
.LBB2_2:
0x43: {  	s21 =	sadd.s32 $0x3000, s19  }
0x44: {  	[sflag:s15] =	ssyncadd.s32 $0xFFFFF800;
	s18 =	smov.u32 s20;
	s17 =	sadd.s32 $0x1000, s20  }
0x45: {  	[spmem:s2] =	stream.indirect.scatter.add.f32 [tilespmem:s12], [sflag:$0x1], $0x10, s21, s14, $0xb8;
	[tilespmem:$0x5800] =	vst v63  }
0x46: {  	p0 =	sne.s32 s20, $0x9000;
	s20 =	sadd.s32 $0x3080, s19  }
0x47: {  	[spmem:s2] =	stream.indirect.scatter.add.f32 [tilespmem:s12], [sflag:$0x1], $0x10, s20, s14, $0xb8;
	[tilespmem:$0x5800] =	vst v63  }
0x48: {  	s20 =	sadd.s32 $0x3100, s19  }
0x49: {  	[spmem:s2] =	stream.indirect.scatter.add.f32 [tilespmem:s12], [sflag:$0x1], $0x10, s20, s14, $0xb8;
	[tilespmem:$0x5800] =	vst v63  }
0x4a: {  	s20 =	sadd.s32 $0x3180, s19  }
0x4b: {  	[spmem:s2] =	stream.indirect.scatter.add.f32 [tilespmem:s12], [sflag:$0x1], $0x10, s20, s14, $0xb8;
	[tilespmem:$0x5800] =	vst v63  }
0x4c: {  	s20 =	sadd.s32 $0x3200, s19  }
0x4d: {  	[spmem:s2] =	stream.indirect.scatter.add.f32 [tilespmem:s12], [sflag:$0x1], $0x10, s20, s14, $0xb8;
	[tilespmem:$0x5800] =	vst v63  }
0x4e: {  	s20 =	sadd.s32 $0x3280, s19  }
0x4f: {  	[spmem:s2] =	stream.indirect.scatter.add.f32 [tilespmem:s12], [sflag:$0x1], $0x10, s20, s14, $0xb8;
	[tilespmem:$0x5800] =	vst v63  }
0x50: {  	s20 =	sadd.s32 $0x3300, s19  }
0x51: {  	[spmem:s2] =	stream.indirect.scatter.add.f32 [tilespmem:s12], [sflag:$0x1], $0x10, s20, s14, $0xb8;
	[tilespmem:$0x5800] =	vst v63  }
0x52: {  	s19 =	sadd.s32 $0x3380, s19  }
0x53: {  	[spmem:s2] =	stream.indirect.scatter.add.f32 [tilespmem:s12], [sflag:$0x1], $0x10, s19, s14, $0xb8;
	[tilespmem:$0x5800] =	vst v63  }
0x54: {  	_ =	swait.ge [sflag:s15], $0x800  }
0x55: {  	[sflag:s15] =	ssyncset.done $0x0  }
0x56: {  	[sflag:s15] =	ssyncadd.s32 $0xFFFFF800  }
0x57: {  	_ =	swait.ge [sflag:s15], $0x800  }
0x58: {  	[sflag:s15] =	ssyncset.done $0x0  }
0x59: {  	[sflag:s15] =	ssyncadd.s32 $0xFFFFF800  }
0x5a: {  	_ =	swait.ge [sflag:s15], $0x800  }
0x5b: {  	[sflag:s15] =	ssyncset.done $0x0  }
0x5c: {  	[sflag:s15] =	ssyncadd.s32 $0xFFFFF800  }
0x5d: {  	_ =	swait.ge [sflag:s15], $0x800  }
0x5e: {  	[sflag:s15] =	ssyncset.done $0x0  }
0x5f: {  	[sflag:s15] =	ssyncadd.s32 $0xFFFFF800  }
0x60: {  	_ =	swait.ge [sflag:s15], $0x800  }
0x61: {  	[sflag:s15] =	ssyncset.done $0x0  }
0x62: {  	[sflag:s15] =	ssyncadd.s32 $0xFFFFF800  }
0x63: {  	_ =	swait.ge [sflag:s15], $0x800  }
0x64: {  	[sflag:s15] =	ssyncset.done $0x0  }
0x65: {  	[sflag:s15] =	ssyncadd.s32 $0xFFFFF800  }
.Ltmp0:
0x66: {  	_ =	swait.ge [sflag:s15], $0x800;
	(pc) =	sbr.rel @p0 .LBB2_2-.Ltmp0, $4  }
0x67: {  	[sflag:s15] =	ssyncset.done $0x0  }
0x68: {  	[sflag:s15] =	ssyncadd.s32 $0xFFFFF800  }
0x69: {  	_ =	swait.ge [sflag:s15], $0x800  }
0x6a: {  	s20 =	smov.u32 s17;
	s19 =	sshra.s32 s18, $0x2;
	[sflag:s15] =	ssyncset.done $0x0  }
0x6b: {  	s17 =	sadd.s32 $0x3000, s19;
	[sflag:s15] =	ssyncadd.s32 $0xFFFFF800  }
0x6c: {  	[spmem:s2] =	stream.indirect.scatter.add.f32 [tilespmem:s12], [sflag:$0x1], $0x10, s17, s14, $0xb8;
	[tilespmem:$0x5800] =	vst v63  }
0x6d: {  	s24 =	sadd.s32 $0x3080, s19  }
0x6e: {  	[spmem:s2] =	stream.indirect.scatter.add.f32 [tilespmem:s12], [sflag:$0x1], $0x10, s24, s14, $0xb8;
	[tilespmem:$0x5800] =	vst v63  }
0x6f: {  	s25 =	sadd.s32 $0x3100, s19  }
0x70: {  	[spmem:s2] =	stream.indirect.scatter.add.f32 [tilespmem:s12], [sflag:$0x1], $0x10, s25, s14, $0xb8;
	[tilespmem:$0x5800] =	vst v63  }
0x71: {  	s26 =	sadd.s32 $0x3180, s19  }
0x72: {  	[spmem:s2] =	stream.indirect.scatter.add.f32 [tilespmem:s12], [sflag:$0x1], $0x10, s26, s14, $0xb8;
	[tilespmem:$0x5800] =	vst v63  }
0x73: {  	s28 =	sadd.s32 $0x3200, s19  }
0x74: {  	[spmem:s2] =	stream.indirect.scatter.add.f32 [tilespmem:s12], [sflag:$0x1], $0x10, s28, s14, $0xb8;
	[tilespmem:$0x5800] =	vst v63  }
0x75: {  	s29 =	sadd.s32 $0x3280, s19  }
0x76: {  	[spmem:s2] =	stream.indirect.scatter.add.f32 [tilespmem:s12], [sflag:$0x1], $0x10, s29, s14, $0xb8;
	[tilespmem:$0x5800] =	vst v63  }
0x77: {  	s30 =	sadd.s32 $0x3300, s19  }
0x78: {  	[spmem:s2] =	stream.indirect.scatter.add.f32 [tilespmem:s12], [sflag:$0x1], $0x10, s30, s14, $0xb8;
	[tilespmem:$0x5800] =	vst v63  }
0x79: {  	s31 =	sadd.s32 $0x3380, s19  }
0x7a: {  	[spmem:s2] =	stream.indirect.scatter.add.f32 [tilespmem:s12], [sflag:$0x1], $0x10, s31, s14, $0xb8;
	[tilespmem:$0x5800] =	vst v63  }
0x7b: {  	_ =	swait.ge [sflag:s15], $0x800  }
0x7c: {  	[sflag:s15] =	ssyncset.done $0x0  }
0x7d: {  	[sflag:s15] =	ssyncadd.s32 $0xFFFFF800  }
0x7e: {  	_ =	swait.ge [sflag:s15], $0x800  }
0x7f: {  	[sflag:s15] =	ssyncset.done $0x0  }
0x80: {  	[sflag:s15] =	ssyncadd.s32 $0xFFFFF800  }
0x81: {  	_ =	swait.ge [sflag:s15], $0x800  }
0x82: {  	[sflag:s15] =	ssyncset.done $0x0  }
0x83: {  	[sflag:s15] =	ssyncadd.s32 $0xFFFFF800  }
0x84: {  	_ =	swait.ge [sflag:s15], $0x800  }
0x85: {  	[sflag:s15] =	ssyncset.done $0x0  }
0x86: {  	[sflag:s15] =	ssyncadd.s32 $0xFFFFF800  }
0x87: {  	_ =	swait.ge [sflag:s15], $0x800  }
0x88: {  	[sflag:s15] =	ssyncset.done $0x0  }
0x89: {  	[sflag:s15] =	ssyncadd.s32 $0xFFFFF800  }
0x8a: {  	_ =	swait.ge [sflag:s15], $0x800  }
0x8b: {  	[sflag:s15] =	ssyncset.done $0x0  }
0x8c: {  	[sflag:s15] =	ssyncadd.s32 $0xFFFFF800  }
0x8d: {  	_ =	swait.ge [sflag:s15], $0x800  }
0x8e: {  	[sflag:s15] =	ssyncset.done $0x0  }
0x8f: {  	[sflag:s15] =	ssyncadd.s32 $0xFFFFF800  }
0x90: {  	_ =	swait.ge [sflag:s15], $0x800  }
0x91: {  	s16 =	sadd.s32 $0x1, s16;
	[sflag:s15] =	ssyncset.done $0x0  }
0x92: {  	p0 =	sne.s32 s16, s9;
	[sflag:s15] =	ssyncadd.s32 $0xFFFFF800  }
.Ltmp1:
0x93: {  	[bflag:$0x0] =	sbarrier.arrive $0xFFFF;
	(pc) =	sbr.rel @p0 .LBB2_1-.Ltmp1, $4  }
0x94: {  	[hbm:s8], [sflag:s6] =	dma.local [spmem:s10], $0x500  }
0x95: {  	_ =	swait.ge [sflag:s11], $0x500  }
0x96: {  	[sflag:s11] =	ssyncset.done $0x0  }
0x97: {  	[sflag:s11] =	ssyncadd.s32 $0xFFFFFB00  }
0x98: {  	_ =	sfence.sel $0x180000  }
0x99: {  	[bflag:$0x0] =	sbarrier.arrive $0xFFFF  }
0x9a: {  	p0 =	sne.s32 s1, $0x0;
	_ =	strace $0x90000047  }
0x9b: {  	s0 =	sadd.s32 @!p0 $0x100000, s0;
	[bflag:$0x2] =	sbarrier.arrive $0xFFFF  }
0x9c: {  	[sflag:s0] =	ssyncadd.tile.s32 @!p0 $0x1;
	_ =	shalt  }
.Lfunc_end2:
_tile_overlayer_lowered:
.L_overlay_start_2:
0x9d: {  	(tag) =	ssettag $0x2  }
0x9e: {  	s0 =	rddreg [dreg:$0x0];
	s2 =	stileid.u32  }
0x9f: {  	s1 =	rddreg [dreg:$0x1];
	p0 =	sne.s32 s2, $0x0  }
0xa0: {  	s3 =	rddreg [dreg:$0x2];
	[bflag:$0x3] =	sbarrier.arrive $0xFFFF;
	s2 =	simm.s32 @!p0 $0x1C02  }
0xa1: {  	[timem:s3], [sflag:s2] =	dma.local @!p0 [hbm:s0], s1  }
0xa2: {  	s0 =	simm.s32 @!p0 $0x2  }
0xa3: {  	_ =	swait.ge @!p0 [sflag:s0], s1  }
0xa4: {  	s1 =	ssub.s32 @!p0 $0x0, s1;
	[sflag:s0] =	ssyncset.done @!p0 $0x0  }
0xa5: {  	[sflag:s0] =	ssyncadd.s32 @!p0 s1  }
0xa6: {  	[bflag:$0x3] =	sbarrier.arrive $0xFFFF  }
0xa7: {  	_ =	shalt  }

</sc_bundles>
